<compile_context>
chip_gen: v7x
topology: tpu7x:2x2x1
jax: 0.10.2.dev20260603
libtpu: 0.0.44.dev20260713+nightly
codegen_flags: <defaults>
</compile_context>

<pallas_src>
import functools

import jax
import jax.numpy as jnp
from jax import lax
from jax.experimental import pallas as pl
from jax.experimental.pallas import tpu as pltpu
from jax.experimental.pallas import tpu_sc as plsc

L = 5
EMB = 256
HALF = 128
NUM_TASKS = 128
N = 10000
E = 160000
G = 64

NTILE = 16
EPT = E // NTILE
CHUNK = 80
NCHUNK = EPT // CHUNK
ROWS_PT = 624
REM_ROW = NTILE * ROWS_PT
REP = 32

_TC_PARAMS = pltpu.CompilerParams(vmem_limit_bytes=128 * 1024 * 1024)



def _sc_msg_body(h_hbm, srcs_hbm, codes_hbm, dst_hbm, etab_hbm, zeros_hbm,
                 out_hbm, acc_sh, src_v, code_v, dst_v, e_buf, h_buf,
                 sem1, sem2):
    c = lax.axis_index("c")
    s = lax.axis_index("s")
    row0 = s * ROWS_PT
    pltpu.sync_copy(zeros_hbm.at[pl.ds(row0, ROWS_PT)],
                    acc_sh.at[pl.ds(row0, ROWS_PT)])

    @pl.when(s == NTILE - 1)
    def _():
        pltpu.sync_copy(zeros_hbm.at[pl.ds(REM_ROW, N - REM_ROW)],
                        acc_sh.at[pl.ds(REM_ROW, N - REM_ROW)])

    plsc.subcore_barrier()

    def chunk(k, carry):
        base = s * EPT + k * CHUNK
        pltpu.sync_copy(srcs_hbm.at[pl.ds(c * E + base, CHUNK)], src_v)
        pltpu.sync_copy(codes_hbm.at[pl.ds(c * E + base, CHUNK)], code_v)
        pltpu.sync_copy(dst_hbm.at[pl.ds(base, CHUNK)], dst_v)
        cp1 = pltpu.async_copy(etab_hbm.at[code_v], e_buf, sem1)
        cp2 = pltpu.async_copy(h_hbm.at[src_v], h_buf, sem2)
        cp1.wait()
        cp2.wait()

        def row(i, carry2):
            for g in range(HALF // 16):
                sl = pl.ds(g * 16, 16)
                e_buf[i, sl] = jnp.maximum(e_buf[i, sl] + h_buf[i, sl], 0.0)
            return carry2

        lax.fori_loop(0, CHUNK, row, 0, unroll=False)
        pltpu.sync_copy(e_buf, acc_sh.at[dst_v], add=True)
        return carry

    lax.fori_loop(0, NCHUNK, chunk, 0, unroll=False)
    plsc.subcore_barrier()
    pltpu.sync_copy(acc_sh.at[pl.ds(row0, ROWS_PT)],
                    out_hbm.at[pl.ds(c * N + row0, ROWS_PT)])

    @pl.when(s == NTILE - 1)
    def _():
        pltpu.sync_copy(acc_sh.at[pl.ds(REM_ROW, N - REM_ROW)],
                        out_hbm.at[pl.ds(c * N + REM_ROW, N - REM_ROW)])


_sc_msg = pl.kernel(
    _sc_msg_body,
    out_type=jax.ShapeDtypeStruct((2 * N, HALF), jnp.float32),
    mesh=plsc.VectorSubcoreMesh(core_axis_name="c", subcore_axis_name="s"),
    scratch_types=[
        pltpu.VMEM_SHARED((N, HALF), jnp.float32),
        pltpu.VMEM((CHUNK,), jnp.int32),
        pltpu.VMEM((CHUNK,), jnp.int32),
        pltpu.VMEM((CHUNK,), jnp.int32),
        pltpu.VMEM((CHUNK, HALF), jnp.float32),
        pltpu.VMEM((CHUNK, HALF), jnp.float32),
        pltpu.SemaphoreType.DMA,
        pltpu.SemaphoreType.DMA,
    ],
)



def _split3(m):
    hi = m.astype(jnp.bfloat16)
    r = m - hi.astype(jnp.float32)
    mid = r.astype(jnp.bfloat16)
    lo = (r - mid.astype(jnp.float32)).astype(jnp.bfloat16)
    return hi, mid, lo


def _exact_dot(a01, m):
    hi, mid, lo = _split3(m)
    a = a01.astype(jnp.bfloat16)
    return (jnp.dot(a, hi, preferred_element_type=jnp.float32)
            + (jnp.dot(a, mid, preferred_element_type=jnp.float32)
               + jnp.dot(a, lo, preferred_element_type=jnp.float32)))


def _exact_dot_t(a01, m):
    hi, mid, lo = _split3(m)
    a = a01.astype(jnp.bfloat16)
    dims = (((0,), (0,)), ((), ()))
    return (lax.dot_general(a, hi, dims, preferred_element_type=jnp.float32)
            + (lax.dot_general(a, mid, dims, preferred_element_type=jnp.float32)
               + lax.dot_general(a, lo, dims, preferred_element_type=jnp.float32)))


def _tc_pre_body(xp_ref, d_ref, b_ref, out_ref):
    h = _exact_dot(xp_ref[...], d_ref[...])
    h = h + b_ref[...]
    out_ref[0] = h[:, :HALF]
    out_ref[1] = h[:, HALF:]


def _tc_pre(xp, d, b):
    return pl.pallas_call(
        _tc_pre_body,
        out_shape=jax.ShapeDtypeStruct((2, N, HALF), jnp.float32),
        compiler_params=_TC_PARAMS,
    )(xp, d, b)


def _bn(z, g, b):
    mu = jnp.mean(z, axis=0, keepdims=True)
    d = z - mu
    var = jnp.mean(d * d, axis=0, keepdims=True)
    return d * lax.rsqrt(var + 1e-5) * g + b


def _tc_layer_body(last, h0_ref, h1_ref, a0_ref, a1_ref, batch_ref, eps_ref,
                   w1_ref, b1_ref, g1_ref, bb1_ref, w2_ref, b2_ref,
                   ng_ref, nb_ref, vn_ref, vw1_ref, vb1_ref, vg1_ref,
                   vbb1_ref, vw2_ref, vb2_ref, vg2_ref, vbb2_ref,
                   *out_refs):
    h = jnp.concatenate([h0_ref[...], h1_ref[...]], axis=1)
    a = jnp.concatenate([a0_ref[...], a1_ref[...]], axis=1)
    z = (1.0 + eps_ref[0, 0]) * h + a
    z1 = jnp.dot(z, w1_ref[...], preferred_element_type=jnp.float32)
    z1 = _bn(z1 + b1_ref[...], g1_ref[...], bb1_ref[...])
    z1 = jnp.maximum(z1, 0.0)
    z2 = jnp.dot(z1, w2_ref[...], preferred_element_type=jnp.float32)
    z2 = _bn(z2 + b2_ref[...], ng_ref[...], nb_ref[...])

    onehot = (batch_ref[...] ==
              lax.broadcasted_iota(jnp.int32, (G, N), 0)).astype(jnp.float32)
    if not last:
        h_out = jnp.maximum(z2, 0.0)
        pooled = _exact_dot(onehot, h)
        t = pooled + vn_ref[...]
        t = jnp.dot(t, vw1_ref[...], preferred_element_type=jnp.float32)
        t = _bn(t + vb1_ref[...], vg1_ref[...], vbb1_ref[...])
        t = jnp.maximum(t, 0.0)
        t = jnp.dot(t, vw2_ref[...], preferred_element_type=jnp.float32)
        t = _bn(t + vb2_ref[...], vg2_ref[...], vbb2_ref[...])
        vn_next = jnp.maximum(t, 0.0)
        h_next = h_out + _exact_dot_t(onehot, vn_next)
        out_refs[0][0] = h_next[:, :HALF]
        out_refs[0][1] = h_next[:, HALF:]
        out_refs[1][...] = vn_next
    else:
        sums = _exact_dot(onehot, z2)
        counts = jnp.sum(onehot, axis=1, keepdims=True)
        hg = sums / jnp.maximum(counts, 1.0)
        out_refs[0][...] = jnp.dot(
            hg, vw1_ref[...], preferred_element_type=jnp.float32) + vb1_ref[...]


def _tc_layer(h01, agg01, batch2d, eps, w1, b1, g1, bb1, w2, b2, ng, nb,
              vn, vw1, vb1, vg1, vbb1, vw2, vb2, vg2, vbb2):
    return pl.pallas_call(
        functools.partial(_tc_layer_body, False),
        out_shape=(jax.ShapeDtypeStruct((2, N, HALF), jnp.float32),
                   jax.ShapeDtypeStruct((G, EMB), jnp.float32)),
        compiler_params=_TC_PARAMS,
    )(h01[0], h01[1], agg01[0], agg01[1], batch2d, eps, w1, b1, g1, bb1,
      w2, b2, ng, nb, vn, vw1, vb1, vg1, vbb1, vw2, vb2, vg2, vbb2)


def _tc_layer_last(h01, agg01, batch2d, eps, w1, b1, g1, bb1, w2, b2, ng, nb,
                   pred_w, pred_b):
    zero_s = jnp.zeros((1, 1), jnp.float32)
    return pl.pallas_call(
        functools.partial(_tc_layer_body, True),
        out_shape=jax.ShapeDtypeStruct((G, NUM_TASKS), jnp.float32),
        compiler_params=_TC_PARAMS,
    )(h01[0], h01[1], agg01[0], agg01[1], batch2d, eps, w1, b1, g1, bb1,
      w2, b2, ng, nb, zero_s, pred_w, pred_b, zero_s, zero_s, zero_s,
      zero_s, zero_s, zero_s)



def kernel(x, edge_index, edge_attr, batch, params):
    f32 = jnp.float32
    atom = params['atom_emb']
    d_atom = jnp.pad((atom[:, 1] - atom[:, 0]), ((0, HALF - 9), (0, 0)))
    base = jnp.sum(atom[:, 0], axis=0) + params['vn_emb'][0]
    xp = jnp.pad(x.astype(f32), ((0, 0), (0, HALF - 9)))

    code = (edge_attr[:, 0] + 2 * edge_attr[:, 1]
            + 4 * edge_attr[:, 2]).astype(jnp.int32)
    cc = jnp.arange(8)
    etab = (params['bond0'][:, cc & 1] + params['bond1'][:, (cc >> 1) & 1]
            + params['bond2'][:, (cc >> 2) & 1])
    etab16 = jnp.concatenate([etab[:, :, :HALF], etab[:, :, HALF:]], axis=1)
    etab_rep = jnp.repeat(etab16, REP, axis=1)

    rep = (jnp.arange(E, dtype=jnp.int32) % REP)
    src = edge_index[0].astype(jnp.int32)
    dst = edge_index[1].astype(jnp.int32)
    codes_flat = jnp.concatenate([code * REP + rep, (code + 8) * REP + rep])
    srcs_flat = jnp.concatenate([src, src + N])
    zeros = jnp.zeros((N, HALF), f32)
    batch2d = batch.astype(jnp.int32).reshape(1, N)

    h01 = _tc_pre(xp, d_atom, base.reshape(1, EMB))
    vn = jnp.broadcast_to(params['vn_emb'][0], (G, EMB))

    p = params
    for l in range(L):
        agg_flat = _sc_msg(h01.reshape(2 * N, HALF), srcs_flat, codes_flat,
                           dst, etab_rep[l], zeros)
        agg01 = agg_flat.reshape(2, N, HALF)
        eps = p['eps'][l].reshape(1, 1)
        args = (h01, agg01, batch2d, eps,
                p['conv_W1'][l], p['conv_b1'][l].reshape(1, 2 * EMB),
                p['conv_bn1_g'][l].reshape(1, 2 * EMB),
                p['conv_bn1_b'][l].reshape(1, 2 * EMB),
                p['conv_W2'][l], p['conv_b2'][l].reshape(1, EMB),
                p['node_bn_g'][l].reshape(1, EMB),
                p['node_bn_b'][l].reshape(1, EMB))
        if l < L - 1:
            h01, vn = _tc_layer(*args, vn,
                                p['vn_W1'][l], p['vn_b1'][l].reshape(1, 2 * EMB),
                                p['vn_bn1_g'][l].reshape(1, 2 * EMB),
                                p['vn_bn1_b'][l].reshape(1, 2 * EMB),
                                p['vn_W2'][l], p['vn_b2'][l].reshape(1, EMB),
                                p['vn_bn2_g'][l].reshape(1, EMB),
                                p['vn_bn2_b'][l].reshape(1, EMB))
        else:
            out = _tc_layer_last(*args, p['pred_W'],
                                 p['pred_b'].reshape(1, NUM_TASKS))
    return out

# --- scband reference (transcript-rebuilt; emitter-appended) ---
"""Pipeline reference for scband-gnn-24696061952723 (READ-ONLY COPY).

The authoritative reference and input builder live on the scoring server;
editing this copy changes nothing except your own understanding.
"""

import jax, jax.numpy as jnp
import numpy as np

NUM_LAYER = 5
EMB = 256
NUM_TASKS = 128
N_NODES = 10000
N_EDGES = 160000
NUM_GRAPHS = 64


def setup_inputs(seed: int = 0) -> dict:
    key = jax.random.key(seed)
    ks = jax.random.split(key, 40)
    x = jax.random.randint(ks[0], (N_NODES, 9), 0, 2)
    edge_index = jax.random.randint(ks[1], (2, N_EDGES), 0, N_NODES)
    edge_attr = jax.random.randint(ks[2], (N_EDGES, 3), 0, 2)
    batch = jnp.sort(jax.random.randint(ks[3], (N_NODES,), 0, NUM_GRAPHS))
    L = NUM_LAYER

    def nrm(k, shape, scale=0.05):
        return jax.random.normal(k, shape, dtype=jnp.float32) * scale

    params = {
        'atom_emb': nrm(ks[4], (9, 119, EMB)),
        'bond0': nrm(ks[5], (L, 5, EMB)),
        'bond1': nrm(ks[6], (L, 6, EMB)),
        'bond2': nrm(ks[7], (L, 2, EMB)),
        'eps': jnp.zeros((L,), jnp.float32),
        'conv_W1': nrm(ks[8], (L, EMB, 2 * EMB)),
        'conv_b1': jnp.zeros((L, 2 * EMB), jnp.float32),
        'conv_bn1_g': jnp.ones((L, 2 * EMB), jnp.float32),
        'conv_bn1_b': jnp.zeros((L, 2 * EMB), jnp.float32),
        'conv_W2': nrm(ks[9], (L, 2 * EMB, EMB)),
        'conv_b2': jnp.zeros((L, EMB), jnp.float32),
        'node_bn_g': jnp.ones((L, EMB), jnp.float32),
        'node_bn_b': jnp.zeros((L, EMB), jnp.float32),
        'vn_emb': jnp.zeros((1, EMB), jnp.float32),
        'vn_W1': nrm(ks[10], (L - 1, EMB, 2 * EMB)),
        'vn_b1': jnp.zeros((L - 1, 2 * EMB), jnp.float32),
        'vn_bn1_g': jnp.ones((L - 1, 2 * EMB), jnp.float32),
        'vn_bn1_b': jnp.zeros((L - 1, 2 * EMB), jnp.float32),
        'vn_W2': nrm(ks[11], (L - 1, 2 * EMB, EMB)),
        'vn_b2': jnp.zeros((L - 1, EMB), jnp.float32),
        'vn_bn2_g': jnp.ones((L - 1, EMB), jnp.float32),
        'vn_bn2_b': jnp.zeros((L - 1, EMB), jnp.float32),
        'pred_W': nrm(ks[12], (EMB, NUM_TASKS)),
        'pred_b': jnp.zeros((NUM_TASKS,), jnp.float32),
    }
    return {'x': x, 'edge_index': edge_index, 'edge_attr': edge_attr, 'batch': batch, 'params': params}


def _bn(h, g, b, eps=1e-5):
    # BatchNorm1d in training-statistics mode (batch mean/var), affine
    mu = jnp.mean(h, axis=0)
    var = jnp.var(h, axis=0)
    return (h - mu) * jax.lax.rsqrt(var + eps) * g + b


def _forward(params, x, edge_index, edge_attr, batch):
    L = NUM_LAYER
    # AtomEncoder: sum of per-feature embeddings (tables padded to 119 rows)
    h = jnp.zeros((N_NODES, EMB), jnp.float32)
    for i in range(9):
        h = h + params['atom_emb'][i][x[:, i]]
    src, dst = edge_index[0], edge_index[1]
    vn = jnp.broadcast_to(params['vn_emb'][0], (NUM_GRAPHS, EMB))
    h_list = [h]
    for layer in range(L):
        # add virtual-node message to every node of its graph
        h_in = h_list[layer] + vn[batch]
        # BondEncoder for this layer
        e = (params['bond0'][layer][edge_attr[:, 0]]
             + params['bond1'][layer][edge_attr[:, 1]]
             + params['bond2'][layer][edge_attr[:, 2]])
        # GINConv: message = relu(x_j + edge_emb), aggr=add at dst
        msg = jax.nn.relu(h_in[src] + e)
        agg = jnp.zeros_like(h_in).at[dst].add(msg)
        z = (1.0 + params['eps'][layer]) * h_in + agg
        # GIN MLP: Linear -> BN -> ReLU -> Linear
        z = z @ params['conv_W1'][layer] + params['conv_b1'][layer]
        z = _bn(z, params['conv_bn1_g'][layer], params['conv_bn1_b'][layer])
        z = jax.nn.relu(z)
        z = z @ params['conv_W2'][layer] + params['conv_b2'][layer]
        # outer per-layer BatchNorm
        z = _bn(z, params['node_bn_g'][layer], params['node_bn_b'][layer])
        if layer < L - 1:
            z = jax.nn.relu(z)
        # dropout disabled (eval mode) for determinism
        h_list.append(z)
        if layer < L - 1:
            # virtual node update: add-pool of the vn-augmented node states
            pooled = jax.ops.segment_sum(h_in, batch, num_segments=NUM_GRAPHS)
            t = pooled + vn
            t = t @ params['vn_W1'][layer] + params['vn_b1'][layer]
            t = _bn(t, params['vn_bn1_g'][layer], params['vn_bn1_b'][layer])
            t = jax.nn.relu(t)
            t = t @ params['vn_W2'][layer] + params['vn_b2'][layer]
            t = _bn(t, params['vn_bn2_g'][layer], params['vn_bn2_b'][layer])
            vn = jax.nn.relu(t)
    node_rep = h_list[-1]  # jk == 'last'
    # global_mean_pool
    sums = jax.ops.segment_sum(node_rep, batch, num_segments=NUM_GRAPHS)
    counts = jax.ops.segment_sum(jnp.ones((N_NODES,), jnp.float32), batch, num_segments=NUM_GRAPHS)
    h_graph = sums / jnp.maximum(counts, 1.0)[:, None]
    return h_graph @ params['pred_W'] + params['pred_b']


def reference(x, edge_index, edge_attr, batch, params):
    return _forward(params, x, edge_index, edge_attr, batch)

if __name__ == "__main__":
    import jax
    _d = setup_inputs()
    print(jax.jit(kernel)(*tuple(_d.values())))

</pallas_src>

<mosaic_0001>
#map = affine_map<(d0, d1) -> (0, 0)>
#map1 = affine_map<(d0, d1) -> (0)>
module attributes {stable_mosaic.version = 14 : i64} {
  func.func @_sc_msg_body(%arg0: i32, %arg1: i32, %arg2: memref<20000x128xf32, #tpu.memory_space<hbm>>, %arg3: memref<320000xi32, #tpu.memory_space<hbm>>, %arg4: memref<320000xi32, #tpu.memory_space<hbm>>, %arg5: memref<160000xi32, #tpu.memory_space<hbm>>, %arg6: memref<512x128xf32, #tpu.memory_space<hbm>>, %arg7: memref<10000x128xf32, #tpu.memory_space<hbm>>, %arg8: memref<20000x128xf32, #tpu.memory_space<hbm>>, %arg9: memref<10000x128xf32, #tpu.memory_space<vmem_shared>>, %arg10: memref<80xi32, #tpu.memory_space<vmem>>, %arg11: memref<80xi32, #tpu.memory_space<vmem>>, %arg12: memref<80xi32, #tpu.memory_space<vmem>>, %arg13: memref<80x128xf32, #tpu.memory_space<vmem>>, %arg14: memref<80x128xf32, #tpu.memory_space<vmem>>, %arg15: memref<!tpu.dma_semaphore, #tpu.memory_space<semaphore_mem>>, %arg16: memref<!tpu.dma_semaphore, #tpu.memory_space<semaphore_mem>>) attributes {dimension_semantics = [#tpu.dimension_semantics<core_parallel>, #tpu.dimension_semantics<subcore_parallel>], iteration_bounds = array<i64: 2, 16>, scalar_prefetch = 0 : i64, scratch_operands = 8 : i64, tpu.core_type = #tpu.core_type<sc_vector_subcore>, window_params = [{transform_indices = #map}, {transform_indices = #map1}, {transform_indices = #map1}, {transform_indices = #map1}, {transform_indices = #map}, {transform_indices = #map}, {transform_indices = #map}]} {
    %mul3A = arith.constant 624 : i32
    %mul3A_0 = arith.muli %arg1, %mul3A : i32
    "tpu.region"() ({
      %run_scoped3A = tpu.sem_alloc : memref<!tpu.dma_semaphore, #tpu.memory_space<semaphore_mem>>
      %dma_start3A = arith.constant 0 : i32
      %dma_start3A_16 = tpu.memref_slice %arg9[%mul3A_0, %dma_start3A] : memref<10000x128xf32, #tpu.memory_space<vmem_shared>> -> memref<624x128xf32, #tpu.memory_space<vmem_shared>>
      %dma_start3A_17 = arith.constant 0 : i32
      %dma_start3A_18 = tpu.memref_slice %arg7[%mul3A_0, %dma_start3A_17] : memref<10000x128xf32, #tpu.memory_space<hbm>> -> memref<624x128xf32, #tpu.memory_space<hbm>>
      tpu.enqueue_dma source(%dma_start3A_18 : memref<624x128xf32, #tpu.memory_space<hbm>>) target(%dma_start3A_16 : memref<624x128xf32, #tpu.memory_space<vmem_shared>>) target_semaphore(%run_scoped3A : memref<!tpu.dma_semaphore, #tpu.memory_space<semaphore_mem>>)
      %dma_wait3A = arith.constant 0 : i32
      %dma_wait3A_19 = tpu.memref_slice %arg9[%mul3A_0, %dma_wait3A] : memref<10000x128xf32, #tpu.memory_space<vmem_shared>> -> memref<624x128xf32, #tpu.memory_space<vmem_shared>>
      %dma_wait3A_20 = arith.constant 0 : i32
      %dma_wait3A_21 = tpu.memref_slice %arg7[%mul3A_0, %dma_wait3A_20] : memref<10000x128xf32, #tpu.memory_space<hbm>> -> memref<624x128xf32, #tpu.memory_space<hbm>>
      tpu.wait_dma2 semaphore(%run_scoped3A : memref<!tpu.dma_semaphore, #tpu.memory_space<semaphore_mem>>) src(%dma_wait3A_21 : memref<624x128xf32, #tpu.memory_space<hbm>>) dst(%dma_wait3A_19 : memref<624x128xf32, #tpu.memory_space<vmem_shared>>)
      tpu.yield
    }) : () -> ()
    %eq3A = arith.constant 15 : i32
    %eq3A_1 = arith.cmpi eq, %arg1, %eq3A : i32
    %convert_element_type3A = arith.extui %eq3A_1 : i1 to i32
    %cond3A = arith.constant 0 : i32
    %cond3A_2 = arith.cmpi ne, %convert_element_type3A, %cond3A : i32
    scf.if %cond3A_2 {
      "tpu.region"() ({
        %run_scoped3A = tpu.sem_alloc : memref<!tpu.dma_semaphore, #tpu.memory_space<semaphore_mem>>
        %dma_start3A = arith.constant 9984 : i32
        %dma_start3A_16 = arith.constant 0 : i32
        %dma_start3A_17 = tpu.memref_slice %arg9[%dma_start3A, %dma_start3A_16] : memref<10000x128xf32, #tpu.memory_space<vmem_shared>> -> memref<16x128xf32, #tpu.memory_space<vmem_shared>>
        %dma_start3A_18 = arith.constant 9984 : i32
        %dma_start3A_19 = arith.constant 0 : i32
        %dma_start3A_20 = tpu.memref_slice %arg7[%dma_start3A_18, %dma_start3A_19] : memref<10000x128xf32, #tpu.memory_space<hbm>> -> memref<16x128xf32, #tpu.memory_space<hbm>>
        tpu.enqueue_dma source(%dma_start3A_20 : memref<16x128xf32, #tpu.memory_space<hbm>>) target(%dma_start3A_17 : memref<16x128xf32, #tpu.memory_space<vmem_shared>>) target_semaphore(%run_scoped3A : memref<!tpu.dma_semaphore, #tpu.memory_space<semaphore_mem>>)
        %dma_wait3A = arith.constant 9984 : i32
        %dma_wait3A_21 = arith.constant 0 : i32
        %dma_wait3A_22 = tpu.memref_slice %arg9[%dma_wait3A, %dma_wait3A_21] : memref<10000x128xf32, #tpu.memory_space<vmem_shared>> -> memref<16x128xf32, #tpu.memory_space<vmem_shared>>
        %dma_wait3A_23 = arith.constant 9984 : i32
        %dma_wait3A_24 = arith.constant 0 : i32
        %dma_wait3A_25 = tpu.memref_slice %arg7[%dma_wait3A_23, %dma_wait3A_24] : memref<10000x128xf32, #tpu.memory_space<hbm>> -> memref<16x128xf32, #tpu.memory_space<hbm>>
        tpu.wait_dma2 semaphore(%run_scoped3A : memref<!tpu.dma_semaphore, #tpu.memory_space<semaphore_mem>>) src(%dma_wait3A_25 : memref<16x128xf32, #tpu.memory_space<hbm>>) dst(%dma_wait3A_22 : memref<16x128xf32, #tpu.memory_space<vmem_shared>>)
        tpu.yield
      }) : () -> ()
    } else {
    }
    %barrier3A = arith.constant 0 : index
    tpu.barrier barrier_id(%barrier3A)
    %scan3A = arith.constant 0 : i32
    %scan3A_3 = arith.constant 0 : i32
    %scan3A_4 = arith.constant 125 : i32
    %scan3A_5 = arith.addi %scan3A_3, %scan3A_4 : i32
    %scan3A_6 = arith.constant 1 : i32
    scf.for %scan3A_16 = %scan3A_3 to %scan3A_5 step %scan3A_6  : i32 {
      %mul3A_17 = arith.constant 10000 : i32
      %mul3A_18 = arith.muli %arg1, %mul3A_17 : i32
      %mul3A_19 = arith.constant 80 : i32
      %mul3A_20 = arith.muli %scan3A_16, %mul3A_19 : i32
      %add3A_21 = arith.addi %mul3A_18, %mul3A_20 : i32
      %mul3A_22 = arith.constant 160000 : i32
      %mul3A_23 = arith.muli %arg0, %mul3A_22 : i32
      %add3A_24 = arith.addi %mul3A_23, %add3A_21 : i32
      "tpu.region"() ({
        %run_scoped3A = tpu.sem_alloc : memref<!tpu.dma_semaphore, #tpu.memory_space<semaphore_mem>>
        %dma_start3A_44 = tpu.memref_slice %arg3[%add3A_24] : memref<320000xi32, #tpu.memory_space<hbm>> -> memref<80xi32, #tpu.memory_space<hbm>>
        %dma_start3A_45 = tpu.memref_slice %arg3[%add3A_24] : memref<320000xi32, #tpu.memory_space<hbm>> -> memref<80xi32, #tpu.memory_space<hbm>>
        tpu.enqueue_dma source(%dma_start3A_45 : memref<80xi32, #tpu.memory_space<hbm>>) target(%arg10 : memref<80xi32, #tpu.memory_space<vmem>>) target_semaphore(%run_scoped3A : memref<!tpu.dma_semaphore, #tpu.memory_space<semaphore_mem>>)
        %dma_wait3A_46 = tpu.memref_slice %arg3[%add3A_24] : memref<320000xi32, #tpu.memory_space<hbm>> -> memref<80xi32, #tpu.memory_space<hbm>>
        %dma_wait3A_47 = tpu.memref_slice %arg3[%add3A_24] : memref<320000xi32, #tpu.memory_space<hbm>> -> memref<80xi32, #tpu.memory_space<hbm>>
        tpu.wait_dma2 semaphore(%run_scoped3A : memref<!tpu.dma_semaphore, #tpu.memory_space<semaphore_mem>>) src(%dma_wait3A_47 : memref<80xi32, #tpu.memory_space<hbm>>) dst(%arg10 : memref<80xi32, #tpu.memory_space<vmem>>)
        tpu.yield
      }) : () -> ()
      %mul3A_25 = arith.constant 160000 : i32
      %mul3A_26 = arith.muli %arg0, %mul3A_25 : i32
      %add3A_27 = arith.addi %mul3A_26, %add3A_21 : i32
      "tpu.region"() ({
        %run_scoped3A = tpu.sem_alloc : memref<!tpu.dma_semaphore, #tpu.memory_space<semaphore_mem>>
        %dma_start3A_44 = tpu.memref_slice %arg4[%add3A_27] : memref<320000xi32, #tpu.memory_space<hbm>> -> memref<80xi32, #tpu.memory_space<hbm>>
        %dma_start3A_45 = tpu.memref_slice %arg4[%add3A_27] : memref<320000xi32, #tpu.memory_space<hbm>> -> memref<80xi32, #tpu.memory_space<hbm>>
        tpu.enqueue_dma source(%dma_start3A_45 : memref<80xi32, #tpu.memory_space<hbm>>) target(%arg11 : memref<80xi32, #tpu.memory_space<vmem>>) target_semaphore(%run_scoped3A : memref<!tpu.dma_semaphore, #tpu.memory_space<semaphore_mem>>)
        %dma_wait3A_46 = tpu.memref_slice %arg4[%add3A_27] : memref<320000xi32, #tpu.memory_space<hbm>> -> memref<80xi32, #tpu.memory_space<hbm>>
        %dma_wait3A_47 = tpu.memref_slice %arg4[%add3A_27] : memref<320000xi32, #tpu.memory_space<hbm>> -> memref<80xi32, #tpu.memory_space<hbm>>
        tpu.wait_dma2 semaphore(%run_scoped3A : memref<!tpu.dma_semaphore, #tpu.memory_space<semaphore_mem>>) src(%dma_wait3A_47 : memref<80xi32, #tpu.memory_space<hbm>>) dst(%arg11 : memref<80xi32, #tpu.memory_space<vmem>>)
        tpu.yield
      }) : () -> ()
      "tpu.region"() ({
        %run_scoped3A = tpu.sem_alloc : memref<!tpu.dma_semaphore, #tpu.memory_space<semaphore_mem>>
        %dma_start3A_44 = tpu.memref_slice %arg5[%add3A_21] : memref<160000xi32, #tpu.memory_space<hbm>> -> memref<80xi32, #tpu.memory_space<hbm>>
        %dma_start3A_45 = tpu.memref_slice %arg5[%add3A_21] : memref<160000xi32, #tpu.memory_space<hbm>> -> memref<80xi32, #tpu.memory_space<hbm>>
        tpu.enqueue_dma source(%dma_start3A_45 : memref<80xi32, #tpu.memory_space<hbm>>) target(%arg12 : memref<80xi32, #tpu.memory_space<vmem>>) target_semaphore(%run_scoped3A : memref<!tpu.dma_semaphore, #tpu.memory_space<semaphore_mem>>)
        %dma_wait3A_46 = tpu.memref_slice %arg5[%add3A_21] : memref<160000xi32, #tpu.memory_space<hbm>> -> memref<80xi32, #tpu.memory_space<hbm>>
        %dma_wait3A_47 = tpu.memref_slice %arg5[%add3A_21] : memref<160000xi32, #tpu.memory_space<hbm>> -> memref<80xi32, #tpu.memory_space<hbm>>
        tpu.wait_dma2 semaphore(%run_scoped3A : memref<!tpu.dma_semaphore, #tpu.memory_space<semaphore_mem>>) src(%dma_wait3A_47 : memref<80xi32, #tpu.memory_space<hbm>>) dst(%arg12 : memref<80xi32, #tpu.memory_space<vmem>>)
        tpu.yield
      }) : () -> ()
      %dma_start3A = arith.constant 0 : i32
      %dma_start3A_28 = arith.constant 0 : i32
      %dma_start3A_29 = tpu.memref_slice %arg6[%dma_start3A, %dma_start3A_28] : memref<512x128xf32, #tpu.memory_space<hbm>> -> memref<512x128xf32, #tpu.memory_space<hbm>>
      tpu.enqueue_indirect_dma source(%dma_start3A_29 : memref<512x128xf32, #tpu.memory_space<hbm>>) target(%arg13 : memref<80x128xf32, #tpu.memory_space<vmem>>) offsets(%arg11 : memref<80xi32, #tpu.memory_space<vmem>>) semaphore(%arg15 : memref<!tpu.dma_semaphore, #tpu.memory_space<semaphore_mem>>)
      %dma_start3A_30 = arith.constant 0 : i32
      %dma_start3A_31 = arith.constant 0 : i32
      %dma_start3A_32 = tpu.memref_slice %arg2[%dma_start3A_30, %dma_start3A_31] : memref<20000x128xf32, #tpu.memory_space<hbm>> -> memref<20000x128xf32, #tpu.memory_space<hbm>>
      tpu.enqueue_indirect_dma source(%dma_start3A_32 : memref<20000x128xf32, #tpu.memory_space<hbm>>) target(%arg14 : memref<80x128xf32, #tpu.memory_space<vmem>>) offsets(%arg10 : memref<80xi32, #tpu.memory_space<vmem>>) semaphore(%arg16 : memref<!tpu.dma_semaphore, #tpu.memory_space<semaphore_mem>>)
      %dma_wait3A = arith.constant 0 : i32
      %dma_wait3A_33 = arith.constant 0 : i32
      %dma_wait3A_34 = tpu.memref_slice %arg6[%dma_wait3A, %dma_wait3A_33] : memref<512x128xf32, #tpu.memory_space<hbm>> -> memref<512x128xf32, #tpu.memory_space<hbm>>
      tpu.wait_indirect_dma semaphore(%arg15 : memref<!tpu.dma_semaphore, #tpu.memory_space<semaphore_mem>>) src(%dma_wait3A_34 : memref<512x128xf32, #tpu.memory_space<hbm>>) dst(%arg13 : memref<80x128xf32, #tpu.memory_space<vmem>>)
      %dma_wait3A_35 = arith.constant 0 : i32
      %dma_wait3A_36 = arith.constant 0 : i32
      %dma_wait3A_37 = tpu.memref_slice %arg2[%dma_wait3A_35, %dma_wait3A_36] : memref<20000x128xf32, #tpu.memory_space<hbm>> -> memref<20000x128xf32, #tpu.memory_space<hbm>>
      tpu.wait_indirect_dma semaphore(%arg16 : memref<!tpu.dma_semaphore, #tpu.memory_space<semaphore_mem>>) src(%dma_wait3A_37 : memref<20000x128xf32, #tpu.memory_space<hbm>>) dst(%arg14 : memref<80x128xf32, #tpu.memory_space<vmem>>)
      %scan3A_38 = arith.constant 0 : i32
      %scan3A_39 = arith.constant 0 : i32
      %scan3A_40 = arith.constant 80 : i32
      %scan3A_41 = arith.addi %scan3A_39, %scan3A_40 : i32
      %scan3A_42 = arith.constant 1 : i32
      scf.for %scan3A_44 = %scan3A_39 to %scan3A_41 step %scan3A_42  : i32 {
        %get3A = arith.index_cast %scan3A_44 : i32 to index
        %get3A_45 = arith.constant 0 : index
        %get3A_46 = tpu.vector_load %arg13[%get3A, %get3A_45] {strides = array<i32>} : memref<80x128xf32, #tpu.memory_space<vmem>>, vector<1x16xf32>,
        %get3A_47 = vector.shape_cast %get3A_46 : vector<1x16xf32> to vector<16xf32>
        %get3A_48 = arith.index_cast %scan3A_44 : i32 to index
        %get3A_49 = arith.constant 0 : index
        %get3A_50 = tpu.vector_load %arg14[%get3A_48, %get3A_49] {strides = array<i32>} : memref<80x128xf32, #tpu.memory_space<vmem>>, vector<1x16xf32>,
        %get3A_51 = vector.shape_cast %get3A_50 : vector<1x16xf32> to vector<16xf32>
        %add3A_52 = arith.addf %get3A_47, %get3A_51 : vector<16xf32>
        %max3A = arith.constant 0.000000e+00 : f32
        %max3A_53 = vector.broadcast %max3A : f32 to vector<16xf32>
        %max3A_54 = arith.maximumf %add3A_52, %max3A_53 : vector<16xf32>
        %swap3A = arith.index_cast %scan3A_44 : i32 to index
        %swap3A_55 = arith.constant 0 : index
        %swap3A_56 = tpu.vector_load %arg13[%swap3A, %swap3A_55] {strides = array<i32>} : memref<80x128xf32, #tpu.memory_space<vmem>>, vector<1x16xf32>,
        %swap3A_57 = vector.shape_cast %swap3A_56 : vector<1x16xf32> to vector<16xf32>
        %swap3A_58 = vector.shape_cast %max3A_54 : vector<16xf32> to vector<1x16xf32>
        tpu.vector_store %arg13[%swap3A, %swap3A_55], %swap3A_58 {strides = array<i32>} : memref<80x128xf32, #tpu.memory_space<vmem>>, vector<1x16xf32>,
        %get3A_59 = arith.index_cast %scan3A_44 : i32 to index
        %get3A_60 = arith.constant 16 : index
        %get3A_61 = tpu.vector_load %arg13[%get3A_59, %get3A_60] {strides = array<i32>} : memref<80x128xf32, #tpu.memory_space<vmem>>, vector<1x16xf32>,
        %get3A_62 = vector.shape_cast %get3A_61 : vector<1x16xf32> to vector<16xf32>
        %get3A_63 = arith.index_cast %scan3A_44 : i32 to index
        %get3A_64 = arith.constant 16 : index
        %get3A_65 = tpu.vector_load %arg14[%get3A_63, %get3A_64] {strides = array<i32>} : memref<80x128xf32, #tpu.memory_space<vmem>>, vector<1x16xf32>,
        %get3A_66 = vector.shape_cast %get3A_65 : vector<1x16xf32> to vector<16xf32>
        %add3A_67 = arith.addf %get3A_62, %get3A_66 : vector<16xf32>
        %max3A_68 = arith.constant 0.000000e+00 : f32
        %max3A_69 = vector.broadcast %max3A_68 : f32 to vector<16xf32>
        %max3A_70 = arith.maximumf %add3A_67, %max3A_69 : vector<16xf32>
        %swap3A_71 = arith.index_cast %scan3A_44 : i32 to index
        %swap3A_72 = arith.constant 16 : index
        %swap3A_73 = tpu.vector_load %arg13[%swap3A_71, %swap3A_72] {strides = array<i32>} : memref<80x128xf32, #tpu.memory_space<vmem>>, vector<1x16xf32>,
        %swap3A_74 = vector.shape_cast %swap3A_73 : vector<1x16xf32> to vector<16xf32>
        %swap3A_75 = vector.shape_cast %max3A_70 : vector<16xf32> to vector<1x16xf32>
        tpu.vector_store %arg13[%swap3A_71, %swap3A_72], %swap3A_75 {strides = array<i32>} : memref<80x128xf32, #tpu.memory_space<vmem>>, vector<1x16xf32>,
        %get3A_76 = arith.index_cast %scan3A_44 : i32 to index
        %get3A_77 = arith.constant 32 : index
        %get3A_78 = tpu.vector_load %arg13[%get3A_76, %get3A_77] {strides = array<i32>} : memref<80x128xf32, #tpu.memory_space<vmem>>, vector<1x16xf32>,
        %get3A_79 = vector.shape_cast %get3A_78 : vector<1x16xf32> to vector<16xf32>
        %get3A_80 = arith.index_cast %scan3A_44 : i32 to index
        %get3A_81 = arith.constant 32 : index
        %get3A_82 = tpu.vector_load %arg14[%get3A_80, %get3A_81] {strides = array<i32>} : memref<80x128xf32, #tpu.memory_space<vmem>>, vector<1x16xf32>,
        %get3A_83 = vector.shape_cast %get3A_82 : vector<1x16xf32> to vector<16xf32>
        %add3A_84 = arith.addf %get3A_79, %get3A_83 : vector<16xf32>
        %max3A_85 = arith.constant 0.000000e+00 : f32
        %max3A_86 = vector.broadcast %max3A_85 : f32 to vector<16xf32>
        %max3A_87 = arith.maximumf %add3A_84, %max3A_86 : vector<16xf32>
        %swap3A_88 = arith.index_cast %scan3A_44 : i32 to index
        %swap3A_89 = arith.constant 32 : index
        %swap3A_90 = tpu.vector_load %arg13[%swap3A_88, %swap3A_89] {strides = array<i32>} : memref<80x128xf32, #tpu.memory_space<vmem>>, vector<1x16xf32>,
        %swap3A_91 = vector.shape_cast %swap3A_90 : vector<1x16xf32> to vector<16xf32>
        %swap3A_92 = vector.shape_cast %max3A_87 : vector<16xf32> to vector<1x16xf32>
        tpu.vector_store %arg13[%swap3A_88, %swap3A_89], %swap3A_92 {strides = array<i32>} : memref<80x128xf32, #tpu.memory_space<vmem>>, vector<1x16xf32>,
        %get3A_93 = arith.index_cast %scan3A_44 : i32 to index
        %get3A_94 = arith.constant 48 : index
        %get3A_95 = tpu.vector_load %arg13[%get3A_93, %get3A_94] {strides = array<i32>} : memref<80x128xf32, #tpu.memory_space<vmem>>, vector<1x16xf32>,
        %get3A_96 = vector.shape_cast %get3A_95 : vector<1x16xf32> to vector<16xf32>
        %get3A_97 = arith.index_cast %scan3A_44 : i32 to index
        %get3A_98 = arith.constant 48 : index
        %get3A_99 = tpu.vector_load %arg14[%get3A_97, %get3A_98] {strides = array<i32>} : memref<80x128xf32, #tpu.memory_space<vmem>>, vector<1x16xf32>,
        %get3A_100 = vector.shape_cast %get3A_99 : vector<1x16xf32> to vector<16xf32>
        %add3A_101 = arith.addf %get3A_96, %get3A_100 : vector<16xf32>
        %max3A_102 = arith.constant 0.000000e+00 : f32
        %max3A_103 = vector.broadcast %max3A_102 : f32 to vector<16xf32>
        %max3A_104 = arith.maximumf %add3A_101, %max3A_103 : vector<16xf32>
        %swap3A_105 = arith.index_cast %scan3A_44 : i32 to index
        %swap3A_106 = arith.constant 48 : index
        %swap3A_107 = tpu.vector_load %arg13[%swap3A_105, %swap3A_106] {strides = array<i32>} : memref<80x128xf32, #tpu.memory_space<vmem>>, vector<1x16xf32>,
        %swap3A_108 = vector.shape_cast %swap3A_107 : vector<1x16xf32> to vector<16xf32>
        %swap3A_109 = vector.shape_cast %max3A_104 : vector<16xf32> to vector<1x16xf32>
        tpu.vector_store %arg13[%swap3A_105, %swap3A_106], %swap3A_109 {strides = array<i32>} : memref<80x128xf32, #tpu.memory_space<vmem>>, vector<1x16xf32>,
        %get3A_110 = arith.index_cast %scan3A_44 : i32 to index
        %get3A_111 = arith.constant 64 : index
        %get3A_112 = tpu.vector_load %arg13[%get3A_110, %get3A_111] {strides = array<i32>} : memref<80x128xf32, #tpu.memory_space<vmem>>, vector<1x16xf32>,
        %get3A_113 = vector.shape_cast %get3A_112 : vector<1x16xf32> to vector<16xf32>
        %get3A_114 = arith.index_cast %scan3A_44 : i32 to index
        %get3A_115 = arith.constant 64 : index
        %get3A_116 = tpu.vector_load %arg14[%get3A_114, %get3A_115] {strides = array<i32>} : memref<80x128xf32, #tpu.memory_space<vmem>>, vector<1x16xf32>,
        %get3A_117 = vector.shape_cast %get3A_116 : vector<1x16xf32> to vector<16xf32>
        %add3A_118 = arith.addf %get3A_113, %get3A_117 : vector<16xf32>
        %max3A_119 = arith.constant 0.000000e+00 : f32
        %max3A_120 = vector.broadcast %max3A_119 : f32 to vector<16xf32>
        %max3A_121 = arith.maximumf %add3A_118, %max3A_120 : vector<16xf32>
        %swap3A_122 = arith.index_cast %scan3A_44 : i32 to index
        %swap3A_123 = arith.constant 64 : index
        %swap3A_124 = tpu.vector_load %arg13[%swap3A_122, %swap3A_123] {strides = array<i32>} : memref<80x128xf32, #tpu.memory_space<vmem>>, vector<1x16xf32>,
        %swap3A_125 = vector.shape_cast %swap3A_124 : vector<1x16xf32> to vector<16xf32>
        %swap3A_126 = vector.shape_cast %max3A_121 : vector<16xf32> to vector<1x16xf32>
        tpu.vector_store %arg13[%swap3A_122, %swap3A_123], %swap3A_126 {strides = array<i32>} : memref<80x128xf32, #tpu.memory_space<vmem>>, vector<1x16xf32>,
        %get3A_127 = arith.index_cast %scan3A_44 : i32 to index
        %get3A_128 = arith.constant 80 : index
        %get3A_129 = tpu.vector_load %arg13[%get3A_127, %get3A_128] {strides = array<i32>} : memref<80x128xf32, #tpu.memory_space<vmem>>, vector<1x16xf32>,
        %get3A_130 = vector.shape_cast %get3A_129 : vector<1x16xf32> to vector<16xf32>
        %get3A_131 = arith.index_cast %scan3A_44 : i32 to index
        %get3A_132 = arith.constant 80 : index
        %get3A_133 = tpu.vector_load %arg14[%get3A_131, %get3A_132] {strides = array<i32>} : memref<80x128xf32, #tpu.memory_space<vmem>>, vector<1x16xf32>,
        %get3A_134 = vector.shape_cast %get3A_133 : vector<1x16xf32> to vector<16xf32>
        %add3A_135 = arith.addf %get3A_130, %get3A_134 : vector<16xf32>
        %max3A_136 = arith.constant 0.000000e+00 : f32
        %max3A_137 = vector.broadcast %max3A_136 : f32 to vector<16xf32>
        %max3A_138 = arith.maximumf %add3A_135, %max3A_137 : vector<16xf32>
        %swap3A_139 = arith.index_cast %scan3A_44 : i32 to index
        %swap3A_140 = arith.constant 80 : index
        %swap3A_141 = tpu.vector_load %arg13[%swap3A_139, %swap3A_140] {strides = array<i32>} : memref<80x128xf32, #tpu.memory_space<vmem>>, vector<1x16xf32>,
        %swap3A_142 = vector.shape_cast %swap3A_141 : vector<1x16xf32> to vector<16xf32>
        %swap3A_143 = vector.shape_cast %max3A_138 : vector<16xf32> to vector<1x16xf32>
        tpu.vector_store %arg13[%swap3A_139, %swap3A_140], %swap3A_143 {strides = array<i32>} : memref<80x128xf32, #tpu.memory_space<vmem>>, vector<1x16xf32>,
        %get3A_144 = arith.index_cast %scan3A_44 : i32 to index
        %get3A_145 = arith.constant 96 : index
        %get3A_146 = tpu.vector_load %arg13[%get3A_144, %get3A_145] {strides = array<i32>} : memref<80x128xf32, #tpu.memory_space<vmem>>, vector<1x16xf32>,
        %get3A_147 = vector.shape_cast %get3A_146 : vector<1x16xf32> to vector<16xf32>
        %get3A_148 = arith.index_cast %scan3A_44 : i32 to index
        %get3A_149 = arith.constant 96 : index
        %get3A_150 = tpu.vector_load %arg14[%get3A_148, %get3A_149] {strides = array<i32>} : memref<80x128xf32, #tpu.memory_space<vmem>>, vector<1x16xf32>,
        %get3A_151 = vector.shape_cast %get3A_150 : vector<1x16xf32> to vector<16xf32>
        %add3A_152 = arith.addf %get3A_147, %get3A_151 : vector<16xf32>
        %max3A_153 = arith.constant 0.000000e+00 : f32
        %max3A_154 = vector.broadcast %max3A_153 : f32 to vector<16xf32>
        %max3A_155 = arith.maximumf %add3A_152, %max3A_154 : vector<16xf32>
        %swap3A_156 = arith.index_cast %scan3A_44 : i32 to index
        %swap3A_157 = arith.constant 96 : index
        %swap3A_158 = tpu.vector_load %arg13[%swap3A_156, %swap3A_157] {strides = array<i32>} : memref<80x128xf32, #tpu.memory_space<vmem>>, vector<1x16xf32>,
        %swap3A_159 = vector.shape_cast %swap3A_158 : vector<1x16xf32> to vector<16xf32>
        %swap3A_160 = vector.shape_cast %max3A_155 : vector<16xf32> to vector<1x16xf32>
        tpu.vector_store %arg13[%swap3A_156, %swap3A_157], %swap3A_160 {strides = array<i32>} : memref<80x128xf32, #tpu.memory_space<vmem>>, vector<1x16xf32>,
        %get3A_161 = arith.index_cast %scan3A_44 : i32 to index
        %get3A_162 = arith.constant 112 : index
        %get3A_163 = tpu.vector_load %arg13[%get3A_161, %get3A_162] {strides = array<i32>} : memref<80x128xf32, #tpu.memory_space<vmem>>, vector<1x16xf32>,
        %get3A_164 = vector.shape_cast %get3A_163 : vector<1x16xf32> to vector<16xf32>
        %get3A_165 = arith.index_cast %scan3A_44 : i32 to index
        %get3A_166 = arith.constant 112 : index
        %get3A_167 = tpu.vector_load %arg14[%get3A_165, %get3A_166] {strides = array<i32>} : memref<80x128xf32, #tpu.memory_space<vmem>>, vector<1x16xf32>,
        %get3A_168 = vector.shape_cast %get3A_167 : vector<1x16xf32> to vector<16xf32>
        %add3A_169 = arith.addf %get3A_164, %get3A_168 : vector<16xf32>
        %max3A_170 = arith.constant 0.000000e+00 : f32
        %max3A_171 = vector.broadcast %max3A_170 : f32 to vector<16xf32>
        %max3A_172 = arith.maximumf %add3A_169, %max3A_171 : vector<16xf32>
        %swap3A_173 = arith.index_cast %scan3A_44 : i32 to index
        %swap3A_174 = arith.constant 112 : index
        %swap3A_175 = tpu.vector_load %arg13[%swap3A_173, %swap3A_174] {strides = array<i32>} : memref<80x128xf32, #tpu.memory_space<vmem>>, vector<1x16xf32>,
        %swap3A_176 = vector.shape_cast %swap3A_175 : vector<1x16xf32> to vector<16xf32>
        %swap3A_177 = vector.shape_cast %max3A_172 : vector<16xf32> to vector<1x16xf32>
        tpu.vector_store %arg13[%swap3A_173, %swap3A_174], %swap3A_177 {strides = array<i32>} : memref<80x128xf32, #tpu.memory_space<vmem>>, vector<1x16xf32>,
      }
      %scan3A_43 = arith.constant 80 : i32
      "tpu.region"() ({
        %run_scoped3A = tpu.sem_alloc : memref<!tpu.dma_semaphore, #tpu.memory_space<semaphore_mem>>
        %dma_start3A_44 = arith.constant 0 : i32
        %dma_start3A_45 = arith.constant 0 : i32
        %dma_start3A_46 = tpu.memref_slice %arg9[%dma_start3A_44, %dma_start3A_45] : memref<10000x128xf32, #tpu.memory_space<vmem_shared>> -> memref<10000x128xf32, #tpu.memory_space<vmem_shared>>
        tpu.enqueue_indirect_dma source(%arg13 : memref<80x128xf32, #tpu.memory_space<vmem>>) target(%dma_start3A_46 : memref<10000x128xf32, #tpu.memory_space<vmem_shared>>) offsets(%arg12 : memref<80xi32, #tpu.memory_space<vmem>>) semaphore(%run_scoped3A : memref<!tpu.dma_semaphore, #tpu.memory_space<semaphore_mem>>) {add = true}
        %dma_wait3A_47 = arith.constant 0 : i32
        %dma_wait3A_48 = arith.constant 0 : i32
        %dma_wait3A_49 = tpu.memref_slice %arg9[%dma_wait3A_47, %dma_wait3A_48] : memref<10000x128xf32, #tpu.memory_space<vmem_shared>> -> memref<10000x128xf32, #tpu.memory_space<vmem_shared>>
        tpu.wait_indirect_dma semaphore(%run_scoped3A : memref<!tpu.dma_semaphore, #tpu.memory_space<semaphore_mem>>) src(%arg13 : memref<80x128xf32, #tpu.memory_space<vmem>>) dst(%dma_wait3A_49 : memref<10000x128xf32, #tpu.memory_space<vmem_shared>>)
        tpu.yield
      }) : () -> ()
    }
    %scan3A_7 = arith.constant 125 : i32
    %barrier3A_8 = arith.constant 0 : index
    tpu.barrier barrier_id(%barrier3A_8)
    %mul3A_9 = arith.constant 10000 : i32
    %mul3A_10 = arith.muli %arg0, %mul3A_9 : i32
    %add3A = arith.addi %mul3A_10, %mul3A_0 : i32
    "tpu.region"() ({
      %run_scoped3A = tpu.sem_alloc : memref<!tpu.dma_semaphore, #tpu.memory_space<semaphore_mem>>
      %dma_start3A = arith.constant 0 : i32
      %dma_start3A_16 = tpu.memref_slice %arg8[%add3A, %dma_start3A] : memref<20000x128xf32, #tpu.memory_space<hbm>> -> memref<624x128xf32, #tpu.memory_space<hbm>>
      %dma_start3A_17 = arith.constant 0 : i32
      %dma_start3A_18 = tpu.memref_slice %arg9[%mul3A_0, %dma_start3A_17] : memref<10000x128xf32, #tpu.memory_space<vmem_shared>> -> memref<624x128xf32, #tpu.memory_space<vmem_shared>>
      tpu.enqueue_dma source(%dma_start3A_18 : memref<624x128xf32, #tpu.memory_space<vmem_shared>>) target(%dma_start3A_16 : memref<624x128xf32, #tpu.memory_space<hbm>>) target_semaphore(%run_scoped3A : memref<!tpu.dma_semaphore, #tpu.memory_space<semaphore_mem>>)
      %dma_wait3A = arith.constant 0 : i32
      %dma_wait3A_19 = tpu.memref_slice %arg8[%add3A, %dma_wait3A] : memref<20000x128xf32, #tpu.memory_space<hbm>> -> memref<624x128xf32, #tpu.memory_space<hbm>>
      %dma_wait3A_20 = arith.constant 0 : i32
      %dma_wait3A_21 = tpu.memref_slice %arg9[%mul3A_0, %dma_wait3A_20] : memref<10000x128xf32, #tpu.memory_space<vmem_shared>> -> memref<624x128xf32, #tpu.memory_space<vmem_shared>>
      tpu.wait_dma2 semaphore(%run_scoped3A : memref<!tpu.dma_semaphore, #tpu.memory_space<semaphore_mem>>) src(%dma_wait3A_21 : memref<624x128xf32, #tpu.memory_space<vmem_shared>>) dst(%dma_wait3A_19 : memref<624x128xf32, #tpu.memory_space<hbm>>)
      tpu.yield
    }) : () -> ()
    %eq3A_11 = arith.constant 15 : i32
    %eq3A_12 = arith.cmpi eq, %arg1, %eq3A_11 : i32
    %convert_element_type3A_13 = arith.extui %eq3A_12 : i1 to i32
    %cond3A_14 = arith.constant 0 : i32
    %cond3A_15 = arith.cmpi ne, %convert_element_type3A_13, %cond3A_14 : i32
    scf.if %cond3A_15 {
      %mul3A_16 = arith.constant 10000 : i32
      %mul3A_17 = arith.muli %arg0, %mul3A_16 : i32
      %add3A_18 = arith.constant 9984 : i32
      %add3A_19 = arith.addi %mul3A_17, %add3A_18 : i32
      "tpu.region"() ({
        %run_scoped3A = tpu.sem_alloc : memref<!tpu.dma_semaphore, #tpu.memory_space<semaphore_mem>>
        %dma_start3A = arith.constant 0 : i32
        %dma_start3A_20 = tpu.memref_slice %arg8[%add3A_19, %dma_start3A] : memref<20000x128xf32, #tpu.memory_space<hbm>> -> memref<16x128xf32, #tpu.memory_space<hbm>>
        %dma_start3A_21 = arith.constant 9984 : i32
        %dma_start3A_22 = arith.constant 0 : i32
        %dma_start3A_23 = tpu.memref_slice %arg9[%dma_start3A_21, %dma_start3A_22] : memref<10000x128xf32, #tpu.memory_space<vmem_shared>> -> memref<16x128xf32, #tpu.memory_space<vmem_shared>>
        tpu.enqueue_dma source(%dma_start3A_23 : memref<16x128xf32, #tpu.memory_space<vmem_shared>>) target(%dma_start3A_20 : memref<16x128xf32, #tpu.memory_space<hbm>>) target_semaphore(%run_scoped3A : memref<!tpu.dma_semaphore, #tpu.memory_space<semaphore_mem>>)
        %dma_wait3A = arith.constant 0 : i32
        %dma_wait3A_24 = tpu.memref_slice %arg8[%add3A_19, %dma_wait3A] : memref<20000x128xf32, #tpu.memory_space<hbm>> -> memref<16x128xf32, #tpu.memory_space<hbm>>
        %dma_wait3A_25 = arith.constant 9984 : i32
        %dma_wait3A_26 = arith.constant 0 : i32
        %dma_wait3A_27 = tpu.memref_slice %arg9[%dma_wait3A_25, %dma_wait3A_26] : memref<10000x128xf32, #tpu.memory_space<vmem_shared>> -> memref<16x128xf32, #tpu.memory_space<vmem_shared>>
        tpu.wait_dma2 semaphore(%run_scoped3A : memref<!tpu.dma_semaphore, #tpu.memory_space<semaphore_mem>>) src(%dma_wait3A_27 : memref<16x128xf32, #tpu.memory_space<vmem_shared>>) dst(%dma_wait3A_24 : memref<16x128xf32, #tpu.memory_space<hbm>>)
        tpu.yield
      }) : () -> ()
    } else {
    }
    return
  }
}

#map = affine_map<(d0, d1) -> (0, 0)>
#map1 = affine_map<(d0, d1) -> (0)>
module attributes {stable_mosaic.version = 14 : i64} {
  func.func @_sc_msg_body(%arg0: i32, %arg1: i32, %arg2: memref<20000x128xf32, #tpu.memory_space<hbm>>, %arg3: memref<320000xi32, #tpu.memory_space<hbm>>, %arg4: memref<320000xi32, #tpu.memory_space<hbm>>, %arg5: memref<160000xi32, #tpu.memory_space<hbm>>, %arg6: memref<512x128xf32, #tpu.memory_space<hbm>>, %arg7: memref<10000x128xf32, #tpu.memory_space<hbm>>, %arg8: memref<20000x128xf32, #tpu.memory_space<hbm>>, %arg9: memref<10000x128xf32, #tpu.memory_space<vmem_shared>>, %arg10: memref<80xi32, #tpu.memory_space<vmem>>, %arg11: memref<80xi32, #tpu.memory_space<vmem>>, %arg12: memref<80xi32, #tpu.memory_space<vmem>>, %arg13: memref<80x128xf32, #tpu.memory_space<vmem>>, %arg14: memref<80x128xf32, #tpu.memory_space<vmem>>, %arg15: memref<!tpu.dma_semaphore, #tpu.memory_space<semaphore_mem>>, %arg16: memref<!tpu.dma_semaphore, #tpu.memory_space<semaphore_mem>>) attributes {dimension_semantics = [#tpu.dimension_semantics<core_parallel>, #tpu.dimension_semantics<subcore_parallel>], iteration_bounds = array<i64: 2, 16>, scalar_prefetch = 0 : i64, scratch_operands = 8 : i64, tpu.core_type = #tpu.core_type<sc_vector_subcore>, window_params = [{transform_indices = #map}, {transform_indices = #map1}, {transform_indices = #map1}, {transform_indices = #map1}, {transform_indices = #map}, {transform_indices = #map}, {transform_indices = #map}]} {
    %mul3A = arith.constant 624 : i32
    %mul3A_0 = arith.muli %arg1, %mul3A : i32
    "tpu.region"() ({
      %run_scoped3A = tpu.sem_alloc : memref<!tpu.dma_semaphore, #tpu.memory_space<semaphore_mem>>
      %dma_start3A = arith.constant 0 : i32
      %dma_start3A_16 = tpu.memref_slice %arg9[%mul3A_0, %dma_start3A] : memref<10000x128xf32, #tpu.memory_space<vmem_shared>> -> memref<624x128xf32, #tpu.memory_space<vmem_shared>>
      %dma_start3A_17 = arith.constant 0 : i32
      %dma_start3A_18 = tpu.memref_slice %arg7[%mul3A_0, %dma_start3A_17] : memref<10000x128xf32, #tpu.memory_space<hbm>> -> memref<624x128xf32, #tpu.memory_space<hbm>>
      tpu.enqueue_dma source(%dma_start3A_18 : memref<624x128xf32, #tpu.memory_space<hbm>>) target(%dma_start3A_16 : memref<624x128xf32, #tpu.memory_space<vmem_shared>>) target_semaphore(%run_scoped3A : memref<!tpu.dma_semaphore, #tpu.memory_space<semaphore_mem>>)
      %dma_wait3A = arith.constant 0 : i32
      %dma_wait3A_19 = tpu.memref_slice %arg9[%mul3A_0, %dma_wait3A] : memref<10000x128xf32, #tpu.memory_space<vmem_shared>> -> memref<624x128xf32, #tpu.memory_space<vmem_shared>>
      %dma_wait3A_20 = arith.constant 0 : i32
      %dma_wait3A_21 = tpu.memref_slice %arg7[%mul3A_0, %dma_wait3A_20] : memref<10000x128xf32, #tpu.memory_space<hbm>> -> memref<624x128xf32, #tpu.memory_space<hbm>>
      tpu.wait_dma2 semaphore(%run_scoped3A : memref<!tpu.dma_semaphore, #tpu.memory_space<semaphore_mem>>) src(%dma_wait3A_21 : memref<624x128xf32, #tpu.memory_space<hbm>>) dst(%dma_wait3A_19 : memref<624x128xf32, #tpu.memory_space<vmem_shared>>)
      tpu.yield
    }) : () -> ()
    %eq3A = arith.constant 15 : i32
    %eq3A_1 = arith.cmpi eq, %arg1, %eq3A : i32
    %convert_element_type3A = arith.extui %eq3A_1 : i1 to i32
    %cond3A = arith.constant 0 : i32
    %cond3A_2 = arith.cmpi ne, %convert_element_type3A, %cond3A : i32
    scf.if %cond3A_2 {
      "tpu.region"() ({
        %run_scoped3A = tpu.sem_alloc : memref<!tpu.dma_semaphore, #tpu.memory_space<semaphore_mem>>
        %dma_start3A = arith.constant 9984 : i32
        %dma_start3A_16 = arith.constant 0 : i32
        %dma_start3A_17 = tpu.memref_slice %arg9[%dma_start3A, %dma_start3A_16] : memref<10000x128xf32, #tpu.memory_space<vmem_shared>> -> memref<16x128xf32, #tpu.memory_space<vmem_shared>>
        %dma_start3A_18 = arith.constant 9984 : i32
        %dma_start3A_19 = arith.constant 0 : i32
        %dma_start3A_20 = tpu.memref_slice %arg7[%dma_start3A_18, %dma_start3A_19] : memref<10000x128xf32, #tpu.memory_space<hbm>> -> memref<16x128xf32, #tpu.memory_space<hbm>>
        tpu.enqueue_dma source(%dma_start3A_20 : memref<16x128xf32, #tpu.memory_space<hbm>>) target(%dma_start3A_17 : memref<16x128xf32, #tpu.memory_space<vmem_shared>>) target_semaphore(%run_scoped3A : memref<!tpu.dma_semaphore, #tpu.memory_space<semaphore_mem>>)
        %dma_wait3A = arith.constant 9984 : i32
        %dma_wait3A_21 = arith.constant 0 : i32
        %dma_wait3A_22 = tpu.memref_slice %arg9[%dma_wait3A, %dma_wait3A_21] : memref<10000x128xf32, #tpu.memory_space<vmem_shared>> -> memref<16x128xf32, #tpu.memory_space<vmem_shared>>
        %dma_wait3A_23 = arith.constant 9984 : i32
        %dma_wait3A_24 = arith.constant 0 : i32
        %dma_wait3A_25 = tpu.memref_slice %arg7[%dma_wait3A_23, %dma_wait3A_24] : memref<10000x128xf32, #tpu.memory_space<hbm>> -> memref<16x128xf32, #tpu.memory_space<hbm>>
        tpu.wait_dma2 semaphore(%run_scoped3A : memref<!tpu.dma_semaphore, #tpu.memory_space<semaphore_mem>>) src(%dma_wait3A_25 : memref<16x128xf32, #tpu.memory_space<hbm>>) dst(%dma_wait3A_22 : memref<16x128xf32, #tpu.memory_space<vmem_shared>>)
        tpu.yield
      }) : () -> ()
    } else {
    }
    %barrier3A = arith.constant 0 : index
    tpu.barrier barrier_id(%barrier3A)
    %scan3A = arith.constant 0 : i32
    %scan3A_3 = arith.constant 0 : i32
    %scan3A_4 = arith.constant 125 : i32
    %scan3A_5 = arith.addi %scan3A_3, %scan3A_4 : i32
    %scan3A_6 = arith.constant 1 : i32
    scf.for %scan3A_16 = %scan3A_3 to %scan3A_5 step %scan3A_6  : i32 {
      %mul3A_17 = arith.constant 10000 : i32
      %mul3A_18 = arith.muli %arg1, %mul3A_17 : i32
      %mul3A_19 = arith.constant 80 : i32
      %mul3A_20 = arith.muli %scan3A_16, %mul3A_19 : i32
      %add3A_21 = arith.addi %mul3A_18, %mul3A_20 : i32
      %mul3A_22 = arith.constant 160000 : i32
      %mul3A_23 = arith.muli %arg0, %mul3A_22 : i32
      %add3A_24 = arith.addi %mul3A_23, %add3A_21 : i32
      "tpu.region"() ({
        %run_scoped3A = tpu.sem_alloc : memref<!tpu.dma_semaphore, #tpu.memory_space<semaphore_mem>>
        %dma_start3A_44 = tpu.memref_slice %arg3[%add3A_24] : memref<320000xi32, #tpu.memory_space<hbm>> -> memref<80xi32, #tpu.memory_space<hbm>>
        %dma_start3A_45 = tpu.memref_slice %arg3[%add3A_24] : memref<320000xi32, #tpu.memory_space<hbm>> -> memref<80xi32, #tpu.memory_space<hbm>>
        tpu.enqueue_dma source(%dma_start3A_45 : memref<80xi32, #tpu.memory_space<hbm>>) target(%arg10 : memref<80xi32, #tpu.memory_space<vmem>>) target_semaphore(%run_scoped3A : memref<!tpu.dma_semaphore, #tpu.memory_space<semaphore_mem>>)
        %dma_wait3A_46 = tpu.memref_slice %arg3[%add3A_24] : memref<320000xi32, #tpu.memory_space<hbm>> -> memref<80xi32, #tpu.memory_space<hbm>>
        %dma_wait3A_47 = tpu.memref_slice %arg3[%add3A_24] : memref<320000xi32, #tpu.memory_space<hbm>> -> memref<80xi32, #tpu.memory_space<hbm>>
        tpu.wait_dma2 semaphore(%run_scoped3A : memref<!tpu.dma_semaphore, #tpu.memory_space<semaphore_mem>>) src(%dma_wait3A_47 : memref<80xi32, #tpu.memory_space<hbm>>) dst(%arg10 : memref<80xi32, #tpu.memory_space<vmem>>)
        tpu.yield
      }) : () -> ()
      %mul3A_25 = arith.constant 160000 : i32
      %mul3A_26 = arith.muli %arg0, %mul3A_25 : i32
      %add3A_27 = arith.addi %mul3A_26, %add3A_21 : i32
      "tpu.region"() ({
        %run_scoped3A = tpu.sem_alloc : memref<!tpu.dma_semaphore, #tpu.memory_space<semaphore_mem>>
        %dma_start3A_44 = tpu.memref_slice %arg4[%add3A_27] : memref<320000xi32, #tpu.memory_space<hbm>> -> memref<80xi32, #tpu.memory_space<hbm>>
        %dma_start3A_45 = tpu.memref_slice %arg4[%add3A_27] : memref<320000xi32, #tpu.memory_space<hbm>> -> memref<80xi32, #tpu.memory_space<hbm>>
        tpu.enqueue_dma source(%dma_start3A_45 : memref<80xi32, #tpu.memory_space<hbm>>) target(%arg11 : memref<80xi32, #tpu.memory_space<vmem>>) target_semaphore(%run_scoped3A : memref<!tpu.dma_semaphore, #tpu.memory_space<semaphore_mem>>)
        %dma_wait3A_46 = tpu.memref_slice %arg4[%add3A_27] : memref<320000xi32, #tpu.memory_space<hbm>> -> memref<80xi32, #tpu.memory_space<hbm>>
        %dma_wait3A_47 = tpu.memref_slice %arg4[%add3A_27] : memref<320000xi32, #tpu.memory_space<hbm>> -> memref<80xi32, #tpu.memory_space<hbm>>
        tpu.wait_dma2 semaphore(%run_scoped3A : memref<!tpu.dma_semaphore, #tpu.memory_space<semaphore_mem>>) src(%dma_wait3A_47 : memref<80xi32, #tpu.memory_space<hbm>>) dst(%arg11 : memref<80xi32, #tpu.memory_space<vmem>>)
        tpu.yield
      }) : () -> ()
      "tpu.region"() ({
        %run_scoped3A = tpu.sem_alloc : memref<!tpu.dma_semaphore, #tpu.memory_space<semaphore_mem>>
        %dma_start3A_44 = tpu.memref_slice %arg5[%add3A_21] : memref<160000xi32, #tpu.memory_space<hbm>> -> memref<80xi32, #tpu.memory_space<hbm>>
        %dma_start3A_45 = tpu.memref_slice %arg5[%add3A_21] : memref<160000xi32, #tpu.memory_space<hbm>> -> memref<80xi32, #tpu.memory_space<hbm>>
        tpu.enqueue_dma source(%dma_start3A_45 : memref<80xi32, #tpu.memory_space<hbm>>) target(%arg12 : memref<80xi32, #tpu.memory_space<vmem>>) target_semaphore(%run_scoped3A : memref<!tpu.dma_semaphore, #tpu.memory_space<semaphore_mem>>)
        %dma_wait3A_46 = tpu.memref_slice %arg5[%add3A_21] : memref<160000xi32, #tpu.memory_space<hbm>> -> memref<80xi32, #tpu.memory_space<hbm>>
        %dma_wait3A_47 = tpu.memref_slice %arg5[%add3A_21] : memref<160000xi32, #tpu.memory_space<hbm>> -> memref<80xi32, #tpu.memory_space<hbm>>
        tpu.wait_dma2 semaphore(%run_scoped3A : memref<!tpu.dma_semaphore, #tpu.memory_space<semaphore_mem>>) src(%dma_wait3A_47 : memref<80xi32, #tpu.memory_space<hbm>>) dst(%arg12 : memref<80xi32, #tpu.memory_space<vmem>>)
        tpu.yield
      }) : () -> ()
      %dma_start3A = arith.constant 0 : i32
      %dma_start3A_28 = arith.constant 0 : i32
      %dma_start3A_29 = tpu.memref_slice %arg6[%dma_start3A, %dma_start3A_28] : memref<512x128xf32, #tpu.memory_space<hbm>> -> memref<512x128xf32, #tpu.memory_space<hbm>>
      tpu.enqueue_indirect_dma source(%dma_start3A_29 : memref<512x128xf32, #tpu.memory_space<hbm>>) target(%arg13 : memref<80x128xf32, #tpu.memory_space<vmem>>) offsets(%arg11 : memref<80xi32, #tpu.memory_space<vmem>>) semaphore(%arg15 : memref<!tpu.dma_semaphore, #tpu.memory_space<semaphore_mem>>)
      %dma_start3A_30 = arith.constant 0 : i32
      %dma_start3A_31 = arith.constant 0 : i32
      %dma_start3A_32 = tpu.memref_slice %arg2[%dma_start3A_30, %dma_start3A_31] : memref<20000x128xf32, #tpu.memory_space<hbm>> -> memref<20000x128xf32, #tpu.memory_space<hbm>>
      tpu.enqueue_indirect_dma source(%dma_start3A_32 : memref<20000x128xf32, #tpu.memory_space<hbm>>) target(%arg14 : memref<80x128xf32, #tpu.memory_space<vmem>>) offsets(%arg10 : memref<80xi32, #tpu.memory_space<vmem>>) semaphore(%arg16 : memref<!tpu.dma_semaphore, #tpu.memory_space<semaphore_mem>>)
      %dma_wait3A = arith.constant 0 : i32
      %dma_wait3A_33 = arith.constant 0 : i32
      %dma_wait3A_34 = tpu.memref_slice %arg6[%dma_wait3A, %dma_wait3A_33] : memref<512x128xf32, #tpu.memory_space<hbm>> -> memref<512x128xf32, #tpu.memory_space<hbm>>
      tpu.wait_indirect_dma semaphore(%arg15 : memref<!tpu.dma_semaphore, #tpu.memory_space<semaphore_mem>>) src(%dma_wait3A_34 : memref<512x128xf32, #tpu.memory_space<hbm>>) dst(%arg13 : memref<80x128xf32, #tpu.memory_space<vmem>>)
      %dma_wait3A_35 = arith.constant 0 : i32
      %dma_wait3A_36 = arith.constant 0 : i32
      %dma_wait3A_37 = tpu.memref_slice %arg2[%dma_wait3A_35, %dma_wait3A_36] : memref<20000x128xf32, #tpu.memory_space<hbm>> -> memref<20000x128xf32, #tpu.memory_space<hbm>>
      tpu.wait_indirect_dma semaphore(%arg16 : memref<!tpu.dma_semaphore, #tpu.memory_space<semaphore_mem>>) src(%dma_wait3A_37 : memref<20000x128xf32, #tpu.memory_space<hbm>>) dst(%arg14 : memref<80x128xf32, #tpu.memory_space<vmem>>)
      %scan3A_38 = arith.constant 0 : i32
      %scan3A_39 = arith.constant 0 : i32
      %scan3A_40 = arith.constant 80 : i32
      %scan3A_41 = arith.addi %scan3A_39, %scan3A_40 : i32
      %scan3A_42 = arith.constant 1 : i32
      scf.for %scan3A_44 = %scan3A_39 to %scan3A_41 step %scan3A_42  : i32 {
        %get3A = arith.index_cast %scan3A_44 : i32 to index
        %get3A_45 = arith.constant 0 : index
        %get3A_46 = tpu.vector_load %arg13[%get3A, %get3A_45] {strides = array<i32>} : memref<80x128xf32, #tpu.memory_space<vmem>>, vector<1x16xf32>,
        %get3A_47 = vector.shape_cast %get3A_46 : vector<1x16xf32> to vector<16xf32>
        %get3A_48 = arith.index_cast %scan3A_44 : i32 to index
        %get3A_49 = arith.constant 0 : index
        %get3A_50 = tpu.vector_load %arg14[%get3A_48, %get3A_49] {strides = array<i32>} : memref<80x128xf32, #tpu.memory_space<vmem>>, vector<1x16xf32>,
        %get3A_51 = vector.shape_cast %get3A_50 : vector<1x16xf32> to vector<16xf32>
        %add3A_52 = arith.addf %get3A_47, %get3A_51 : vector<16xf32>
        %max3A = arith.constant 0.000000e+00 : f32
        %max3A_53 = vector.broadcast %max3A : f32 to vector<16xf32>
        %max3A_54 = arith.maximumf %add3A_52, %max3A_53 : vector<16xf32>
        %swap3A = arith.index_cast %scan3A_44 : i32 to index
        %swap3A_55 = arith.constant 0 : index
        %swap3A_56 = tpu.vector_load %arg13[%swap3A, %swap3A_55] {strides = array<i32>} : memref<80x128xf32, #tpu.memory_space<vmem>>, vector<1x16xf32>,
        %swap3A_57 = vector.shape_cast %swap3A_56 : vector<1x16xf32> to vector<16xf32>
        %swap3A_58 = vector.shape_cast %max3A_54 : vector<16xf32> to vector<1x16xf32>
        tpu.vector_store %arg13[%swap3A, %swap3A_55], %swap3A_58 {strides = array<i32>} : memref<80x128xf32, #tpu.memory_space<vmem>>, vector<1x16xf32>,
        %get3A_59 = arith.index_cast %scan3A_44 : i32 to index
        %get3A_60 = arith.constant 16 : index
        %get3A_61 = tpu.vector_load %arg13[%get3A_59, %get3A_60] {strides = array<i32>} : memref<80x128xf32, #tpu.memory_space<vmem>>, vector<1x16xf32>,
        %get3A_62 = vector.shape_cast %get3A_61 : vector<1x16xf32> to vector<16xf32>
        %get3A_63 = arith.index_cast %scan3A_44 : i32 to index
        %get3A_64 = arith.constant 16 : index
        %get3A_65 = tpu.vector_load %arg14[%get3A_63, %get3A_64] {strides = array<i32>} : memref<80x128xf32, #tpu.memory_space<vmem>>, vector<1x16xf32>,
        %get3A_66 = vector.shape_cast %get3A_65 : vector<1x16xf32> to vector<16xf32>
        %add3A_67 = arith.addf %get3A_62, %get3A_66 : vector<16xf32>
        %max3A_68 = arith.constant 0.000000e+00 : f32
        %max3A_69 = vector.broadcast %max3A_68 : f32 to vector<16xf32>
        %max3A_70 = arith.maximumf %add3A_67, %max3A_69 : vector<16xf32>
        %swap3A_71 = arith.index_cast %scan3A_44 : i32 to index
        %swap3A_72 = arith.constant 16 : index
        %swap3A_73 = tpu.vector_load %arg13[%swap3A_71, %swap3A_72] {strides = array<i32>} : memref<80x128xf32, #tpu.memory_space<vmem>>, vector<1x16xf32>,
        %swap3A_74 = vector.shape_cast %swap3A_73 : vector<1x16xf32> to vector<16xf32>
        %swap3A_75 = vector.shape_cast %max3A_70 : vector<16xf32> to vector<1x16xf32>
        tpu.vector_store %arg13[%swap3A_71, %swap3A_72], %swap3A_75 {strides = array<i32>} : memref<80x128xf32, #tpu.memory_space<vmem>>, vector<1x16xf32>,
        %get3A_76 = arith.index_cast %scan3A_44 : i32 to index
        %get3A_77 = arith.constant 32 : index
        %get3A_78 = tpu.vector_load %arg13[%get3A_76, %get3A_77] {strides = array<i32>} : memref<80x128xf32, #tpu.memory_space<vmem>>, vector<1x16xf32>,
        %get3A_79 = vector.shape_cast %get3A_78 : vector<1x16xf32> to vector<16xf32>
        %get3A_80 = arith.index_cast %scan3A_44 : i32 to index
        %get3A_81 = arith.constant 32 : index
        %get3A_82 = tpu.vector_load %arg14[%get3A_80, %get3A_81] {strides = array<i32>} : memref<80x128xf32, #tpu.memory_space<vmem>>, vector<1x16xf32>,
        %get3A_83 = vector.shape_cast %get3A_82 : vector<1x16xf32> to vector<16xf32>
        %add3A_84 = arith.addf %get3A_79, %get3A_83 : vector<16xf32>
        %max3A_85 = arith.constant 0.000000e+00 : f32
        %max3A_86 = vector.broadcast %max3A_85 : f32 to vector<16xf32>
        %max3A_87 = arith.maximumf %add3A_84, %max3A_86 : vector<16xf32>
        %swap3A_88 = arith.index_cast %scan3A_44 : i32 to index
        %swap3A_89 = arith.constant 32 : index
        %swap3A_90 = tpu.vector_load %arg13[%swap3A_88, %swap3A_89] {strides = array<i32>} : memref<80x128xf32, #tpu.memory_space<vmem>>, vector<1x16xf32>,
        %swap3A_91 = vector.shape_cast %swap3A_90 : vector<1x16xf32> to vector<16xf32>
        %swap3A_92 = vector.shape_cast %max3A_87 : vector<16xf32> to vector<1x16xf32>
        tpu.vector_store %arg13[%swap3A_88, %swap3A_89], %swap3A_92 {strides = array<i32>} : memref<80x128xf32, #tpu.memory_space<vmem>>, vector<1x16xf32>,
        %get3A_93 = arith.index_cast %scan3A_44 : i32 to index
        %get3A_94 = arith.constant 48 : index
        %get3A_95 = tpu.vector_load %arg13[%get3A_93, %get3A_94] {strides = array<i32>} : memref<80x128xf32, #tpu.memory_space<vmem>>, vector<1x16xf32>,
        %get3A_96 = vector.shape_cast %get3A_95 : vector<1x16xf32> to vector<16xf32>
        %get3A_97 = arith.index_cast %scan3A_44 : i32 to index
        %get3A_98 = arith.constant 48 : index
        %get3A_99 = tpu.vector_load %arg14[%get3A_97, %get3A_98] {strides = array<i32>} : memref<80x128xf32, #tpu.memory_space<vmem>>, vector<1x16xf32>,
        %get3A_100 = vector.shape_cast %get3A_99 : vector<1x16xf32> to vector<16xf32>
        %add3A_101 = arith.addf %get3A_96, %get3A_100 : vector<16xf32>
        %max3A_102 = arith.constant 0.000000e+00 : f32
        %max3A_103 = vector.broadcast %max3A_102 : f32 to vector<16xf32>
        %max3A_104 = arith.maximumf %add3A_101, %max3A_103 : vector<16xf32>
        %swap3A_105 = arith.index_cast %scan3A_44 : i32 to index
        %swap3A_106 = arith.constant 48 : index
        %swap3A_107 = tpu.vector_load %arg13[%swap3A_105, %swap3A_106] {strides = array<i32>} : memref<80x128xf32, #tpu.memory_space<vmem>>, vector<1x16xf32>,
        %swap3A_108 = vector.shape_cast %swap3A_107 : vector<1x16xf32> to vector<16xf32>
        %swap3A_109 = vector.shape_cast %max3A_104 : vector<16xf32> to vector<1x16xf32>
        tpu.vector_store %arg13[%swap3A_105, %swap3A_106], %swap3A_109 {strides = array<i32>} : memref<80x128xf32, #tpu.memory_space<vmem>>, vector<1x16xf32>,
        %get3A_110 = arith.index_cast %scan3A_44 : i32 to index
        %get3A_111 = arith.constant 64 : index
        %get3A_112 = tpu.vector_load %arg13[%get3A_110, %get3A_111] {strides = array<i32>} : memref<80x128xf32, #tpu.memory_space<vmem>>, vector<1x16xf32>,
        %get3A_113 = vector.shape_cast %get3A_112 : vector<1x16xf32> to vector<16xf32>
        %get3A_114 = arith.index_cast %scan3A_44 : i32 to index
        %get3A_115 = arith.constant 64 : index
        %get3A_116 = tpu.vector_load %arg14[%get3A_114, %get3A_115] {strides = array<i32>} : memref<80x128xf32, #tpu.memory_space<vmem>>, vector<1x16xf32>,
        %get3A_117 = vector.shape_cast %get3A_116 : vector<1x16xf32> to vector<16xf32>
        %add3A_118 = arith.addf %get3A_113, %get3A_117 : vector<16xf32>
        %max3A_119 = arith.constant 0.000000e+00 : f32
        %max3A_120 = vector.broadcast %max3A_119 : f32 to vector<16xf32>
        %max3A_121 = arith.maximumf %add3A_118, %max3A_120 : vector<16xf32>
        %swap3A_122 = arith.index_cast %scan3A_44 : i32 to index
        %swap3A_123 = arith.constant 64 : index
        %swap3A_124 = tpu.vector_load %arg13[%swap3A_122, %swap3A_123] {strides = array<i32>} : memref<80x128xf32, #tpu.memory_space<vmem>>, vector<1x16xf32>,
        %swap3A_125 = vector.shape_cast %swap3A_124 : vector<1x16xf32> to vector<16xf32>
        %swap3A_126 = vector.shape_cast %max3A_121 : vector<16xf32> to vector<1x16xf32>
        tpu.vector_store %arg13[%swap3A_122, %swap3A_123], %swap3A_126 {strides = array<i32>} : memref<80x128xf32, #tpu.memory_space<vmem>>, vector<1x16xf32>,
        %get3A_127 = arith.index_cast %scan3A_44 : i32 to index
        %get3A_128 = arith.constant 80 : index
        %get3A_129 = tpu.vector_load %arg13[%get3A_127, %get3A_128] {strides = array<i32>} : memref<80x128xf32, #tpu.memory_space<vmem>>, vector<1x16xf32>,
        %get3A_130 = vector.shape_cast %get3A_129 : vector<1x16xf32> to vector<16xf32>
        %get3A_131 = arith.index_cast %scan3A_44 : i32 to index
        %get3A_132 = arith.constant 80 : index
        %get3A_133 = tpu.vector_load %arg14[%get3A_131, %get3A_132] {strides = array<i32>} : memref<80x128xf32, #tpu.memory_space<vmem>>, vector<1x16xf32>,
        %get3A_134 = vector.shape_cast %get3A_133 : vector<1x16xf32> to vector<16xf32>
        %add3A_135 = arith.addf %get3A_130, %get3A_134 : vector<16xf32>
        %max3A_136 = arith.constant 0.000000e+00 : f32
        %max3A_137 = vector.broadcast %max3A_136 : f32 to vector<16xf32>
        %max3A_138 = arith.maximumf %add3A_135, %max3A_137 : vector<16xf32>
        %swap3A_139 = arith.index_cast %scan3A_44 : i32 to index
        %swap3A_140 = arith.constant 80 : index
        %swap3A_141 = tpu.vector_load %arg13[%swap3A_139, %swap3A_140] {strides = array<i32>} : memref<80x128xf32, #tpu.memory_space<vmem>>, vector<1x16xf32>,
        %swap3A_142 = vector.shape_cast %swap3A_141 : vector<1x16xf32> to vector<16xf32>
        %swap3A_143 = vector.shape_cast %max3A_138 : vector<16xf32> to vector<1x16xf32>
        tpu.vector_store %arg13[%swap3A_139, %swap3A_140], %swap3A_143 {strides = array<i32>} : memref<80x128xf32, #tpu.memory_space<vmem>>, vector<1x16xf32>,
        %get3A_144 = arith.index_cast %scan3A_44 : i32 to index
        %get3A_145 = arith.constant 96 : index
        %get3A_146 = tpu.vector_load %arg13[%get3A_144, %get3A_145] {strides = array<i32>} : memref<80x128xf32, #tpu.memory_space<vmem>>, vector<1x16xf32>,
        %get3A_147 = vector.shape_cast %get3A_146 : vector<1x16xf32> to vector<16xf32>
        %get3A_148 = arith.index_cast %scan3A_44 : i32 to index
        %get3A_149 = arith.constant 96 : index
        %get3A_150 = tpu.vector_load %arg14[%get3A_148, %get3A_149] {strides = array<i32>} : memref<80x128xf32, #tpu.memory_space<vmem>>, vector<1x16xf32>,
        %get3A_151 = vector.shape_cast %get3A_150 : vector<1x16xf32> to vector<16xf32>
        %add3A_152 = arith.addf %get3A_147, %get3A_151 : vector<16xf32>
        %max3A_153 = arith.constant 0.000000e+00 : f32
        %max3A_154 = vector.broadcast %max3A_153 : f32 to vector<16xf32>
        %max3A_155 = arith.maximumf %add3A_152, %max3A_154 : vector<16xf32>
        %swap3A_156 = arith.index_cast %scan3A_44 : i32 to index
        %swap3A_157 = arith.constant 96 : index
        %swap3A_158 = tpu.vector_load %arg13[%swap3A_156, %swap3A_157] {strides = array<i32>} : memref<80x128xf32, #tpu.memory_space<vmem>>, vector<1x16xf32>,
        %swap3A_159 = vector.shape_cast %swap3A_158 : vector<1x16xf32> to vector<16xf32>
        %swap3A_160 = vector.shape_cast %max3A_155 : vector<16xf32> to vector<1x16xf32>
        tpu.vector_store %arg13[%swap3A_156, %swap3A_157], %swap3A_160 {strides = array<i32>} : memref<80x128xf32, #tpu.memory_space<vmem>>, vector<1x16xf32>,
        %get3A_161 = arith.index_cast %scan3A_44 : i32 to index
        %get3A_162 = arith.constant 112 : index
        %get3A_163 = tpu.vector_load %arg13[%get3A_161, %get3A_162] {strides = array<i32>} : memref<80x128xf32, #tpu.memory_space<vmem>>, vector<1x16xf32>,
        %get3A_164 = vector.shape_cast %get3A_163 : vector<1x16xf32> to vector<16xf32>
        %get3A_165 = arith.index_cast %scan3A_44 : i32 to index
        %get3A_166 = arith.constant 112 : index
        %get3A_167 = tpu.vector_load %arg14[%get3A_165, %get3A_166] {strides = array<i32>} : memref<80x128xf32, #tpu.memory_space<vmem>>, vector<1x16xf32>,
        %get3A_168 = vector.shape_cast %get3A_167 : vector<1x16xf32> to vector<16xf32>
        %add3A_169 = arith.addf %get3A_164, %get3A_168 : vector<16xf32>
        %max3A_170 = arith.constant 0.000000e+00 : f32
        %max3A_171 = vector.broadcast %max3A_170 : f32 to vector<16xf32>
        %max3A_172 = arith.maximumf %add3A_169, %max3A_171 : vector<16xf32>
        %swap3A_173 = arith.index_cast %scan3A_44 : i32 to index
        %swap3A_174 = arith.constant 112 : index
        %swap3A_175 = tpu.vector_load %arg13[%swap3A_173, %swap3A_174] {strides = array<i32>} : memref<80x128xf32, #tpu.memory_space<vmem>>, vector<1x16xf32>,
        %swap3A_176 = vector.shape_cast %swap3A_175 : vector<1x16xf32> to vector<16xf32>
        %swap3A_177 = vector.shape_cast %max3A_172 : vector<16xf32> to vector<1x16xf32>
        tpu.vector_store %arg13[%swap3A_173, %swap3A_174], %swap3A_177 {strides = array<i32>} : memref<80x128xf32, #tpu.memory_space<vmem>>, vector<1x16xf32>,
      }
      %scan3A_43 = arith.constant 80 : i32
      "tpu.region"() ({
        %run_scoped3A = tpu.sem_alloc : memref<!tpu.dma_semaphore, #tpu.memory_space<semaphore_mem>>
        %dma_start3A_44 = arith.constant 0 : i32
        %dma_start3A_45 = arith.constant 0 : i32
        %dma_start3A_46 = tpu.memref_slice %arg9[%dma_start3A_44, %dma_start3A_45] : memref<10000x128xf32, #tpu.memory_space<vmem_shared>> -> memref<10000x128xf32, #tpu.memory_space<vmem_shared>>
        tpu.enqueue_indirect_dma source(%arg13 : memref<80x128xf32, #tpu.memory_space<vmem>>) target(%dma_start3A_46 : memref<10000x128xf32, #tpu.memory_space<vmem_shared>>) offsets(%arg12 : memref<80xi32, #tpu.memory_space<vmem>>) semaphore(%run_scoped3A : memref<!tpu.dma_semaphore, #tpu.memory_space<semaphore_mem>>) {add = true}
        %dma_wait3A_47 = arith.constant 0 : i32
        %dma_wait3A_48 = arith.constant 0 : i32
        %dma_wait3A_49 = tpu.memref_slice %arg9[%dma_wait3A_47, %dma_wait3A_48] : memref<10000x128xf32, #tpu.memory_space<vmem_shared>> -> memref<10000x128xf32, #tpu.memory_space<vmem_shared>>
        tpu.wait_indirect_dma semaphore(%run_scoped3A : memref<!tpu.dma_semaphore, #tpu.memory_space<semaphore_mem>>) src(%arg13 : memref<80x128xf32, #tpu.memory_space<vmem>>) dst(%dma_wait3A_49 : memref<10000x128xf32, #tpu.memory_space<vmem_shared>>)
        tpu.yield
      }) : () -> ()
    }
    %scan3A_7 = arith.constant 125 : i32
    %barrier3A_8 = arith.constant 0 : index
    tpu.barrier barrier_id(%barrier3A_8)
    %mul3A_9 = arith.constant 10000 : i32
    %mul3A_10 = arith.muli %arg0, %mul3A_9 : i32
    %add3A = arith.addi %mul3A_10, %mul3A_0 : i32
    "tpu.region"() ({
      %run_scoped3A = tpu.sem_alloc : memref<!tpu.dma_semaphore, #tpu.memory_space<semaphore_mem>>
      %dma_start3A = arith.constant 0 : i32
      %dma_start3A_16 = tpu.memref_slice %arg8[%add3A, %dma_start3A] : memref<20000x128xf32, #tpu.memory_space<hbm>> -> memref<624x128xf32, #tpu.memory_space<hbm>>
      %dma_start3A_17 = arith.constant 0 : i32
      %dma_start3A_18 = tpu.memref_slice %arg9[%mul3A_0, %dma_start3A_17] : memref<10000x128xf32, #tpu.memory_space<vmem_shared>> -> memref<624x128xf32, #tpu.memory_space<vmem_shared>>
      tpu.enqueue_dma source(%dma_start3A_18 : memref<624x128xf32, #tpu.memory_space<vmem_shared>>) target(%dma_start3A_16 : memref<624x128xf32, #tpu.memory_space<hbm>>) target_semaphore(%run_scoped3A : memref<!tpu.dma_semaphore, #tpu.memory_space<semaphore_mem>>)
      %dma_wait3A = arith.constant 0 : i32
      %dma_wait3A_19 = tpu.memref_slice %arg8[%add3A, %dma_wait3A] : memref<20000x128xf32, #tpu.memory_space<hbm>> -> memref<624x128xf32, #tpu.memory_space<hbm>>
      %dma_wait3A_20 = arith.constant 0 : i32
      %dma_wait3A_21 = tpu.memref_slice %arg9[%mul3A_0, %dma_wait3A_20] : memref<10000x128xf32, #tpu.memory_space<vmem_shared>> -> memref<624x128xf32, #tpu.memory_space<vmem_shared>>
      tpu.wait_dma2 semaphore(%run_scoped3A : memref<!tpu.dma_semaphore, #tpu.memory_space<semaphore_mem>>) src(%dma_wait3A_21 : memref<624x128xf32, #tpu.memory_space<vmem_shared>>) dst(%dma_wait3A_19 : memref<624x128xf32, #tpu.memory_space<hbm>>)
      tpu.yield
    }) : () -> ()
    %eq3A_11 = arith.constant 15 : i32
    %eq3A_12 = arith.cmpi eq, %arg1, %eq3A_11 : i32
    %convert_element_type3A_13 = arith.extui %eq3A_12 : i1 to i32
    %cond3A_14 = arith.constant 0 : i32
    %cond3A_15 = arith.cmpi ne, %convert_element_type3A_13, %cond3A_14 : i32
    scf.if %cond3A_15 {
      %mul3A_16 = arith.constant 10000 : i32
      %mul3A_17 = arith.muli %arg0, %mul3A_16 : i32
      %add3A_18 = arith.constant 9984 : i32
      %add3A_19 = arith.addi %mul3A_17, %add3A_18 : i32
      "tpu.region"() ({
        %run_scoped3A = tpu.sem_alloc : memref<!tpu.dma_semaphore, #tpu.memory_space<semaphore_mem>>
        %dma_start3A = arith.constant 0 : i32
        %dma_start3A_20 = tpu.memref_slice %arg8[%add3A_19, %dma_start3A] : memref<20000x128xf32, #tpu.memory_space<hbm>> -> memref<16x128xf32, #tpu.memory_space<hbm>>
        %dma_start3A_21 = arith.constant 9984 : i32
        %dma_start3A_22 = arith.constant 0 : i32
        %dma_start3A_23 = tpu.memref_slice %arg9[%dma_start3A_21, %dma_start3A_22] : memref<10000x128xf32, #tpu.memory_space<vmem_shared>> -> memref<16x128xf32, #tpu.memory_space<vmem_shared>>
        tpu.enqueue_dma source(%dma_start3A_23 : memref<16x128xf32, #tpu.memory_space<vmem_shared>>) target(%dma_start3A_20 : memref<16x128xf32, #tpu.memory_space<hbm>>) target_semaphore(%run_scoped3A : memref<!tpu.dma_semaphore, #tpu.memory_space<semaphore_mem>>)
        %dma_wait3A = arith.constant 0 : i32
        %dma_wait3A_24 = tpu.memref_slice %arg8[%add3A_19, %dma_wait3A] : memref<20000x128xf32, #tpu.memory_space<hbm>> -> memref<16x128xf32, #tpu.memory_space<hbm>>
        %dma_wait3A_25 = arith.constant 9984 : i32
        %dma_wait3A_26 = arith.constant 0 : i32
        %dma_wait3A_27 = tpu.memref_slice %arg9[%dma_wait3A_25, %dma_wait3A_26] : memref<10000x128xf32, #tpu.memory_space<vmem_shared>> -> memref<16x128xf32, #tpu.memory_space<vmem_shared>>
        tpu.wait_dma2 semaphore(%run_scoped3A : memref<!tpu.dma_semaphore, #tpu.memory_space<semaphore_mem>>) src(%dma_wait3A_27 : memref<16x128xf32, #tpu.memory_space<vmem_shared>>) dst(%dma_wait3A_24 : memref<16x128xf32, #tpu.memory_space<hbm>>)
        tpu.yield
      }) : () -> ()
    } else {
    }
    return
  }
}

#map = affine_map<(d0, d1) -> (0, 0)>
#map1 = affine_map<(d0, d1) -> (0)>
module attributes {stable_mosaic.version = 14 : i64} {
  func.func @_sc_msg_body(%arg0: i32, %arg1: i32, %arg2: memref<20000x128xf32, #tpu.memory_space<hbm>>, %arg3: memref<320000xi32, #tpu.memory_space<hbm>>, %arg4: memref<320000xi32, #tpu.memory_space<hbm>>, %arg5: memref<160000xi32, #tpu.memory_space<hbm>>, %arg6: memref<512x128xf32, #tpu.memory_space<hbm>>, %arg7: memref<10000x128xf32, #tpu.memory_space<hbm>>, %arg8: memref<20000x128xf32, #tpu.memory_space<hbm>>, %arg9: memref<10000x128xf32, #tpu.memory_space<vmem_shared>>, %arg10: memref<80xi32, #tpu.memory_space<vmem>>, %arg11: memref<80xi32, #tpu.memory_space<vmem>>, %arg12: memref<80xi32, #tpu.memory_space<vmem>>, %arg13: memref<80x128xf32, #tpu.memory_space<vmem>>, %arg14: memref<80x128xf32, #tpu.memory_space<vmem>>, %arg15: memref<!tpu.dma_semaphore, #tpu.memory_space<semaphore_mem>>, %arg16: memref<!tpu.dma_semaphore, #tpu.memory_space<semaphore_mem>>) attributes {dimension_semantics = [#tpu.dimension_semantics<core_parallel>, #tpu.dimension_semantics<subcore_parallel>], iteration_bounds = array<i64: 2, 16>, scalar_prefetch = 0 : i64, scratch_operands = 8 : i64, tpu.core_type = #tpu.core_type<sc_vector_subcore>, window_params = [{transform_indices = #map}, {transform_indices = #map1}, {transform_indices = #map1}, {transform_indices = #map1}, {transform_indices = #map}, {transform_indices = #map}, {transform_indices = #map}]} {
    %mul3A = arith.constant 624 : i32
    %mul3A_0 = arith.muli %arg1, %mul3A : i32
    "tpu.region"() ({
      %run_scoped3A = tpu.sem_alloc : memref<!tpu.dma_semaphore, #tpu.memory_space<semaphore_mem>>
      %dma_start3A = arith.constant 0 : i32
      %dma_start3A_16 = tpu.memref_slice %arg9[%mul3A_0, %dma_start3A] : memref<10000x128xf32, #tpu.memory_space<vmem_shared>> -> memref<624x128xf32, #tpu.memory_space<vmem_shared>>
      %dma_start3A_17 = arith.constant 0 : i32
      %dma_start3A_18 = tpu.memref_slice %arg7[%mul3A_0, %dma_start3A_17] : memref<10000x128xf32, #tpu.memory_space<hbm>> -> memref<624x128xf32, #tpu.memory_space<hbm>>
      tpu.enqueue_dma source(%dma_start3A_18 : memref<624x128xf32, #tpu.memory_space<hbm>>) target(%dma_start3A_16 : memref<624x128xf32, #tpu.memory_space<vmem_shared>>) target_semaphore(%run_scoped3A : memref<!tpu.dma_semaphore, #tpu.memory_space<semaphore_mem>>)
      %dma_wait3A = arith.constant 0 : i32
      %dma_wait3A_19 = tpu.memref_slice %arg9[%mul3A_0, %dma_wait3A] : memref<10000x128xf32, #tpu.memory_space<vmem_shared>> -> memref<624x128xf32, #tpu.memory_space<vmem_shared>>
      %dma_wait3A_20 = arith.constant 0 : i32
      %dma_wait3A_21 = tpu.memref_slice %arg7[%mul3A_0, %dma_wait3A_20] : memref<10000x128xf32, #tpu.memory_space<hbm>> -> memref<624x128xf32, #tpu.memory_space<hbm>>
      tpu.wait_dma2 semaphore(%run_scoped3A : memref<!tpu.dma_semaphore, #tpu.memory_space<semaphore_mem>>) src(%dma_wait3A_21 : memref<624x128xf32, #tpu.memory_space<hbm>>) dst(%dma_wait3A_19 : memref<624x128xf32, #tpu.memory_space<vmem_shared>>)
      tpu.yield
    }) : () -> ()
    %eq3A = arith.constant 15 : i32
    %eq3A_1 = arith.cmpi eq, %arg1, %eq3A : i32
    %convert_element_type3A = arith.extui %eq3A_1 : i1 to i32
    %cond3A = arith.constant 0 : i32
    %cond3A_2 = arith.cmpi ne, %convert_element_type3A, %cond3A : i32
    scf.if %cond3A_2 {
      "tpu.region"() ({
        %run_scoped3A = tpu.sem_alloc : memref<!tpu.dma_semaphore, #tpu.memory_space<semaphore_mem>>
        %dma_start3A = arith.constant 9984 : i32
        %dma_start3A_16 = arith.constant 0 : i32
        %dma_start3A_17 = tpu.memref_slice %arg9[%dma_start3A, %dma_start3A_16] : memref<10000x128xf32, #tpu.memory_space<vmem_shared>> -> memref<16x128xf32, #tpu.memory_space<vmem_shared>>
        %dma_start3A_18 = arith.constant 9984 : i32
        %dma_start3A_19 = arith.constant 0 : i32
        %dma_start3A_20 = tpu.memref_slice %arg7[%dma_start3A_18, %dma_start3A_19] : memref<10000x128xf32, #tpu.memory_space<hbm>> -> memref<16x128xf32, #tpu.memory_space<hbm>>
        tpu.enqueue_dma source(%dma_start3A_20 : memref<16x128xf32, #tpu.memory_space<hbm>>) target(%dma_start3A_17 : memref<16x128xf32, #tpu.memory_space<vmem_shared>>) target_semaphore(%run_scoped3A : memref<!tpu.dma_semaphore, #tpu.memory_space<semaphore_mem>>)
        %dma_wait3A = arith.constant 9984 : i32
        %dma_wait3A_21 = arith.constant 0 : i32
        %dma_wait3A_22 = tpu.memref_slice %arg9[%dma_wait3A, %dma_wait3A_21] : memref<10000x128xf32, #tpu.memory_space<vmem_shared>> -> memref<16x128xf32, #tpu.memory_space<vmem_shared>>
        %dma_wait3A_23 = arith.constant 9984 : i32
        %dma_wait3A_24 = arith.constant 0 : i32
        %dma_wait3A_25 = tpu.memref_slice %arg7[%dma_wait3A_23, %dma_wait3A_24] : memref<10000x128xf32, #tpu.memory_space<hbm>> -> memref<16x128xf32, #tpu.memory_space<hbm>>
        tpu.wait_dma2 semaphore(%run_scoped3A : memref<!tpu.dma_semaphore, #tpu.memory_space<semaphore_mem>>) src(%dma_wait3A_25 : memref<16x128xf32, #tpu.memory_space<hbm>>) dst(%dma_wait3A_22 : memref<16x128xf32, #tpu.memory_space<vmem_shared>>)
        tpu.yield
      }) : () -> ()
    } else {
    }
    %barrier3A = arith.constant 0 : index
    tpu.barrier barrier_id(%barrier3A)
    %scan3A = arith.constant 0 : i32
    %scan3A_3 = arith.constant 0 : i32
    %scan3A_4 = arith.constant 125 : i32
    %scan3A_5 = arith.addi %scan3A_3, %scan3A_4 : i32
    %scan3A_6 = arith.constant 1 : i32
    scf.for %scan3A_16 = %scan3A_3 to %scan3A_5 step %scan3A_6  : i32 {
      %mul3A_17 = arith.constant 10000 : i32
      %mul3A_18 = arith.muli %arg1, %mul3A_17 : i32
      %mul3A_19 = arith.constant 80 : i32
      %mul3A_20 = arith.muli %scan3A_16, %mul3A_19 : i32
      %add3A_21 = arith.addi %mul3A_18, %mul3A_20 : i32
      %mul3A_22 = arith.constant 160000 : i32
      %mul3A_23 = arith.muli %arg0, %mul3A_22 : i32
      %add3A_24 = arith.addi %mul3A_23, %add3A_21 : i32
      "tpu.region"() ({
        %run_scoped3A = tpu.sem_alloc : memref<!tpu.dma_semaphore, #tpu.memory_space<semaphore_mem>>
        %dma_start3A_44 = tpu.memref_slice %arg3[%add3A_24] : memref<320000xi32, #tpu.memory_space<hbm>> -> memref<80xi32, #tpu.memory_space<hbm>>
        %dma_start3A_45 = tpu.memref_slice %arg3[%add3A_24] : memref<320000xi32, #tpu.memory_space<hbm>> -> memref<80xi32, #tpu.memory_space<hbm>>
        tpu.enqueue_dma source(%dma_start3A_45 : memref<80xi32, #tpu.memory_space<hbm>>) target(%arg10 : memref<80xi32, #tpu.memory_space<vmem>>) target_semaphore(%run_scoped3A : memref<!tpu.dma_semaphore, #tpu.memory_space<semaphore_mem>>)
        %dma_wait3A_46 = tpu.memref_slice %arg3[%add3A_24] : memref<320000xi32, #tpu.memory_space<hbm>> -> memref<80xi32, #tpu.memory_space<hbm>>
        %dma_wait3A_47 = tpu.memref_slice %arg3[%add3A_24] : memref<320000xi32, #tpu.memory_space<hbm>> -> memref<80xi32, #tpu.memory_space<hbm>>
        tpu.wait_dma2 semaphore(%run_scoped3A : memref<!tpu.dma_semaphore, #tpu.memory_space<semaphore_mem>>) src(%dma_wait3A_47 : memref<80xi32, #tpu.memory_space<hbm>>) dst(%arg10 : memref<80xi32, #tpu.memory_space<vmem>>)
        tpu.yield
      }) : () -> ()
      %mul3A_25 = arith.constant 160000 : i32
      %mul3A_26 = arith.muli %arg0, %mul3A_25 : i32
      %add3A_27 = arith.addi %mul3A_26, %add3A_21 : i32
      "tpu.region"() ({
        %run_scoped3A = tpu.sem_alloc : memref<!tpu.dma_semaphore, #tpu.memory_space<semaphore_mem>>
        %dma_start3A_44 = tpu.memref_slice %arg4[%add3A_27] : memref<320000xi32, #tpu.memory_space<hbm>> -> memref<80xi32, #tpu.memory_space<hbm>>
        %dma_start3A_45 = tpu.memref_slice %arg4[%add3A_27] : memref<320000xi32, #tpu.memory_space<hbm>> -> memref<80xi32, #tpu.memory_space<hbm>>
        tpu.enqueue_dma source(%dma_start3A_45 : memref<80xi32, #tpu.memory_space<hbm>>) target(%arg11 : memref<80xi32, #tpu.memory_space<vmem>>) target_semaphore(%run_scoped3A : memref<!tpu.dma_semaphore, #tpu.memory_space<semaphore_mem>>)
        %dma_wait3A_46 = tpu.memref_slice %arg4[%add3A_27] : memref<320000xi32, #tpu.memory_space<hbm>> -> memref<80xi32, #tpu.memory_space<hbm>>
        %dma_wait3A_47 = tpu.memref_slice %arg4[%add3A_27] : memref<320000xi32, #tpu.memory_space<hbm>> -> memref<80xi32, #tpu.memory_space<hbm>>
        tpu.wait_dma2 semaphore(%run_scoped3A : memref<!tpu.dma_semaphore, #tpu.memory_space<semaphore_mem>>) src(%dma_wait3A_47 : memref<80xi32, #tpu.memory_space<hbm>>) dst(%arg11 : memref<80xi32, #tpu.memory_space<vmem>>)
        tpu.yield
      }) : () -> ()
      "tpu.region"() ({
        %run_scoped3A = tpu.sem_alloc : memref<!tpu.dma_semaphore, #tpu.memory_space<semaphore_mem>>
        %dma_start3A_44 = tpu.memref_slice %arg5[%add3A_21] : memref<160000xi32, #tpu.memory_space<hbm>> -> memref<80xi32, #tpu.memory_space<hbm>>
        %dma_start3A_45 = tpu.memref_slice %arg5[%add3A_21] : memref<160000xi32, #tpu.memory_space<hbm>> -> memref<80xi32, #tpu.memory_space<hbm>>
        tpu.enqueue_dma source(%dma_start3A_45 : memref<80xi32, #tpu.memory_space<hbm>>) target(%arg12 : memref<80xi32, #tpu.memory_space<vmem>>) target_semaphore(%run_scoped3A : memref<!tpu.dma_semaphore, #tpu.memory_space<semaphore_mem>>)
        %dma_wait3A_46 = tpu.memref_slice %arg5[%add3A_21] : memref<160000xi32, #tpu.memory_space<hbm>> -> memref<80xi32, #tpu.memory_space<hbm>>
        %dma_wait3A_47 = tpu.memref_slice %arg5[%add3A_21] : memref<160000xi32, #tpu.memory_space<hbm>> -> memref<80xi32, #tpu.memory_space<hbm>>
        tpu.wait_dma2 semaphore(%run_scoped3A : memref<!tpu.dma_semaphore, #tpu.memory_space<semaphore_mem>>) src(%dma_wait3A_47 : memref<80xi32, #tpu.memory_space<hbm>>) dst(%arg12 : memref<80xi32, #tpu.memory_space<vmem>>)
        tpu.yield
      }) : () -> ()
      %dma_start3A = arith.constant 0 : i32
      %dma_start3A_28 = arith.constant 0 : i32
      %dma_start3A_29 = tpu.memref_slice %arg6[%dma_start3A, %dma_start3A_28] : memref<512x128xf32, #tpu.memory_space<hbm>> -> memref<512x128xf32, #tpu.memory_space<hbm>>
      tpu.enqueue_indirect_dma source(%dma_start3A_29 : memref<512x128xf32, #tpu.memory_space<hbm>>) target(%arg13 : memref<80x128xf32, #tpu.memory_space<vmem>>) offsets(%arg11 : memref<80xi32, #tpu.memory_space<vmem>>) semaphore(%arg15 : memref<!tpu.dma_semaphore, #tpu.memory_space<semaphore_mem>>)
      %dma_start3A_30 = arith.constant 0 : i32
      %dma_start3A_31 = arith.constant 0 : i32
      %dma_start3A_32 = tpu.memref_slice %arg2[%dma_start3A_30, %dma_start3A_31] : memref<20000x128xf32, #tpu.memory_space<hbm>> -> memref<20000x128xf32, #tpu.memory_space<hbm>>
      tpu.enqueue_indirect_dma source(%dma_start3A_32 : memref<20000x128xf32, #tpu.memory_space<hbm>>) target(%arg14 : memref<80x128xf32, #tpu.memory_space<vmem>>) offsets(%arg10 : memref<80xi32, #tpu.memory_space<vmem>>) semaphore(%arg16 : memref<!tpu.dma_semaphore, #tpu.memory_space<semaphore_mem>>)
      %dma_wait3A = arith.constant 0 : i32
      %dma_wait3A_33 = arith.constant 0 : i32
      %dma_wait3A_34 = tpu.memref_slice %arg6[%dma_wait3A, %dma_wait3A_33] : memref<512x128xf32, #tpu.memory_space<hbm>> -> memref<512x128xf32, #tpu.memory_space<hbm>>
      tpu.wait_indirect_dma semaphore(%arg15 : memref<!tpu.dma_semaphore, #tpu.memory_space<semaphore_mem>>) src(%dma_wait3A_34 : memref<512x128xf32, #tpu.memory_space<hbm>>) dst(%arg13 : memref<80x128xf32, #tpu.memory_space<vmem>>)
      %dma_wait3A_35 = arith.constant 0 : i32
      %dma_wait3A_36 = arith.constant 0 : i32
      %dma_wait3A_37 = tpu.memref_slice %arg2[%dma_wait3A_35, %dma_wait3A_36] : memref<20000x128xf32, #tpu.memory_space<hbm>> -> memref<20000x128xf32, #tpu.memory_space<hbm>>
      tpu.wait_indirect_dma semaphore(%arg16 : memref<!tpu.dma_semaphore, #tpu.memory_space<semaphore_mem>>) src(%dma_wait3A_37 : memref<20000x128xf32, #tpu.memory_space<hbm>>) dst(%arg14 : memref<80x128xf32, #tpu.memory_space<vmem>>)
      %scan3A_38 = arith.constant 0 : i32
      %scan3A_39 = arith.constant 0 : i32
      %scan3A_40 = arith.constant 80 : i32
      %scan3A_41 = arith.addi %scan3A_39, %scan3A_40 : i32
      %scan3A_42 = arith.constant 1 : i32
      scf.for %scan3A_44 = %scan3A_39 to %scan3A_41 step %scan3A_42  : i32 {
        %get3A = arith.index_cast %scan3A_44 : i32 to index
        %get3A_45 = arith.constant 0 : index
        %get3A_46 = tpu.vector_load %arg13[%get3A, %get3A_45] {strides = array<i32>} : memref<80x128xf32, #tpu.memory_space<vmem>>, vector<1x16xf32>,
        %get3A_47 = vector.shape_cast %get3A_46 : vector<1x16xf32> to vector<16xf32>
        %get3A_48 = arith.index_cast %scan3A_44 : i32 to index
        %get3A_49 = arith.constant 0 : index
        %get3A_50 = tpu.vector_load %arg14[%get3A_48, %get3A_49] {strides = array<i32>} : memref<80x128xf32, #tpu.memory_space<vmem>>, vector<1x16xf32>,
        %get3A_51 = vector.shape_cast %get3A_50 : vector<1x16xf32> to vector<16xf32>
        %add3A_52 = arith.addf %get3A_47, %get3A_51 : vector<16xf32>
        %max3A = arith.constant 0.000000e+00 : f32
        %max3A_53 = vector.broadcast %max3A : f32 to vector<16xf32>
        %max3A_54 = arith.maximumf %add3A_52, %max3A_53 : vector<16xf32>
        %swap3A = arith.index_cast %scan3A_44 : i32 to index
        %swap3A_55 = arith.constant 0 : index
        %swap3A_56 = tpu.vector_load %arg13[%swap3A, %swap3A_55] {strides = array<i32>} : memref<80x128xf32, #tpu.memory_space<vmem>>, vector<1x16xf32>,
        %swap3A_57 = vector.shape_cast %swap3A_56 : vector<1x16xf32> to vector<16xf32>
        %swap3A_58 = vector.shape_cast %max3A_54 : vector<16xf32> to vector<1x16xf32>
        tpu.vector_store %arg13[%swap3A, %swap3A_55], %swap3A_58 {strides = array<i32>} : memref<80x128xf32, #tpu.memory_space<vmem>>, vector<1x16xf32>,
        %get3A_59 = arith.index_cast %scan3A_44 : i32 to index
        %get3A_60 = arith.constant 16 : index
        %get3A_61 = tpu.vector_load %arg13[%get3A_59, %get3A_60] {strides = array<i32>} : memref<80x128xf32, #tpu.memory_space<vmem>>, vector<1x16xf32>,
        %get3A_62 = vector.shape_cast %get3A_61 : vector<1x16xf32> to vector<16xf32>
        %get3A_63 = arith.index_cast %scan3A_44 : i32 to index
        %get3A_64 = arith.constant 16 : index
        %get3A_65 = tpu.vector_load %arg14[%get3A_63, %get3A_64] {strides = array<i32>} : memref<80x128xf32, #tpu.memory_space<vmem>>, vector<1x16xf32>,
        %get3A_66 = vector.shape_cast %get3A_65 : vector<1x16xf32> to vector<16xf32>
        %add3A_67 = arith.addf %get3A_62, %get3A_66 : vector<16xf32>
        %max3A_68 = arith.constant 0.000000e+00 : f32
        %max3A_69 = vector.broadcast %max3A_68 : f32 to vector<16xf32>
        %max3A_70 = arith.maximumf %add3A_67, %max3A_69 : vector<16xf32>
        %swap3A_71 = arith.index_cast %scan3A_44 : i32 to index
        %swap3A_72 = arith.constant 16 : index
        %swap3A_73 = tpu.vector_load %arg13[%swap3A_71, %swap3A_72] {strides = array<i32>} : memref<80x128xf32, #tpu.memory_space<vmem>>, vector<1x16xf32>,
        %swap3A_74 = vector.shape_cast %swap3A_73 : vector<1x16xf32> to vector<16xf32>
        %swap3A_75 = vector.shape_cast %max3A_70 : vector<16xf32> to vector<1x16xf32>
        tpu.vector_store %arg13[%swap3A_71, %swap3A_72], %swap3A_75 {strides = array<i32>} : memref<80x128xf32, #tpu.memory_space<vmem>>, vector<1x16xf32>,
        %get3A_76 = arith.index_cast %scan3A_44 : i32 to index
        %get3A_77 = arith.constant 32 : index
        %get3A_78 = tpu.vector_load %arg13[%get3A_76, %get3A_77] {strides = array<i32>} : memref<80x128xf32, #tpu.memory_space<vmem>>, vector<1x16xf32>,
        %get3A_79 = vector.shape_cast %get3A_78 : vector<1x16xf32> to vector<16xf32>
        %get3A_80 = arith.index_cast %scan3A_44 : i32 to index
        %get3A_81 = arith.constant 32 : index
        %get3A_82 = tpu.vector_load %arg14[%get3A_80, %get3A_81] {strides = array<i32>} : memref<80x128xf32, #tpu.memory_space<vmem>>, vector<1x16xf32>,
        %get3A_83 = vector.shape_cast %get3A_82 : vector<1x16xf32> to vector<16xf32>
        %add3A_84 = arith.addf %get3A_79, %get3A_83 : vector<16xf32>
        %max3A_85 = arith.constant 0.000000e+00 : f32
        %max3A_86 = vector.broadcast %max3A_85 : f32 to vector<16xf32>
        %max3A_87 = arith.maximumf %add3A_84, %max3A_86 : vector<16xf32>
        %swap3A_88 = arith.index_cast %scan3A_44 : i32 to index
        %swap3A_89 = arith.constant 32 : index
        %swap3A_90 = tpu.vector_load %arg13[%swap3A_88, %swap3A_89] {strides = array<i32>} : memref<80x128xf32, #tpu.memory_space<vmem>>, vector<1x16xf32>,
        %swap3A_91 = vector.shape_cast %swap3A_90 : vector<1x16xf32> to vector<16xf32>
        %swap3A_92 = vector.shape_cast %max3A_87 : vector<16xf32> to vector<1x16xf32>
        tpu.vector_store %arg13[%swap3A_88, %swap3A_89], %swap3A_92 {strides = array<i32>} : memref<80x128xf32, #tpu.memory_space<vmem>>, vector<1x16xf32>,
        %get3A_93 = arith.index_cast %scan3A_44 : i32 to index
        %get3A_94 = arith.constant 48 : index
        %get3A_95 = tpu.vector_load %arg13[%get3A_93, %get3A_94] {strides = array<i32>} : memref<80x128xf32, #tpu.memory_space<vmem>>, vector<1x16xf32>,
        %get3A_96 = vector.shape_cast %get3A_95 : vector<1x16xf32> to vector<16xf32>
        %get3A_97 = arith.index_cast %scan3A_44 : i32 to index
        %get3A_98 = arith.constant 48 : index
        %get3A_99 = tpu.vector_load %arg14[%get3A_97, %get3A_98] {strides = array<i32>} : memref<80x128xf32, #tpu.memory_space<vmem>>, vector<1x16xf32>,
        %get3A_100 = vector.shape_cast %get3A_99 : vector<1x16xf32> to vector<16xf32>
        %add3A_101 = arith.addf %get3A_96, %get3A_100 : vector<16xf32>
        %max3A_102 = arith.constant 0.000000e+00 : f32
        %max3A_103 = vector.broadcast %max3A_102 : f32 to vector<16xf32>
        %max3A_104 = arith.maximumf %add3A_101, %max3A_103 : vector<16xf32>
        %swap3A_105 = arith.index_cast %scan3A_44 : i32 to index
        %swap3A_106 = arith.constant 48 : index
        %swap3A_107 = tpu.vector_load %arg13[%swap3A_105, %swap3A_106] {strides = array<i32>} : memref<80x128xf32, #tpu.memory_space<vmem>>, vector<1x16xf32>,
        %swap3A_108 = vector.shape_cast %swap3A_107 : vector<1x16xf32> to vector<16xf32>
        %swap3A_109 = vector.shape_cast %max3A_104 : vector<16xf32> to vector<1x16xf32>
        tpu.vector_store %arg13[%swap3A_105, %swap3A_106], %swap3A_109 {strides = array<i32>} : memref<80x128xf32, #tpu.memory_space<vmem>>, vector<1x16xf32>,
        %get3A_110 = arith.index_cast %scan3A_44 : i32 to index
        %get3A_111 = arith.constant 64 : index
        %get3A_112 = tpu.vector_load %arg13[%get3A_110, %get3A_111] {strides = array<i32>} : memref<80x128xf32, #tpu.memory_space<vmem>>, vector<1x16xf32>,
        %get3A_113 = vector.shape_cast %get3A_112 : vector<1x16xf32> to vector<16xf32>
        %get3A_114 = arith.index_cast %scan3A_44 : i32 to index
        %get3A_115 = arith.constant 64 : index
        %get3A_116 = tpu.vector_load %arg14[%get3A_114, %get3A_115] {strides = array<i32>} : memref<80x128xf32, #tpu.memory_space<vmem>>, vector<1x16xf32>,
        %get3A_117 = vector.shape_cast %get3A_116 : vector<1x16xf32> to vector<16xf32>
        %add3A_118 = arith.addf %get3A_113, %get3A_117 : vector<16xf32>
        %max3A_119 = arith.constant 0.000000e+00 : f32
        %max3A_120 = vector.broadcast %max3A_119 : f32 to vector<16xf32>
        %max3A_121 = arith.maximumf %add3A_118, %max3A_120 : vector<16xf32>
        %swap3A_122 = arith.index_cast %scan3A_44 : i32 to index
        %swap3A_123 = arith.constant 64 : index
        %swap3A_124 = tpu.vector_load %arg13[%swap3A_122, %swap3A_123] {strides = array<i32>} : memref<80x128xf32, #tpu.memory_space<vmem>>, vector<1x16xf32>,
        %swap3A_125 = vector.shape_cast %swap3A_124 : vector<1x16xf32> to vector<16xf32>
        %swap3A_126 = vector.shape_cast %max3A_121 : vector<16xf32> to vector<1x16xf32>
        tpu.vector_store %arg13[%swap3A_122, %swap3A_123], %swap3A_126 {strides = array<i32>} : memref<80x128xf32, #tpu.memory_space<vmem>>, vector<1x16xf32>,
        %get3A_127 = arith.index_cast %scan3A_44 : i32 to index
        %get3A_128 = arith.constant 80 : index
        %get3A_129 = tpu.vector_load %arg13[%get3A_127, %get3A_128] {strides = array<i32>} : memref<80x128xf32, #tpu.memory_space<vmem>>, vector<1x16xf32>,
        %get3A_130 = vector.shape_cast %get3A_129 : vector<1x16xf32> to vector<16xf32>
        %get3A_131 = arith.index_cast %scan3A_44 : i32 to index
        %get3A_132 = arith.constant 80 : index
        %get3A_133 = tpu.vector_load %arg14[%get3A_131, %get3A_132] {strides = array<i32>} : memref<80x128xf32, #tpu.memory_space<vmem>>, vector<1x16xf32>,
        %get3A_134 = vector.shape_cast %get3A_133 : vector<1x16xf32> to vector<16xf32>
        %add3A_135 = arith.addf %get3A_130, %get3A_134 : vector<16xf32>
        %max3A_136 = arith.constant 0.000000e+00 : f32
        %max3A_137 = vector.broadcast %max3A_136 : f32 to vector<16xf32>
        %max3A_138 = arith.maximumf %add3A_135, %max3A_137 : vector<16xf32>
        %swap3A_139 = arith.index_cast %scan3A_44 : i32 to index
        %swap3A_140 = arith.constant 80 : index
        %swap3A_141 = tpu.vector_load %arg13[%swap3A_139, %swap3A_140] {strides = array<i32>} : memref<80x128xf32, #tpu.memory_space<vmem>>, vector<1x16xf32>,
        %swap3A_142 = vector.shape_cast %swap3A_141 : vector<1x16xf32> to vector<16xf32>
        %swap3A_143 = vector.shape_cast %max3A_138 : vector<16xf32> to vector<1x16xf32>
        tpu.vector_store %arg13[%swap3A_139, %swap3A_140], %swap3A_143 {strides = array<i32>} : memref<80x128xf32, #tpu.memory_space<vmem>>, vector<1x16xf32>,
        %get3A_144 = arith.index_cast %scan3A_44 : i32 to index
        %get3A_145 = arith.constant 96 : index
        %get3A_146 = tpu.vector_load %arg13[%get3A_144, %get3A_145] {strides = array<i32>} : memref<80x128xf32, #tpu.memory_space<vmem>>, vector<1x16xf32>,
        %get3A_147 = vector.shape_cast %get3A_146 : vector<1x16xf32> to vector<16xf32>
        %get3A_148 = arith.index_cast %scan3A_44 : i32 to index
        %get3A_149 = arith.constant 96 : index
        %get3A_150 = tpu.vector_load %arg14[%get3A_148, %get3A_149] {strides = array<i32>} : memref<80x128xf32, #tpu.memory_space<vmem>>, vector<1x16xf32>,
        %get3A_151 = vector.shape_cast %get3A_150 : vector<1x16xf32> to vector<16xf32>
        %add3A_152 = arith.addf %get3A_147, %get3A_151 : vector<16xf32>
        %max3A_153 = arith.constant 0.000000e+00 : f32
        %max3A_154 = vector.broadcast %max3A_153 : f32 to vector<16xf32>
        %max3A_155 = arith.maximumf %add3A_152, %max3A_154 : vector<16xf32>
        %swap3A_156 = arith.index_cast %scan3A_44 : i32 to index
        %swap3A_157 = arith.constant 96 : index
        %swap3A_158 = tpu.vector_load %arg13[%swap3A_156, %swap3A_157] {strides = array<i32>} : memref<80x128xf32, #tpu.memory_space<vmem>>, vector<1x16xf32>,
        %swap3A_159 = vector.shape_cast %swap3A_158 : vector<1x16xf32> to vector<16xf32>
        %swap3A_160 = vector.shape_cast %max3A_155 : vector<16xf32> to vector<1x16xf32>
        tpu.vector_store %arg13[%swap3A_156, %swap3A_157], %swap3A_160 {strides = array<i32>} : memref<80x128xf32, #tpu.memory_space<vmem>>, vector<1x16xf32>,
        %get3A_161 = arith.index_cast %scan3A_44 : i32 to index
        %get3A_162 = arith.constant 112 : index
        %get3A_163 = tpu.vector_load %arg13[%get3A_161, %get3A_162] {strides = array<i32>} : memref<80x128xf32, #tpu.memory_space<vmem>>, vector<1x16xf32>,
        %get3A_164 = vector.shape_cast %get3A_163 : vector<1x16xf32> to vector<16xf32>
        %get3A_165 = arith.index_cast %scan3A_44 : i32 to index
        %get3A_166 = arith.constant 112 : index
        %get3A_167 = tpu.vector_load %arg14[%get3A_165, %get3A_166] {strides = array<i32>} : memref<80x128xf32, #tpu.memory_space<vmem>>, vector<1x16xf32>,
        %get3A_168 = vector.shape_cast %get3A_167 : vector<1x16xf32> to vector<16xf32>
        %add3A_169 = arith.addf %get3A_164, %get3A_168 : vector<16xf32>
        %max3A_170 = arith.constant 0.000000e+00 : f32
        %max3A_171 = vector.broadcast %max3A_170 : f32 to vector<16xf32>
        %max3A_172 = arith.maximumf %add3A_169, %max3A_171 : vector<16xf32>
        %swap3A_173 = arith.index_cast %scan3A_44 : i32 to index
        %swap3A_174 = arith.constant 112 : index
        %swap3A_175 = tpu.vector_load %arg13[%swap3A_173, %swap3A_174] {strides = array<i32>} : memref<80x128xf32, #tpu.memory_space<vmem>>, vector<1x16xf32>,
        %swap3A_176 = vector.shape_cast %swap3A_175 : vector<1x16xf32> to vector<16xf32>
        %swap3A_177 = vector.shape_cast %max3A_172 : vector<16xf32> to vector<1x16xf32>
        tpu.vector_store %arg13[%swap3A_173, %swap3A_174], %swap3A_177 {strides = array<i32>} : memref<80x128xf32, #tpu.memory_space<vmem>>, vector<1x16xf32>,
      }
      %scan3A_43 = arith.constant 80 : i32
      "tpu.region"() ({
        %run_scoped3A = tpu.sem_alloc : memref<!tpu.dma_semaphore, #tpu.memory_space<semaphore_mem>>
        %dma_start3A_44 = arith.constant 0 : i32
        %dma_start3A_45 = arith.constant 0 : i32
        %dma_start3A_46 = tpu.memref_slice %arg9[%dma_start3A_44, %dma_start3A_45] : memref<10000x128xf32, #tpu.memory_space<vmem_shared>> -> memref<10000x128xf32, #tpu.memory_space<vmem_shared>>
        tpu.enqueue_indirect_dma source(%arg13 : memref<80x128xf32, #tpu.memory_space<vmem>>) target(%dma_start3A_46 : memref<10000x128xf32, #tpu.memory_space<vmem_shared>>) offsets(%arg12 : memref<80xi32, #tpu.memory_space<vmem>>) semaphore(%run_scoped3A : memref<!tpu.dma_semaphore, #tpu.memory_space<semaphore_mem>>) {add = true}
        %dma_wait3A_47 = arith.constant 0 : i32
        %dma_wait3A_48 = arith.constant 0 : i32
        %dma_wait3A_49 = tpu.memref_slice %arg9[%dma_wait3A_47, %dma_wait3A_48] : memref<10000x128xf32, #tpu.memory_space<vmem_shared>> -> memref<10000x128xf32, #tpu.memory_space<vmem_shared>>
        tpu.wait_indirect_dma semaphore(%run_scoped3A : memref<!tpu.dma_semaphore, #tpu.memory_space<semaphore_mem>>) src(%arg13 : memref<80x128xf32, #tpu.memory_space<vmem>>) dst(%dma_wait3A_49 : memref<10000x128xf32, #tpu.memory_space<vmem_shared>>)
        tpu.yield
      }) : () -> ()
    }
    %scan3A_7 = arith.constant 125 : i32
    %barrier3A_8 = arith.constant 0 : index
    tpu.barrier barrier_id(%barrier3A_8)
    %mul3A_9 = arith.constant 10000 : i32
    %mul3A_10 = arith.muli %arg0, %mul3A_9 : i32
    %add3A = arith.addi %mul3A_10, %mul3A_0 : i32
    "tpu.region"() ({
      %run_scoped3A = tpu.sem_alloc : memref<!tpu.dma_semaphore, #tpu.memory_space<semaphore_mem>>
      %dma_start3A = arith.constant 0 : i32
      %dma_start3A_16 = tpu.memref_slice %arg8[%add3A, %dma_start3A] : memref<20000x128xf32, #tpu.memory_space<hbm>> -> memref<624x128xf32, #tpu.memory_space<hbm>>
      %dma_start3A_17 = arith.constant 0 : i32
      %dma_start3A_18 = tpu.memref_slice %arg9[%mul3A_0, %dma_start3A_17] : memref<10000x128xf32, #tpu.memory_space<vmem_shared>> -> memref<624x128xf32, #tpu.memory_space<vmem_shared>>
      tpu.enqueue_dma source(%dma_start3A_18 : memref<624x128xf32, #tpu.memory_space<vmem_shared>>) target(%dma_start3A_16 : memref<624x128xf32, #tpu.memory_space<hbm>>) target_semaphore(%run_scoped3A : memref<!tpu.dma_semaphore, #tpu.memory_space<semaphore_mem>>)
      %dma_wait3A = arith.constant 0 : i32
      %dma_wait3A_19 = tpu.memref_slice %arg8[%add3A, %dma_wait3A] : memref<20000x128xf32, #tpu.memory_space<hbm>> -> memref<624x128xf32, #tpu.memory_space<hbm>>
      %dma_wait3A_20 = arith.constant 0 : i32
      %dma_wait3A_21 = tpu.memref_slice %arg9[%mul3A_0, %dma_wait3A_20] : memref<10000x128xf32, #tpu.memory_space<vmem_shared>> -> memref<624x128xf32, #tpu.memory_space<vmem_shared>>
      tpu.wait_dma2 semaphore(%run_scoped3A : memref<!tpu.dma_semaphore, #tpu.memory_space<semaphore_mem>>) src(%dma_wait3A_21 : memref<624x128xf32, #tpu.memory_space<vmem_shared>>) dst(%dma_wait3A_19 : memref<624x128xf32, #tpu.memory_space<hbm>>)
      tpu.yield
    }) : () -> ()
    %eq3A_11 = arith.constant 15 : i32
    %eq3A_12 = arith.cmpi eq, %arg1, %eq3A_11 : i32
    %convert_element_type3A_13 = arith.extui %eq3A_12 : i1 to i32
    %cond3A_14 = arith.constant 0 : i32
    %cond3A_15 = arith.cmpi ne, %convert_element_type3A_13, %cond3A_14 : i32
    scf.if %cond3A_15 {
      %mul3A_16 = arith.constant 10000 : i32
      %mul3A_17 = arith.muli %arg0, %mul3A_16 : i32
      %add3A_18 = arith.constant 9984 : i32
      %add3A_19 = arith.addi %mul3A_17, %add3A_18 : i32
      "tpu.region"() ({
        %run_scoped3A = tpu.sem_alloc : memref<!tpu.dma_semaphore, #tpu.memory_space<semaphore_mem>>
        %dma_start3A = arith.constant 0 : i32
        %dma_start3A_20 = tpu.memref_slice %arg8[%add3A_19, %dma_start3A] : memref<20000x128xf32, #tpu.memory_space<hbm>> -> memref<16x128xf32, #tpu.memory_space<hbm>>
        %dma_start3A_21 = arith.constant 9984 : i32
        %dma_start3A_22 = arith.constant 0 : i32
        %dma_start3A_23 = tpu.memref_slice %arg9[%dma_start3A_21, %dma_start3A_22] : memref<10000x128xf32, #tpu.memory_space<vmem_shared>> -> memref<16x128xf32, #tpu.memory_space<vmem_shared>>
        tpu.enqueue_dma source(%dma_start3A_23 : memref<16x128xf32, #tpu.memory_space<vmem_shared>>) target(%dma_start3A_20 : memref<16x128xf32, #tpu.memory_space<hbm>>) target_semaphore(%run_scoped3A : memref<!tpu.dma_semaphore, #tpu.memory_space<semaphore_mem>>)
        %dma_wait3A = arith.constant 0 : i32
        %dma_wait3A_24 = tpu.memref_slice %arg8[%add3A_19, %dma_wait3A] : memref<20000x128xf32, #tpu.memory_space<hbm>> -> memref<16x128xf32, #tpu.memory_space<hbm>>
        %dma_wait3A_25 = arith.constant 9984 : i32
        %dma_wait3A_26 = arith.constant 0 : i32
        %dma_wait3A_27 = tpu.memref_slice %arg9[%dma_wait3A_25, %dma_wait3A_26] : memref<10000x128xf32, #tpu.memory_space<vmem_shared>> -> memref<16x128xf32, #tpu.memory_space<vmem_shared>>
        tpu.wait_dma2 semaphore(%run_scoped3A : memref<!tpu.dma_semaphore, #tpu.memory_space<semaphore_mem>>) src(%dma_wait3A_27 : memref<16x128xf32, #tpu.memory_space<vmem_shared>>) dst(%dma_wait3A_24 : memref<16x128xf32, #tpu.memory_space<hbm>>)
        tpu.yield
      }) : () -> ()
    } else {
    }
    return
  }
}

#map = affine_map<(d0, d1) -> (0, 0)>
#map1 = affine_map<(d0, d1) -> (0)>
module attributes {stable_mosaic.version = 14 : i64} {
  func.func @_sc_msg_body(%arg0: i32, %arg1: i32, %arg2: memref<20000x128xf32, #tpu.memory_space<hbm>>, %arg3: memref<320000xi32, #tpu.memory_space<hbm>>, %arg4: memref<320000xi32, #tpu.memory_space<hbm>>, %arg5: memref<160000xi32, #tpu.memory_space<hbm>>, %arg6: memref<512x128xf32, #tpu.memory_space<hbm>>, %arg7: memref<10000x128xf32, #tpu.memory_space<hbm>>, %arg8: memref<20000x128xf32, #tpu.memory_space<hbm>>, %arg9: memref<10000x128xf32, #tpu.memory_space<vmem_shared>>, %arg10: memref<80xi32, #tpu.memory_space<vmem>>, %arg11: memref<80xi32, #tpu.memory_space<vmem>>, %arg12: memref<80xi32, #tpu.memory_space<vmem>>, %arg13: memref<80x128xf32, #tpu.memory_space<vmem>>, %arg14: memref<80x128xf32, #tpu.memory_space<vmem>>, %arg15: memref<!tpu.dma_semaphore, #tpu.memory_space<semaphore_mem>>, %arg16: memref<!tpu.dma_semaphore, #tpu.memory_space<semaphore_mem>>) attributes {dimension_semantics = [#tpu.dimension_semantics<core_parallel>, #tpu.dimension_semantics<subcore_parallel>], iteration_bounds = array<i64: 2, 16>, scalar_prefetch = 0 : i64, scratch_operands = 8 : i64, tpu.core_type = #tpu.core_type<sc_vector_subcore>, window_params = [{transform_indices = #map}, {transform_indices = #map1}, {transform_indices = #map1}, {transform_indices = #map1}, {transform_indices = #map}, {transform_indices = #map}, {transform_indices = #map}]} {
    %mul3A = arith.constant 624 : i32
    %mul3A_0 = arith.muli %arg1, %mul3A : i32
    "tpu.region"() ({
      %run_scoped3A = tpu.sem_alloc : memref<!tpu.dma_semaphore, #tpu.memory_space<semaphore_mem>>
      %dma_start3A = arith.constant 0 : i32
      %dma_start3A_16 = tpu.memref_slice %arg9[%mul3A_0, %dma_start3A] : memref<10000x128xf32, #tpu.memory_space<vmem_shared>> -> memref<624x128xf32, #tpu.memory_space<vmem_shared>>
      %dma_start3A_17 = arith.constant 0 : i32
      %dma_start3A_18 = tpu.memref_slice %arg7[%mul3A_0, %dma_start3A_17] : memref<10000x128xf32, #tpu.memory_space<hbm>> -> memref<624x128xf32, #tpu.memory_space<hbm>>
      tpu.enqueue_dma source(%dma_start3A_18 : memref<624x128xf32, #tpu.memory_space<hbm>>) target(%dma_start3A_16 : memref<624x128xf32, #tpu.memory_space<vmem_shared>>) target_semaphore(%run_scoped3A : memref<!tpu.dma_semaphore, #tpu.memory_space<semaphore_mem>>)
      %dma_wait3A = arith.constant 0 : i32
      %dma_wait3A_19 = tpu.memref_slice %arg9[%mul3A_0, %dma_wait3A] : memref<10000x128xf32, #tpu.memory_space<vmem_shared>> -> memref<624x128xf32, #tpu.memory_space<vmem_shared>>
      %dma_wait3A_20 = arith.constant 0 : i32
      %dma_wait3A_21 = tpu.memref_slice %arg7[%mul3A_0, %dma_wait3A_20] : memref<10000x128xf32, #tpu.memory_space<hbm>> -> memref<624x128xf32, #tpu.memory_space<hbm>>
      tpu.wait_dma2 semaphore(%run_scoped3A : memref<!tpu.dma_semaphore, #tpu.memory_space<semaphore_mem>>) src(%dma_wait3A_21 : memref<624x128xf32, #tpu.memory_space<hbm>>) dst(%dma_wait3A_19 : memref<624x128xf32, #tpu.memory_space<vmem_shared>>)
      tpu.yield
    }) : () -> ()
    %eq3A = arith.constant 15 : i32
    %eq3A_1 = arith.cmpi eq, %arg1, %eq3A : i32
    %convert_element_type3A = arith.extui %eq3A_1 : i1 to i32
    %cond3A = arith.constant 0 : i32
    %cond3A_2 = arith.cmpi ne, %convert_element_type3A, %cond3A : i32
    scf.if %cond3A_2 {
      "tpu.region"() ({
        %run_scoped3A = tpu.sem_alloc : memref<!tpu.dma_semaphore, #tpu.memory_space<semaphore_mem>>
        %dma_start3A = arith.constant 9984 : i32
        %dma_start3A_16 = arith.constant 0 : i32
        %dma_start3A_17 = tpu.memref_slice %arg9[%dma_start3A, %dma_start3A_16] : memref<10000x128xf32, #tpu.memory_space<vmem_shared>> -> memref<16x128xf32, #tpu.memory_space<vmem_shared>>
        %dma_start3A_18 = arith.constant 9984 : i32
        %dma_start3A_19 = arith.constant 0 : i32
        %dma_start3A_20 = tpu.memref_slice %arg7[%dma_start3A_18, %dma_start3A_19] : memref<10000x128xf32, #tpu.memory_space<hbm>> -> memref<16x128xf32, #tpu.memory_space<hbm>>
        tpu.enqueue_dma source(%dma_start3A_20 : memref<16x128xf32, #tpu.memory_space<hbm>>) target(%dma_start3A_17 : memref<16x128xf32, #tpu.memory_space<vmem_shared>>) target_semaphore(%run_scoped3A : memref<!tpu.dma_semaphore, #tpu.memory_space<semaphore_mem>>)
        %dma_wait3A = arith.constant 9984 : i32
        %dma_wait3A_21 = arith.constant 0 : i32
        %dma_wait3A_22 = tpu.memref_slice %arg9[%dma_wait3A, %dma_wait3A_21] : memref<10000x128xf32, #tpu.memory_space<vmem_shared>> -> memref<16x128xf32, #tpu.memory_space<vmem_shared>>
        %dma_wait3A_23 = arith.constant 9984 : i32
        %dma_wait3A_24 = arith.constant 0 : i32
        %dma_wait3A_25 = tpu.memref_slice %arg7[%dma_wait3A_23, %dma_wait3A_24] : memref<10000x128xf32, #tpu.memory_space<hbm>> -> memref<16x128xf32, #tpu.memory_space<hbm>>
        tpu.wait_dma2 semaphore(%run_scoped3A : memref<!tpu.dma_semaphore, #tpu.memory_space<semaphore_mem>>) src(%dma_wait3A_25 : memref<16x128xf32, #tpu.memory_space<hbm>>) dst(%dma_wait3A_22 : memref<16x128xf32, #tpu.memory_space<vmem_shared>>)
        tpu.yield
      }) : () -> ()
    } else {
    }
    %barrier3A = arith.constant 0 : index
    tpu.barrier barrier_id(%barrier3A)
    %scan3A = arith.constant 0 : i32
    %scan3A_3 = arith.constant 0 : i32
    %scan3A_4 = arith.constant 125 : i32
    %scan3A_5 = arith.addi %scan3A_3, %scan3A_4 : i32
    %scan3A_6 = arith.constant 1 : i32
    scf.for %scan3A_16 = %scan3A_3 to %scan3A_5 step %scan3A_6  : i32 {
      %mul3A_17 = arith.constant 10000 : i32
      %mul3A_18 = arith.muli %arg1, %mul3A_17 : i32
      %mul3A_19 = arith.constant 80 : i32
      %mul3A_20 = arith.muli %scan3A_16, %mul3A_19 : i32
      %add3A_21 = arith.addi %mul3A_18, %mul3A_20 : i32
      %mul3A_22 = arith.constant 160000 : i32
      %mul3A_23 = arith.muli %arg0, %mul3A_22 : i32
      %add3A_24 = arith.addi %mul3A_23, %add3A_21 : i32
      "tpu.region"() ({
        %run_scoped3A = tpu.sem_alloc : memref<!tpu.dma_semaphore, #tpu.memory_space<semaphore_mem>>
        %dma_start3A_44 = tpu.memref_slice %arg3[%add3A_24] : memref<320000xi32, #tpu.memory_space<hbm>> -> memref<80xi32, #tpu.memory_space<hbm>>
        %dma_start3A_45 = tpu.memref_slice %arg3[%add3A_24] : memref<320000xi32, #tpu.memory_space<hbm>> -> memref<80xi32, #tpu.memory_space<hbm>>
        tpu.enqueue_dma source(%dma_start3A_45 : memref<80xi32, #tpu.memory_space<hbm>>) target(%arg10 : memref<80xi32, #tpu.memory_space<vmem>>) target_semaphore(%run_scoped3A : memref<!tpu.dma_semaphore, #tpu.memory_space<semaphore_mem>>)
        %dma_wait3A_46 = tpu.memref_slice %arg3[%add3A_24] : memref<320000xi32, #tpu.memory_space<hbm>> -> memref<80xi32, #tpu.memory_space<hbm>>
        %dma_wait3A_47 = tpu.memref_slice %arg3[%add3A_24] : memref<320000xi32, #tpu.memory_space<hbm>> -> memref<80xi32, #tpu.memory_space<hbm>>
        tpu.wait_dma2 semaphore(%run_scoped3A : memref<!tpu.dma_semaphore, #tpu.memory_space<semaphore_mem>>) src(%dma_wait3A_47 : memref<80xi32, #tpu.memory_space<hbm>>) dst(%arg10 : memref<80xi32, #tpu.memory_space<vmem>>)
        tpu.yield
      }) : () -> ()
      %mul3A_25 = arith.constant 160000 : i32
      %mul3A_26 = arith.muli %arg0, %mul3A_25 : i32
      %add3A_27 = arith.addi %mul3A_26, %add3A_21 : i32
      "tpu.region"() ({
        %run_scoped3A = tpu.sem_alloc : memref<!tpu.dma_semaphore, #tpu.memory_space<semaphore_mem>>
        %dma_start3A_44 = tpu.memref_slice %arg4[%add3A_27] : memref<320000xi32, #tpu.memory_space<hbm>> -> memref<80xi32, #tpu.memory_space<hbm>>
        %dma_start3A_45 = tpu.memref_slice %arg4[%add3A_27] : memref<320000xi32, #tpu.memory_space<hbm>> -> memref<80xi32, #tpu.memory_space<hbm>>
        tpu.enqueue_dma source(%dma_start3A_45 : memref<80xi32, #tpu.memory_space<hbm>>) target(%arg11 : memref<80xi32, #tpu.memory_space<vmem>>) target_semaphore(%run_scoped3A : memref<!tpu.dma_semaphore, #tpu.memory_space<semaphore_mem>>)
        %dma_wait3A_46 = tpu.memref_slice %arg4[%add3A_27] : memref<320000xi32, #tpu.memory_space<hbm>> -> memref<80xi32, #tpu.memory_space<hbm>>
        %dma_wait3A_47 = tpu.memref_slice %arg4[%add3A_27] : memref<320000xi32, #tpu.memory_space<hbm>> -> memref<80xi32, #tpu.memory_space<hbm>>
        tpu.wait_dma2 semaphore(%run_scoped3A : memref<!tpu.dma_semaphore, #tpu.memory_space<semaphore_mem>>) src(%dma_wait3A_47 : memref<80xi32, #tpu.memory_space<hbm>>) dst(%arg11 : memref<80xi32, #tpu.memory_space<vmem>>)
        tpu.yield
      }) : () -> ()
      "tpu.region"() ({
        %run_scoped3A = tpu.sem_alloc : memref<!tpu.dma_semaphore, #tpu.memory_space<semaphore_mem>>
        %dma_start3A_44 = tpu.memref_slice %arg5[%add3A_21] : memref<160000xi32, #tpu.memory_space<hbm>> -> memref<80xi32, #tpu.memory_space<hbm>>
        %dma_start3A_45 = tpu.memref_slice %arg5[%add3A_21] : memref<160000xi32, #tpu.memory_space<hbm>> -> memref<80xi32, #tpu.memory_space<hbm>>
        tpu.enqueue_dma source(%dma_start3A_45 : memref<80xi32, #tpu.memory_space<hbm>>) target(%arg12 : memref<80xi32, #tpu.memory_space<vmem>>) target_semaphore(%run_scoped3A : memref<!tpu.dma_semaphore, #tpu.memory_space<semaphore_mem>>)
        %dma_wait3A_46 = tpu.memref_slice %arg5[%add3A_21] : memref<160000xi32, #tpu.memory_space<hbm>> -> memref<80xi32, #tpu.memory_space<hbm>>
        %dma_wait3A_47 = tpu.memref_slice %arg5[%add3A_21] : memref<160000xi32, #tpu.memory_space<hbm>> -> memref<80xi32, #tpu.memory_space<hbm>>
        tpu.wait_dma2 semaphore(%run_scoped3A : memref<!tpu.dma_semaphore, #tpu.memory_space<semaphore_mem>>) src(%dma_wait3A_47 : memref<80xi32, #tpu.memory_space<hbm>>) dst(%arg12 : memref<80xi32, #tpu.memory_space<vmem>>)
        tpu.yield
      }) : () -> ()
      %dma_start3A = arith.constant 0 : i32
      %dma_start3A_28 = arith.constant 0 : i32
      %dma_start3A_29 = tpu.memref_slice %arg6[%dma_start3A, %dma_start3A_28] : memref<512x128xf32, #tpu.memory_space<hbm>> -> memref<512x128xf32, #tpu.memory_space<hbm>>
      tpu.enqueue_indirect_dma source(%dma_start3A_29 : memref<512x128xf32, #tpu.memory_space<hbm>>) target(%arg13 : memref<80x128xf32, #tpu.memory_space<vmem>>) offsets(%arg11 : memref<80xi32, #tpu.memory_space<vmem>>) semaphore(%arg15 : memref<!tpu.dma_semaphore, #tpu.memory_space<semaphore_mem>>)
      %dma_start3A_30 = arith.constant 0 : i32
      %dma_start3A_31 = arith.constant 0 : i32
      %dma_start3A_32 = tpu.memref_slice %arg2[%dma_start3A_30, %dma_start3A_31] : memref<20000x128xf32, #tpu.memory_space<hbm>> -> memref<20000x128xf32, #tpu.memory_space<hbm>>
      tpu.enqueue_indirect_dma source(%dma_start3A_32 : memref<20000x128xf32, #tpu.memory_space<hbm>>) target(%arg14 : memref<80x128xf32, #tpu.memory_space<vmem>>) offsets(%arg10 : memref<80xi32, #tpu.memory_space<vmem>>) semaphore(%arg16 : memref<!tpu.dma_semaphore, #tpu.memory_space<semaphore_mem>>)
      %dma_wait3A = arith.constant 0 : i32
      %dma_wait3A_33 = arith.constant 0 : i32
      %dma_wait3A_34 = tpu.memref_slice %arg6[%dma_wait3A, %dma_wait3A_33] : memref<512x128xf32, #tpu.memory_space<hbm>> -> memref<512x128xf32, #tpu.memory_space<hbm>>
      tpu.wait_indirect_dma semaphore(%arg15 : memref<!tpu.dma_semaphore, #tpu.memory_space<semaphore_mem>>) src(%dma_wait3A_34 : memref<512x128xf32, #tpu.memory_space<hbm>>) dst(%arg13 : memref<80x128xf32, #tpu.memory_space<vmem>>)
      %dma_wait3A_35 = arith.constant 0 : i32
      %dma_wait3A_36 = arith.constant 0 : i32
      %dma_wait3A_37 = tpu.memref_slice %arg2[%dma_wait3A_35, %dma_wait3A_36] : memref<20000x128xf32, #tpu.memory_space<hbm>> -> memref<20000x128xf32, #tpu.memory_space<hbm>>
      tpu.wait_indirect_dma semaphore(%arg16 : memref<!tpu.dma_semaphore, #tpu.memory_space<semaphore_mem>>) src(%dma_wait3A_37 : memref<20000x128xf32, #tpu.memory_space<hbm>>) dst(%arg14 : memref<80x128xf32, #tpu.memory_space<vmem>>)
      %scan3A_38 = arith.constant 0 : i32
      %scan3A_39 = arith.constant 0 : i32
      %scan3A_40 = arith.constant 80 : i32
      %scan3A_41 = arith.addi %scan3A_39, %scan3A_40 : i32
      %scan3A_42 = arith.constant 1 : i32
      scf.for %scan3A_44 = %scan3A_39 to %scan3A_41 step %scan3A_42  : i32 {
        %get3A = arith.index_cast %scan3A_44 : i32 to index
        %get3A_45 = arith.constant 0 : index
        %get3A_46 = tpu.vector_load %arg13[%get3A, %get3A_45] {strides = array<i32>} : memref<80x128xf32, #tpu.memory_space<vmem>>, vector<1x16xf32>,
        %get3A_47 = vector.shape_cast %get3A_46 : vector<1x16xf32> to vector<16xf32>
        %get3A_48 = arith.index_cast %scan3A_44 : i32 to index
        %get3A_49 = arith.constant 0 : index
        %get3A_50 = tpu.vector_load %arg14[%get3A_48, %get3A_49] {strides = array<i32>} : memref<80x128xf32, #tpu.memory_space<vmem>>, vector<1x16xf32>,
        %get3A_51 = vector.shape_cast %get3A_50 : vector<1x16xf32> to vector<16xf32>
        %add3A_52 = arith.addf %get3A_47, %get3A_51 : vector<16xf32>
        %max3A = arith.constant 0.000000e+00 : f32
        %max3A_53 = vector.broadcast %max3A : f32 to vector<16xf32>
        %max3A_54 = arith.maximumf %add3A_52, %max3A_53 : vector<16xf32>
        %swap3A = arith.index_cast %scan3A_44 : i32 to index
        %swap3A_55 = arith.constant 0 : index
        %swap3A_56 = tpu.vector_load %arg13[%swap3A, %swap3A_55] {strides = array<i32>} : memref<80x128xf32, #tpu.memory_space<vmem>>, vector<1x16xf32>,
        %swap3A_57 = vector.shape_cast %swap3A_56 : vector<1x16xf32> to vector<16xf32>
        %swap3A_58 = vector.shape_cast %max3A_54 : vector<16xf32> to vector<1x16xf32>
        tpu.vector_store %arg13[%swap3A, %swap3A_55], %swap3A_58 {strides = array<i32>} : memref<80x128xf32, #tpu.memory_space<vmem>>, vector<1x16xf32>,
        %get3A_59 = arith.index_cast %scan3A_44 : i32 to index
        %get3A_60 = arith.constant 16 : index
        %get3A_61 = tpu.vector_load %arg13[%get3A_59, %get3A_60] {strides = array<i32>} : memref<80x128xf32, #tpu.memory_space<vmem>>, vector<1x16xf32>,
        %get3A_62 = vector.shape_cast %get3A_61 : vector<1x16xf32> to vector<16xf32>
        %get3A_63 = arith.index_cast %scan3A_44 : i32 to index
        %get3A_64 = arith.constant 16 : index
        %get3A_65 = tpu.vector_load %arg14[%get3A_63, %get3A_64] {strides = array<i32>} : memref<80x128xf32, #tpu.memory_space<vmem>>, vector<1x16xf32>,
        %get3A_66 = vector.shape_cast %get3A_65 : vector<1x16xf32> to vector<16xf32>
        %add3A_67 = arith.addf %get3A_62, %get3A_66 : vector<16xf32>
        %max3A_68 = arith.constant 0.000000e+00 : f32
        %max3A_69 = vector.broadcast %max3A_68 : f32 to vector<16xf32>
        %max3A_70 = arith.maximumf %add3A_67, %max3A_69 : vector<16xf32>
        %swap3A_71 = arith.index_cast %scan3A_44 : i32 to index
        %swap3A_72 = arith.constant 16 : index
        %swap3A_73 = tpu.vector_load %arg13[%swap3A_71, %swap3A_72] {strides = array<i32>} : memref<80x128xf32, #tpu.memory_space<vmem>>, vector<1x16xf32>,
        %swap3A_74 = vector.shape_cast %swap3A_73 : vector<1x16xf32> to vector<16xf32>
        %swap3A_75 = vector.shape_cast %max3A_70 : vector<16xf32> to vector<1x16xf32>
        tpu.vector_store %arg13[%swap3A_71, %swap3A_72], %swap3A_75 {strides = array<i32>} : memref<80x128xf32, #tpu.memory_space<vmem>>, vector<1x16xf32>,
        %get3A_76 = arith.index_cast %scan3A_44 : i32 to index
        %get3A_77 = arith.constant 32 : index
        %get3A_78 = tpu.vector_load %arg13[%get3A_76, %get3A_77] {strides = array<i32>} : memref<80x128xf32, #tpu.memory_space<vmem>>, vector<1x16xf32>,
        %get3A_79 = vector.shape_cast %get3A_78 : vector<1x16xf32> to vector<16xf32>
        %get3A_80 = arith.index_cast %scan3A_44 : i32 to index
        %get3A_81 = arith.constant 32 : index
        %get3A_82 = tpu.vector_load %arg14[%get3A_80, %get3A_81] {strides = array<i32>} : memref<80x128xf32, #tpu.memory_space<vmem>>, vector<1x16xf32>,
        %get3A_83 = vector.shape_cast %get3A_82 : vector<1x16xf32> to vector<16xf32>
        %add3A_84 = arith.addf %get3A_79, %get3A_83 : vector<16xf32>
        %max3A_85 = arith.constant 0.000000e+00 : f32
        %max3A_86 = vector.broadcast %max3A_85 : f32 to vector<16xf32>
        %max3A_87 = arith.maximumf %add3A_84, %max3A_86 : vector<16xf32>
        %swap3A_88 = arith.index_cast %scan3A_44 : i32 to index
        %swap3A_89 = arith.constant 32 : index
        %swap3A_90 = tpu.vector_load %arg13[%swap3A_88, %swap3A_89] {strides = array<i32>} : memref<80x128xf32, #tpu.memory_space<vmem>>, vector<1x16xf32>,
        %swap3A_91 = vector.shape_cast %swap3A_90 : vector<1x16xf32> to vector<16xf32>
        %swap3A_92 = vector.shape_cast %max3A_87 : vector<16xf32> to vector<1x16xf32>
        tpu.vector_store %arg13[%swap3A_88, %swap3A_89], %swap3A_92 {strides = array<i32>} : memref<80x128xf32, #tpu.memory_space<vmem>>, vector<1x16xf32>,
        %get3A_93 = arith.index_cast %scan3A_44 : i32 to index
        %get3A_94 = arith.constant 48 : index
        %get3A_95 = tpu.vector_load %arg13[%get3A_93, %get3A_94] {strides = array<i32>} : memref<80x128xf32, #tpu.memory_space<vmem>>, vector<1x16xf32>,
        %get3A_96 = vector.shape_cast %get3A_95 : vector<1x16xf32> to vector<16xf32>
        %get3A_97 = arith.index_cast %scan3A_44 : i32 to index
        %get3A_98 = arith.constant 48 : index
        %get3A_99 = tpu.vector_load %arg14[%get3A_97, %get3A_98] {strides = array<i32>} : memref<80x128xf32, #tpu.memory_space<vmem>>, vector<1x16xf32>,
        %get3A_100 = vector.shape_cast %get3A_99 : vector<1x16xf32> to vector<16xf32>
        %add3A_101 = arith.addf %get3A_96, %get3A_100 : vector<16xf32>
        %max3A_102 = arith.constant 0.000000e+00 : f32
        %max3A_103 = vector.broadcast %max3A_102 : f32 to vector<16xf32>
        %max3A_104 = arith.maximumf %add3A_101, %max3A_103 : vector<16xf32>
        %swap3A_105 = arith.index_cast %scan3A_44 : i32 to index
        %swap3A_106 = arith.constant 48 : index
        %swap3A_107 = tpu.vector_load %arg13[%swap3A_105, %swap3A_106] {strides = array<i32>} : memref<80x128xf32, #tpu.memory_space<vmem>>, vector<1x16xf32>,
        %swap3A_108 = vector.shape_cast %swap3A_107 : vector<1x16xf32> to vector<16xf32>
        %swap3A_109 = vector.shape_cast %max3A_104 : vector<16xf32> to vector<1x16xf32>
        tpu.vector_store %arg13[%swap3A_105, %swap3A_106], %swap3A_109 {strides = array<i32>} : memref<80x128xf32, #tpu.memory_space<vmem>>, vector<1x16xf32>,
        %get3A_110 = arith.index_cast %scan3A_44 : i32 to index
        %get3A_111 = arith.constant 64 : index
        %get3A_112 = tpu.vector_load %arg13[%get3A_110, %get3A_111] {strides = array<i32>} : memref<80x128xf32, #tpu.memory_space<vmem>>, vector<1x16xf32>,
        %get3A_113 = vector.shape_cast %get3A_112 : vector<1x16xf32> to vector<16xf32>
        %get3A_114 = arith.index_cast %scan3A_44 : i32 to index
        %get3A_115 = arith.constant 64 : index
        %get3A_116 = tpu.vector_load %arg14[%get3A_114, %get3A_115] {strides = array<i32>} : memref<80x128xf32, #tpu.memory_space<vmem>>, vector<1x16xf32>,
        %get3A_117 = vector.shape_cast %get3A_116 : vector<1x16xf32> to vector<16xf32>
        %add3A_118 = arith.addf %get3A_113, %get3A_117 : vector<16xf32>
        %max3A_119 = arith.constant 0.000000e+00 : f32
        %max3A_120 = vector.broadcast %max3A_119 : f32 to vector<16xf32>
        %max3A_121 = arith.maximumf %add3A_118, %max3A_120 : vector<16xf32>
        %swap3A_122 = arith.index_cast %scan3A_44 : i32 to index
        %swap3A_123 = arith.constant 64 : index
        %swap3A_124 = tpu.vector_load %arg13[%swap3A_122, %swap3A_123] {strides = array<i32>} : memref<80x128xf32, #tpu.memory_space<vmem>>, vector<1x16xf32>,
        %swap3A_125 = vector.shape_cast %swap3A_124 : vector<1x16xf32> to vector<16xf32>
        %swap3A_126 = vector.shape_cast %max3A_121 : vector<16xf32> to vector<1x16xf32>
        tpu.vector_store %arg13[%swap3A_122, %swap3A_123], %swap3A_126 {strides = array<i32>} : memref<80x128xf32, #tpu.memory_space<vmem>>, vector<1x16xf32>,
        %get3A_127 = arith.index_cast %scan3A_44 : i32 to index
        %get3A_128 = arith.constant 80 : index
        %get3A_129 = tpu.vector_load %arg13[%get3A_127, %get3A_128] {strides = array<i32>} : memref<80x128xf32, #tpu.memory_space<vmem>>, vector<1x16xf32>,
        %get3A_130 = vector.shape_cast %get3A_129 : vector<1x16xf32> to vector<16xf32>
        %get3A_131 = arith.index_cast %scan3A_44 : i32 to index
        %get3A_132 = arith.constant 80 : index
        %get3A_133 = tpu.vector_load %arg14[%get3A_131, %get3A_132] {strides = array<i32>} : memref<80x128xf32, #tpu.memory_space<vmem>>, vector<1x16xf32>,
        %get3A_134 = vector.shape_cast %get3A_133 : vector<1x16xf32> to vector<16xf32>
        %add3A_135 = arith.addf %get3A_130, %get3A_134 : vector<16xf32>
        %max3A_136 = arith.constant 0.000000e+00 : f32
        %max3A_137 = vector.broadcast %max3A_136 : f32 to vector<16xf32>
        %max3A_138 = arith.maximumf %add3A_135, %max3A_137 : vector<16xf32>
        %swap3A_139 = arith.index_cast %scan3A_44 : i32 to index
        %swap3A_140 = arith.constant 80 : index
        %swap3A_141 = tpu.vector_load %arg13[%swap3A_139, %swap3A_140] {strides = array<i32>} : memref<80x128xf32, #tpu.memory_space<vmem>>, vector<1x16xf32>,
        %swap3A_142 = vector.shape_cast %swap3A_141 : vector<1x16xf32> to vector<16xf32>
        %swap3A_143 = vector.shape_cast %max3A_138 : vector<16xf32> to vector<1x16xf32>
        tpu.vector_store %arg13[%swap3A_139, %swap3A_140], %swap3A_143 {strides = array<i32>} : memref<80x128xf32, #tpu.memory_space<vmem>>, vector<1x16xf32>,
        %get3A_144 = arith.index_cast %scan3A_44 : i32 to index
        %get3A_145 = arith.constant 96 : index
        %get3A_146 = tpu.vector_load %arg13[%get3A_144, %get3A_145] {strides = array<i32>} : memref<80x128xf32, #tpu.memory_space<vmem>>, vector<1x16xf32>,
        %get3A_147 = vector.shape_cast %get3A_146 : vector<1x16xf32> to vector<16xf32>
        %get3A_148 = arith.index_cast %scan3A_44 : i32 to index
        %get3A_149 = arith.constant 96 : index
        %get3A_150 = tpu.vector_load %arg14[%get3A_148, %get3A_149] {strides = array<i32>} : memref<80x128xf32, #tpu.memory_space<vmem>>, vector<1x16xf32>,
        %get3A_151 = vector.shape_cast %get3A_150 : vector<1x16xf32> to vector<16xf32>
        %add3A_152 = arith.addf %get3A_147, %get3A_151 : vector<16xf32>
        %max3A_153 = arith.constant 0.000000e+00 : f32
        %max3A_154 = vector.broadcast %max3A_153 : f32 to vector<16xf32>
        %max3A_155 = arith.maximumf %add3A_152, %max3A_154 : vector<16xf32>
        %swap3A_156 = arith.index_cast %scan3A_44 : i32 to index
        %swap3A_157 = arith.constant 96 : index
        %swap3A_158 = tpu.vector_load %arg13[%swap3A_156, %swap3A_157] {strides = array<i32>} : memref<80x128xf32, #tpu.memory_space<vmem>>, vector<1x16xf32>,
        %swap3A_159 = vector.shape_cast %swap3A_158 : vector<1x16xf32> to vector<16xf32>
        %swap3A_160 = vector.shape_cast %max3A_155 : vector<16xf32> to vector<1x16xf32>
        tpu.vector_store %arg13[%swap3A_156, %swap3A_157], %swap3A_160 {strides = array<i32>} : memref<80x128xf32, #tpu.memory_space<vmem>>, vector<1x16xf32>,
        %get3A_161 = arith.index_cast %scan3A_44 : i32 to index
        %get3A_162 = arith.constant 112 : index
        %get3A_163 = tpu.vector_load %arg13[%get3A_161, %get3A_162] {strides = array<i32>} : memref<80x128xf32, #tpu.memory_space<vmem>>, vector<1x16xf32>,
        %get3A_164 = vector.shape_cast %get3A_163 : vector<1x16xf32> to vector<16xf32>
        %get3A_165 = arith.index_cast %scan3A_44 : i32 to index
        %get3A_166 = arith.constant 112 : index
        %get3A_167 = tpu.vector_load %arg14[%get3A_165, %get3A_166] {strides = array<i32>} : memref<80x128xf32, #tpu.memory_space<vmem>>, vector<1x16xf32>,
        %get3A_168 = vector.shape_cast %get3A_167 : vector<1x16xf32> to vector<16xf32>
        %add3A_169 = arith.addf %get3A_164, %get3A_168 : vector<16xf32>
        %max3A_170 = arith.constant 0.000000e+00 : f32
        %max3A_171 = vector.broadcast %max3A_170 : f32 to vector<16xf32>
        %max3A_172 = arith.maximumf %add3A_169, %max3A_171 : vector<16xf32>
        %swap3A_173 = arith.index_cast %scan3A_44 : i32 to index
        %swap3A_174 = arith.constant 112 : index
        %swap3A_175 = tpu.vector_load %arg13[%swap3A_173, %swap3A_174] {strides = array<i32>} : memref<80x128xf32, #tpu.memory_space<vmem>>, vector<1x16xf32>,
        %swap3A_176 = vector.shape_cast %swap3A_175 : vector<1x16xf32> to vector<16xf32>
        %swap3A_177 = vector.shape_cast %max3A_172 : vector<16xf32> to vector<1x16xf32>
        tpu.vector_store %arg13[%swap3A_173, %swap3A_174], %swap3A_177 {strides = array<i32>} : memref<80x128xf32, #tpu.memory_space<vmem>>, vector<1x16xf32>,
      }
      %scan3A_43 = arith.constant 80 : i32
      "tpu.region"() ({
        %run_scoped3A = tpu.sem_alloc : memref<!tpu.dma_semaphore, #tpu.memory_space<semaphore_mem>>
        %dma_start3A_44 = arith.constant 0 : i32
        %dma_start3A_45 = arith.constant 0 : i32
        %dma_start3A_46 = tpu.memref_slice %arg9[%dma_start3A_44, %dma_start3A_45] : memref<10000x128xf32, #tpu.memory_space<vmem_shared>> -> memref<10000x128xf32, #tpu.memory_space<vmem_shared>>
        tpu.enqueue_indirect_dma source(%arg13 : memref<80x128xf32, #tpu.memory_space<vmem>>) target(%dma_start3A_46 : memref<10000x128xf32, #tpu.memory_space<vmem_shared>>) offsets(%arg12 : memref<80xi32, #tpu.memory_space<vmem>>) semaphore(%run_scoped3A : memref<!tpu.dma_semaphore, #tpu.memory_space<semaphore_mem>>) {add = true}
        %dma_wait3A_47 = arith.constant 0 : i32
        %dma_wait3A_48 = arith.constant 0 : i32
        %dma_wait3A_49 = tpu.memref_slice %arg9[%dma_wait3A_47, %dma_wait3A_48] : memref<10000x128xf32, #tpu.memory_space<vmem_shared>> -> memref<10000x128xf32, #tpu.memory_space<vmem_shared>>
        tpu.wait_indirect_dma semaphore(%run_scoped3A : memref<!tpu.dma_semaphore, #tpu.memory_space<semaphore_mem>>) src(%arg13 : memref<80x128xf32, #tpu.memory_space<vmem>>) dst(%dma_wait3A_49 : memref<10000x128xf32, #tpu.memory_space<vmem_shared>>)
        tpu.yield
      }) : () -> ()
    }
    %scan3A_7 = arith.constant 125 : i32
    %barrier3A_8 = arith.constant 0 : index
    tpu.barrier barrier_id(%barrier3A_8)
    %mul3A_9 = arith.constant 10000 : i32
    %mul3A_10 = arith.muli %arg0, %mul3A_9 : i32
    %add3A = arith.addi %mul3A_10, %mul3A_0 : i32
    "tpu.region"() ({
      %run_scoped3A = tpu.sem_alloc : memref<!tpu.dma_semaphore, #tpu.memory_space<semaphore_mem>>
      %dma_start3A = arith.constant 0 : i32
      %dma_start3A_16 = tpu.memref_slice %arg8[%add3A, %dma_start3A] : memref<20000x128xf32, #tpu.memory_space<hbm>> -> memref<624x128xf32, #tpu.memory_space<hbm>>
      %dma_start3A_17 = arith.constant 0 : i32
      %dma_start3A_18 = tpu.memref_slice %arg9[%mul3A_0, %dma_start3A_17] : memref<10000x128xf32, #tpu.memory_space<vmem_shared>> -> memref<624x128xf32, #tpu.memory_space<vmem_shared>>
      tpu.enqueue_dma source(%dma_start3A_18 : memref<624x128xf32, #tpu.memory_space<vmem_shared>>) target(%dma_start3A_16 : memref<624x128xf32, #tpu.memory_space<hbm>>) target_semaphore(%run_scoped3A : memref<!tpu.dma_semaphore, #tpu.memory_space<semaphore_mem>>)
      %dma_wait3A = arith.constant 0 : i32
      %dma_wait3A_19 = tpu.memref_slice %arg8[%add3A, %dma_wait3A] : memref<20000x128xf32, #tpu.memory_space<hbm>> -> memref<624x128xf32, #tpu.memory_space<hbm>>
      %dma_wait3A_20 = arith.constant 0 : i32
      %dma_wait3A_21 = tpu.memref_slice %arg9[%mul3A_0, %dma_wait3A_20] : memref<10000x128xf32, #tpu.memory_space<vmem_shared>> -> memref<624x128xf32, #tpu.memory_space<vmem_shared>>
      tpu.wait_dma2 semaphore(%run_scoped3A : memref<!tpu.dma_semaphore, #tpu.memory_space<semaphore_mem>>) src(%dma_wait3A_21 : memref<624x128xf32, #tpu.memory_space<vmem_shared>>) dst(%dma_wait3A_19 : memref<624x128xf32, #tpu.memory_space<hbm>>)
      tpu.yield
    }) : () -> ()
    %eq3A_11 = arith.constant 15 : i32
    %eq3A_12 = arith.cmpi eq, %arg1, %eq3A_11 : i32
    %convert_element_type3A_13 = arith.extui %eq3A_12 : i1 to i32
    %cond3A_14 = arith.constant 0 : i32
    %cond3A_15 = arith.cmpi ne, %convert_element_type3A_13, %cond3A_14 : i32
    scf.if %cond3A_15 {
      %mul3A_16 = arith.constant 10000 : i32
      %mul3A_17 = arith.muli %arg0, %mul3A_16 : i32
      %add3A_18 = arith.constant 9984 : i32
      %add3A_19 = arith.addi %mul3A_17, %add3A_18 : i32
      "tpu.region"() ({
        %run_scoped3A = tpu.sem_alloc : memref<!tpu.dma_semaphore, #tpu.memory_space<semaphore_mem>>
        %dma_start3A = arith.constant 0 : i32
        %dma_start3A_20 = tpu.memref_slice %arg8[%add3A_19, %dma_start3A] : memref<20000x128xf32, #tpu.memory_space<hbm>> -> memref<16x128xf32, #tpu.memory_space<hbm>>
        %dma_start3A_21 = arith.constant 9984 : i32
        %dma_start3A_22 = arith.constant 0 : i32
        %dma_start3A_23 = tpu.memref_slice %arg9[%dma_start3A_21, %dma_start3A_22] : memref<10000x128xf32, #tpu.memory_space<vmem_shared>> -> memref<16x128xf32, #tpu.memory_space<vmem_shared>>
        tpu.enqueue_dma source(%dma_start3A_23 : memref<16x128xf32, #tpu.memory_space<vmem_shared>>) target(%dma_start3A_20 : memref<16x128xf32, #tpu.memory_space<hbm>>) target_semaphore(%run_scoped3A : memref<!tpu.dma_semaphore, #tpu.memory_space<semaphore_mem>>)
        %dma_wait3A = arith.constant 0 : i32
        %dma_wait3A_24 = tpu.memref_slice %arg8[%add3A_19, %dma_wait3A] : memref<20000x128xf32, #tpu.memory_space<hbm>> -> memref<16x128xf32, #tpu.memory_space<hbm>>
        %dma_wait3A_25 = arith.constant 9984 : i32
        %dma_wait3A_26 = arith.constant 0 : i32
        %dma_wait3A_27 = tpu.memref_slice %arg9[%dma_wait3A_25, %dma_wait3A_26] : memref<10000x128xf32, #tpu.memory_space<vmem_shared>> -> memref<16x128xf32, #tpu.memory_space<vmem_shared>>
        tpu.wait_dma2 semaphore(%run_scoped3A : memref<!tpu.dma_semaphore, #tpu.memory_space<semaphore_mem>>) src(%dma_wait3A_27 : memref<16x128xf32, #tpu.memory_space<vmem_shared>>) dst(%dma_wait3A_24 : memref<16x128xf32, #tpu.memory_space<hbm>>)
        tpu.yield
      }) : () -> ()
    } else {
    }
    return
  }
}

#map = affine_map<(d0, d1) -> (0, 0)>
#map1 = affine_map<(d0, d1) -> (0)>
module attributes {stable_mosaic.version = 14 : i64} {
  func.func @_sc_msg_body(%arg0: i32, %arg1: i32, %arg2: memref<20000x128xf32, #tpu.memory_space<hbm>>, %arg3: memref<320000xi32, #tpu.memory_space<hbm>>, %arg4: memref<320000xi32, #tpu.memory_space<hbm>>, %arg5: memref<160000xi32, #tpu.memory_space<hbm>>, %arg6: memref<512x128xf32, #tpu.memory_space<hbm>>, %arg7: memref<10000x128xf32, #tpu.memory_space<hbm>>, %arg8: memref<20000x128xf32, #tpu.memory_space<hbm>>, %arg9: memref<10000x128xf32, #tpu.memory_space<vmem_shared>>, %arg10: memref<80xi32, #tpu.memory_space<vmem>>, %arg11: memref<80xi32, #tpu.memory_space<vmem>>, %arg12: memref<80xi32, #tpu.memory_space<vmem>>, %arg13: memref<80x128xf32, #tpu.memory_space<vmem>>, %arg14: memref<80x128xf32, #tpu.memory_space<vmem>>, %arg15: memref<!tpu.dma_semaphore, #tpu.memory_space<semaphore_mem>>, %arg16: memref<!tpu.dma_semaphore, #tpu.memory_space<semaphore_mem>>) attributes {dimension_semantics = [#tpu.dimension_semantics<core_parallel>, #tpu.dimension_semantics<subcore_parallel>], iteration_bounds = array<i64: 2, 16>, scalar_prefetch = 0 : i64, scratch_operands = 8 : i64, tpu.core_type = #tpu.core_type<sc_vector_subcore>, window_params = [{transform_indices = #map}, {transform_indices = #map1}, {transform_indices = #map1}, {transform_indices = #map1}, {transform_indices = #map}, {transform_indices = #map}, {transform_indices = #map}]} {
    %mul3A = arith.constant 624 : i32
    %mul3A_0 = arith.muli %arg1, %mul3A : i32
    "tpu.region"() ({
      %run_scoped3A = tpu.sem_alloc : memref<!tpu.dma_semaphore, #tpu.memory_space<semaphore_mem>>
      %dma_start3A = arith.constant 0 : i32
      %dma_start3A_16 = tpu.memref_slice %arg9[%mul3A_0, %dma_start3A] : memref<10000x128xf32, #tpu.memory_space<vmem_shared>> -> memref<624x128xf32, #tpu.memory_space<vmem_shared>>
      %dma_start3A_17 = arith.constant 0 : i32
      %dma_start3A_18 = tpu.memref_slice %arg7[%mul3A_0, %dma_start3A_17] : memref<10000x128xf32, #tpu.memory_space<hbm>> -> memref<624x128xf32, #tpu.memory_space<hbm>>
      tpu.enqueue_dma source(%dma_start3A_18 : memref<624x128xf32, #tpu.memory_space<hbm>>) target(%dma_start3A_16 : memref<624x128xf32, #tpu.memory_space<vmem_shared>>) target_semaphore(%run_scoped3A : memref<!tpu.dma_semaphore, #tpu.memory_space<semaphore_mem>>)
      %dma_wait3A = arith.constant 0 : i32
      %dma_wait3A_19 = tpu.memref_slice %arg9[%mul3A_0, %dma_wait3A] : memref<10000x128xf32, #tpu.memory_space<vmem_shared>> -> memref<624x128xf32, #tpu.memory_space<vmem_shared>>
      %dma_wait3A_20 = arith.constant 0 : i32
      %dma_wait3A_21 = tpu.memref_slice %arg7[%mul3A_0, %dma_wait3A_20] : memref<10000x128xf32, #tpu.memory_space<hbm>> -> memref<624x128xf32, #tpu.memory_space<hbm>>
      tpu.wait_dma2 semaphore(%run_scoped3A : memref<!tpu.dma_semaphore, #tpu.memory_space<semaphore_mem>>) src(%dma_wait3A_21 : memref<624x128xf32, #tpu.memory_space<hbm>>) dst(%dma_wait3A_19 : memref<624x128xf32, #tpu.memory_space<vmem_shared>>)
      tpu.yield
    }) : () -> ()
    %eq3A = arith.constant 15 : i32
    %eq3A_1 = arith.cmpi eq, %arg1, %eq3A : i32
    %convert_element_type3A = arith.extui %eq3A_1 : i1 to i32
    %cond3A = arith.constant 0 : i32
    %cond3A_2 = arith.cmpi ne, %convert_element_type3A, %cond3A : i32
    scf.if %cond3A_2 {
      "tpu.region"() ({
        %run_scoped3A = tpu.sem_alloc : memref<!tpu.dma_semaphore, #tpu.memory_space<semaphore_mem>>
        %dma_start3A = arith.constant 9984 : i32
        %dma_start3A_16 = arith.constant 0 : i32
        %dma_start3A_17 = tpu.memref_slice %arg9[%dma_start3A, %dma_start3A_16] : memref<10000x128xf32, #tpu.memory_space<vmem_shared>> -> memref<16x128xf32, #tpu.memory_space<vmem_shared>>
        %dma_start3A_18 = arith.constant 9984 : i32
        %dma_start3A_19 = arith.constant 0 : i32
        %dma_start3A_20 = tpu.memref_slice %arg7[%dma_start3A_18, %dma_start3A_19] : memref<10000x128xf32, #tpu.memory_space<hbm>> -> memref<16x128xf32, #tpu.memory_space<hbm>>
        tpu.enqueue_dma source(%dma_start3A_20 : memref<16x128xf32, #tpu.memory_space<hbm>>) target(%dma_start3A_17 : memref<16x128xf32, #tpu.memory_space<vmem_shared>>) target_semaphore(%run_scoped3A : memref<!tpu.dma_semaphore, #tpu.memory_space<semaphore_mem>>)
        %dma_wait3A = arith.constant 9984 : i32
        %dma_wait3A_21 = arith.constant 0 : i32
        %dma_wait3A_22 = tpu.memref_slice %arg9[%dma_wait3A, %dma_wait3A_21] : memref<10000x128xf32, #tpu.memory_space<vmem_shared>> -> memref<16x128xf32, #tpu.memory_space<vmem_shared>>
        %dma_wait3A_23 = arith.constant 9984 : i32
        %dma_wait3A_24 = arith.constant 0 : i32
        %dma_wait3A_25 = tpu.memref_slice %arg7[%dma_wait3A_23, %dma_wait3A_24] : memref<10000x128xf32, #tpu.memory_space<hbm>> -> memref<16x128xf32, #tpu.memory_space<hbm>>
        tpu.wait_dma2 semaphore(%run_scoped3A : memref<!tpu.dma_semaphore, #tpu.memory_space<semaphore_mem>>) src(%dma_wait3A_25 : memref<16x128xf32, #tpu.memory_space<hbm>>) dst(%dma_wait3A_22 : memref<16x128xf32, #tpu.memory_space<vmem_shared>>)
        tpu.yield
      }) : () -> ()
    } else {
    }
    %barrier3A = arith.constant 0 : index
    tpu.barrier barrier_id(%barrier3A)
    %scan3A = arith.constant 0 : i32
    %scan3A_3 = arith.constant 0 : i32
    %scan3A_4 = arith.constant 125 : i32
    %scan3A_5 = arith.addi %scan3A_3, %scan3A_4 : i32
    %scan3A_6 = arith.constant 1 : i32
    scf.for %scan3A_16 = %scan3A_3 to %scan3A_5 step %scan3A_6  : i32 {
      %mul3A_17 = arith.constant 10000 : i32
      %mul3A_18 = arith.muli %arg1, %mul3A_17 : i32
      %mul3A_19 = arith.constant 80 : i32
      %mul3A_20 = arith.muli %scan3A_16, %mul3A_19 : i32
      %add3A_21 = arith.addi %mul3A_18, %mul3A_20 : i32
      %mul3A_22 = arith.constant 160000 : i32
      %mul3A_23 = arith.muli %arg0, %mul3A_22 : i32
      %add3A_24 = arith.addi %mul3A_23, %add3A_21 : i32
      "tpu.region"() ({
        %run_scoped3A = tpu.sem_alloc : memref<!tpu.dma_semaphore, #tpu.memory_space<semaphore_mem>>
        %dma_start3A_44 = tpu.memref_slice %arg3[%add3A_24] : memref<320000xi32, #tpu.memory_space<hbm>> -> memref<80xi32, #tpu.memory_space<hbm>>
        %dma_start3A_45 = tpu.memref_slice %arg3[%add3A_24] : memref<320000xi32, #tpu.memory_space<hbm>> -> memref<80xi32, #tpu.memory_space<hbm>>
        tpu.enqueue_dma source(%dma_start3A_45 : memref<80xi32, #tpu.memory_space<hbm>>) target(%arg10 : memref<80xi32, #tpu.memory_space<vmem>>) target_semaphore(%run_scoped3A : memref<!tpu.dma_semaphore, #tpu.memory_space<semaphore_mem>>)
        %dma_wait3A_46 = tpu.memref_slice %arg3[%add3A_24] : memref<320000xi32, #tpu.memory_space<hbm>> -> memref<80xi32, #tpu.memory_space<hbm>>
        %dma_wait3A_47 = tpu.memref_slice %arg3[%add3A_24] : memref<320000xi32, #tpu.memory_space<hbm>> -> memref<80xi32, #tpu.memory_space<hbm>>
        tpu.wait_dma2 semaphore(%run_scoped3A : memref<!tpu.dma_semaphore, #tpu.memory_space<semaphore_mem>>) src(%dma_wait3A_47 : memref<80xi32, #tpu.memory_space<hbm>>) dst(%arg10 : memref<80xi32, #tpu.memory_space<vmem>>)
        tpu.yield
      }) : () -> ()
      %mul3A_25 = arith.constant 160000 : i32
      %mul3A_26 = arith.muli %arg0, %mul3A_25 : i32
      %add3A_27 = arith.addi %mul3A_26, %add3A_21 : i32
      "tpu.region"() ({
        %run_scoped3A = tpu.sem_alloc : memref<!tpu.dma_semaphore, #tpu.memory_space<semaphore_mem>>
        %dma_start3A_44 = tpu.memref_slice %arg4[%add3A_27] : memref<320000xi32, #tpu.memory_space<hbm>> -> memref<80xi32, #tpu.memory_space<hbm>>
        %dma_start3A_45 = tpu.memref_slice %arg4[%add3A_27] : memref<320000xi32, #tpu.memory_space<hbm>> -> memref<80xi32, #tpu.memory_space<hbm>>
        tpu.enqueue_dma source(%dma_start3A_45 : memref<80xi32, #tpu.memory_space<hbm>>) target(%arg11 : memref<80xi32, #tpu.memory_space<vmem>>) target_semaphore(%run_scoped3A : memref<!tpu.dma_semaphore, #tpu.memory_space<semaphore_mem>>)
        %dma_wait3A_46 = tpu.memref_slice %arg4[%add3A_27] : memref<320000xi32, #tpu.memory_space<hbm>> -> memref<80xi32, #tpu.memory_space<hbm>>
        %dma_wait3A_47 = tpu.memref_slice %arg4[%add3A_27] : memref<320000xi32, #tpu.memory_space<hbm>> -> memref<80xi32, #tpu.memory_space<hbm>>
        tpu.wait_dma2 semaphore(%run_scoped3A : memref<!tpu.dma_semaphore, #tpu.memory_space<semaphore_mem>>) src(%dma_wait3A_47 : memref<80xi32, #tpu.memory_space<hbm>>) dst(%arg11 : memref<80xi32, #tpu.memory_space<vmem>>)
        tpu.yield
      }) : () -> ()
      "tpu.region"() ({
        %run_scoped3A = tpu.sem_alloc : memref<!tpu.dma_semaphore, #tpu.memory_space<semaphore_mem>>
        %dma_start3A_44 = tpu.memref_slice %arg5[%add3A_21] : memref<160000xi32, #tpu.memory_space<hbm>> -> memref<80xi32, #tpu.memory_space<hbm>>
        %dma_start3A_45 = tpu.memref_slice %arg5[%add3A_21] : memref<160000xi32, #tpu.memory_space<hbm>> -> memref<80xi32, #tpu.memory_space<hbm>>
        tpu.enqueue_dma source(%dma_start3A_45 : memref<80xi32, #tpu.memory_space<hbm>>) target(%arg12 : memref<80xi32, #tpu.memory_space<vmem>>) target_semaphore(%run_scoped3A : memref<!tpu.dma_semaphore, #tpu.memory_space<semaphore_mem>>)
        %dma_wait3A_46 = tpu.memref_slice %arg5[%add3A_21] : memref<160000xi32, #tpu.memory_space<hbm>> -> memref<80xi32, #tpu.memory_space<hbm>>
        %dma_wait3A_47 = tpu.memref_slice %arg5[%add3A_21] : memref<160000xi32, #tpu.memory_space<hbm>> -> memref<80xi32, #tpu.memory_space<hbm>>
        tpu.wait_dma2 semaphore(%run_scoped3A : memref<!tpu.dma_semaphore, #tpu.memory_space<semaphore_mem>>) src(%dma_wait3A_47 : memref<80xi32, #tpu.memory_space<hbm>>) dst(%arg12 : memref<80xi32, #tpu.memory_space<vmem>>)
        tpu.yield
      }) : () -> ()
      %dma_start3A = arith.constant 0 : i32
      %dma_start3A_28 = arith.constant 0 : i32
      %dma_start3A_29 = tpu.memref_slice %arg6[%dma_start3A, %dma_start3A_28] : memref<512x128xf32, #tpu.memory_space<hbm>> -> memref<512x128xf32, #tpu.memory_space<hbm>>
      tpu.enqueue_indirect_dma source(%dma_start3A_29 : memref<512x128xf32, #tpu.memory_space<hbm>>) target(%arg13 : memref<80x128xf32, #tpu.memory_space<vmem>>) offsets(%arg11 : memref<80xi32, #tpu.memory_space<vmem>>) semaphore(%arg15 : memref<!tpu.dma_semaphore, #tpu.memory_space<semaphore_mem>>)
      %dma_start3A_30 = arith.constant 0 : i32
      %dma_start3A_31 = arith.constant 0 : i32
      %dma_start3A_32 = tpu.memref_slice %arg2[%dma_start3A_30, %dma_start3A_31] : memref<20000x128xf32, #tpu.memory_space<hbm>> -> memref<20000x128xf32, #tpu.memory_space<hbm>>
      tpu.enqueue_indirect_dma source(%dma_start3A_32 : memref<20000x128xf32, #tpu.memory_space<hbm>>) target(%arg14 : memref<80x128xf32, #tpu.memory_space<vmem>>) offsets(%arg10 : memref<80xi32, #tpu.memory_space<vmem>>) semaphore(%arg16 : memref<!tpu.dma_semaphore, #tpu.memory_space<semaphore_mem>>)
      %dma_wait3A = arith.constant 0 : i32
      %dma_wait3A_33 = arith.constant 0 : i32
      %dma_wait3A_34 = tpu.memref_slice %arg6[%dma_wait3A, %dma_wait3A_33] : memref<512x128xf32, #tpu.memory_space<hbm>> -> memref<512x128xf32, #tpu.memory_space<hbm>>
      tpu.wait_indirect_dma semaphore(%arg15 : memref<!tpu.dma_semaphore, #tpu.memory_space<semaphore_mem>>) src(%dma_wait3A_34 : memref<512x128xf32, #tpu.memory_space<hbm>>) dst(%arg13 : memref<80x128xf32, #tpu.memory_space<vmem>>)
      %dma_wait3A_35 = arith.constant 0 : i32
      %dma_wait3A_36 = arith.constant 0 : i32
      %dma_wait3A_37 = tpu.memref_slice %arg2[%dma_wait3A_35, %dma_wait3A_36] : memref<20000x128xf32, #tpu.memory_space<hbm>> -> memref<20000x128xf32, #tpu.memory_space<hbm>>
      tpu.wait_indirect_dma semaphore(%arg16 : memref<!tpu.dma_semaphore, #tpu.memory_space<semaphore_mem>>) src(%dma_wait3A_37 : memref<20000x128xf32, #tpu.memory_space<hbm>>) dst(%arg14 : memref<80x128xf32, #tpu.memory_space<vmem>>)
      %scan3A_38 = arith.constant 0 : i32
      %scan3A_39 = arith.constant 0 : i32
      %scan3A_40 = arith.constant 80 : i32
      %scan3A_41 = arith.addi %scan3A_39, %scan3A_40 : i32
      %scan3A_42 = arith.constant 1 : i32
      scf.for %scan3A_44 = %scan3A_39 to %scan3A_41 step %scan3A_42  : i32 {
        %get3A = arith.index_cast %scan3A_44 : i32 to index
        %get3A_45 = arith.constant 0 : index
        %get3A_46 = tpu.vector_load %arg13[%get3A, %get3A_45] {strides = array<i32>} : memref<80x128xf32, #tpu.memory_space<vmem>>, vector<1x16xf32>,
        %get3A_47 = vector.shape_cast %get3A_46 : vector<1x16xf32> to vector<16xf32>
        %get3A_48 = arith.index_cast %scan3A_44 : i32 to index
        %get3A_49 = arith.constant 0 : index
        %get3A_50 = tpu.vector_load %arg14[%get3A_48, %get3A_49] {strides = array<i32>} : memref<80x128xf32, #tpu.memory_space<vmem>>, vector<1x16xf32>,
        %get3A_51 = vector.shape_cast %get3A_50 : vector<1x16xf32> to vector<16xf32>
        %add3A_52 = arith.addf %get3A_47, %get3A_51 : vector<16xf32>
        %max3A = arith.constant 0.000000e+00 : f32
        %max3A_53 = vector.broadcast %max3A : f32 to vector<16xf32>
        %max3A_54 = arith.maximumf %add3A_52, %max3A_53 : vector<16xf32>
        %swap3A = arith.index_cast %scan3A_44 : i32 to index
        %swap3A_55 = arith.constant 0 : index
        %swap3A_56 = tpu.vector_load %arg13[%swap3A, %swap3A_55] {strides = array<i32>} : memref<80x128xf32, #tpu.memory_space<vmem>>, vector<1x16xf32>,
        %swap3A_57 = vector.shape_cast %swap3A_56 : vector<1x16xf32> to vector<16xf32>
        %swap3A_58 = vector.shape_cast %max3A_54 : vector<16xf32> to vector<1x16xf32>
        tpu.vector_store %arg13[%swap3A, %swap3A_55], %swap3A_58 {strides = array<i32>} : memref<80x128xf32, #tpu.memory_space<vmem>>, vector<1x16xf32>,
        %get3A_59 = arith.index_cast %scan3A_44 : i32 to index
        %get3A_60 = arith.constant 16 : index
        %get3A_61 = tpu.vector_load %arg13[%get3A_59, %get3A_60] {strides = array<i32>} : memref<80x128xf32, #tpu.memory_space<vmem>>, vector<1x16xf32>,
        %get3A_62 = vector.shape_cast %get3A_61 : vector<1x16xf32> to vector<16xf32>
        %get3A_63 = arith.index_cast %scan3A_44 : i32 to index
        %get3A_64 = arith.constant 16 : index
        %get3A_65 = tpu.vector_load %arg14[%get3A_63, %get3A_64] {strides = array<i32>} : memref<80x128xf32, #tpu.memory_space<vmem>>, vector<1x16xf32>,
        %get3A_66 = vector.shape_cast %get3A_65 : vector<1x16xf32> to vector<16xf32>
        %add3A_67 = arith.addf %get3A_62, %get3A_66 : vector<16xf32>
        %max3A_68 = arith.constant 0.000000e+00 : f32
        %max3A_69 = vector.broadcast %max3A_68 : f32 to vector<16xf32>
        %max3A_70 = arith.maximumf %add3A_67, %max3A_69 : vector<16xf32>
        %swap3A_71 = arith.index_cast %scan3A_44 : i32 to index
        %swap3A_72 = arith.constant 16 : index
        %swap3A_73 = tpu.vector_load %arg13[%swap3A_71, %swap3A_72] {strides = array<i32>} : memref<80x128xf32, #tpu.memory_space<vmem>>, vector<1x16xf32>,
        %swap3A_74 = vector.shape_cast %swap3A_73 : vector<1x16xf32> to vector<16xf32>
        %swap3A_75 = vector.shape_cast %max3A_70 : vector<16xf32> to vector<1x16xf32>
        tpu.vector_store %arg13[%swap3A_71, %swap3A_72], %swap3A_75 {strides = array<i32>} : memref<80x128xf32, #tpu.memory_space<vmem>>, vector<1x16xf32>,
        %get3A_76 = arith.index_cast %scan3A_44 : i32 to index
        %get3A_77 = arith.constant 32 : index
        %get3A_78 = tpu.vector_load %arg13[%get3A_76, %get3A_77] {strides = array<i32>} : memref<80x128xf32, #tpu.memory_space<vmem>>, vector<1x16xf32>,
        %get3A_79 = vector.shape_cast %get3A_78 : vector<1x16xf32> to vector<16xf32>
        %get3A_80 = arith.index_cast %scan3A_44 : i32 to index
        %get3A_81 = arith.constant 32 : index
        %get3A_82 = tpu.vector_load %arg14[%get3A_80, %get3A_81] {strides = array<i32>} : memref<80x128xf32, #tpu.memory_space<vmem>>, vector<1x16xf32>,
        %get3A_83 = vector.shape_cast %get3A_82 : vector<1x16xf32> to vector<16xf32>
        %add3A_84 = arith.addf %get3A_79, %get3A_83 : vector<16xf32>
        %max3A_85 = arith.constant 0.000000e+00 : f32
        %max3A_86 = vector.broadcast %max3A_85 : f32 to vector<16xf32>
        %max3A_87 = arith.maximumf %add3A_84, %max3A_86 : vector<16xf32>
        %swap3A_88 = arith.index_cast %scan3A_44 : i32 to index
        %swap3A_89 = arith.constant 32 : index
        %swap3A_90 = tpu.vector_load %arg13[%swap3A_88, %swap3A_89] {strides = array<i32>} : memref<80x128xf32, #tpu.memory_space<vmem>>, vector<1x16xf32>,
        %swap3A_91 = vector.shape_cast %swap3A_90 : vector<1x16xf32> to vector<16xf32>
        %swap3A_92 = vector.shape_cast %max3A_87 : vector<16xf32> to vector<1x16xf32>
        tpu.vector_store %arg13[%swap3A_88, %swap3A_89], %swap3A_92 {strides = array<i32>} : memref<80x128xf32, #tpu.memory_space<vmem>>, vector<1x16xf32>,
        %get3A_93 = arith.index_cast %scan3A_44 : i32 to index
        %get3A_94 = arith.constant 48 : index
        %get3A_95 = tpu.vector_load %arg13[%get3A_93, %get3A_94] {strides = array<i32>} : memref<80x128xf32, #tpu.memory_space<vmem>>, vector<1x16xf32>,
        %get3A_96 = vector.shape_cast %get3A_95 : vector<1x16xf32> to vector<16xf32>
        %get3A_97 = arith.index_cast %scan3A_44 : i32 to index
        %get3A_98 = arith.constant 48 : index
        %get3A_99 = tpu.vector_load %arg14[%get3A_97, %get3A_98] {strides = array<i32>} : memref<80x128xf32, #tpu.memory_space<vmem>>, vector<1x16xf32>,
        %get3A_100 = vector.shape_cast %get3A_99 : vector<1x16xf32> to vector<16xf32>
        %add3A_101 = arith.addf %get3A_96, %get3A_100 : vector<16xf32>
        %max3A_102 = arith.constant 0.000000e+00 : f32
        %max3A_103 = vector.broadcast %max3A_102 : f32 to vector<16xf32>
        %max3A_104 = arith.maximumf %add3A_101, %max3A_103 : vector<16xf32>
        %swap3A_105 = arith.index_cast %scan3A_44 : i32 to index
        %swap3A_106 = arith.constant 48 : index
        %swap3A_107 = tpu.vector_load %arg13[%swap3A_105, %swap3A_106] {strides = array<i32>} : memref<80x128xf32, #tpu.memory_space<vmem>>, vector<1x16xf32>,
        %swap3A_108 = vector.shape_cast %swap3A_107 : vector<1x16xf32> to vector<16xf32>
        %swap3A_109 = vector.shape_cast %max3A_104 : vector<16xf32> to vector<1x16xf32>
        tpu.vector_store %arg13[%swap3A_105, %swap3A_106], %swap3A_109 {strides = array<i32>} : memref<80x128xf32, #tpu.memory_space<vmem>>, vector<1x16xf32>,
        %get3A_110 = arith.index_cast %scan3A_44 : i32 to index
        %get3A_111 = arith.constant 64 : index
        %get3A_112 = tpu.vector_load %arg13[%get3A_110, %get3A_111] {strides = array<i32>} : memref<80x128xf32, #tpu.memory_space<vmem>>, vector<1x16xf32>,
        %get3A_113 = vector.shape_cast %get3A_112 : vector<1x16xf32> to vector<16xf32>
        %get3A_114 = arith.index_cast %scan3A_44 : i32 to index
        %get3A_115 = arith.constant 64 : index
        %get3A_116 = tpu.vector_load %arg14[%get3A_114, %get3A_115] {strides = array<i32>} : memref<80x128xf32, #tpu.memory_space<vmem>>, vector<1x16xf32>,
        %get3A_117 = vector.shape_cast %get3A_116 : vector<1x16xf32> to vector<16xf32>
        %add3A_118 = arith.addf %get3A_113, %get3A_117 : vector<16xf32>
        %max3A_119 = arith.constant 0.000000e+00 : f32
        %max3A_120 = vector.broadcast %max3A_119 : f32 to vector<16xf32>
        %max3A_121 = arith.maximumf %add3A_118, %max3A_120 : vector<16xf32>
        %swap3A_122 = arith.index_cast %scan3A_44 : i32 to index
        %swap3A_123 = arith.constant 64 : index
        %swap3A_124 = tpu.vector_load %arg13[%swap3A_122, %swap3A_123] {strides = array<i32>} : memref<80x128xf32, #tpu.memory_space<vmem>>, vector<1x16xf32>,
        %swap3A_125 = vector.shape_cast %swap3A_124 : vector<1x16xf32> to vector<16xf32>
        %swap3A_126 = vector.shape_cast %max3A_121 : vector<16xf32> to vector<1x16xf32>
        tpu.vector_store %arg13[%swap3A_122, %swap3A_123], %swap3A_126 {strides = array<i32>} : memref<80x128xf32, #tpu.memory_space<vmem>>, vector<1x16xf32>,
        %get3A_127 = arith.index_cast %scan3A_44 : i32 to index
        %get3A_128 = arith.constant 80 : index
        %get3A_129 = tpu.vector_load %arg13[%get3A_127, %get3A_128] {strides = array<i32>} : memref<80x128xf32, #tpu.memory_space<vmem>>, vector<1x16xf32>,
        %get3A_130 = vector.shape_cast %get3A_129 : vector<1x16xf32> to vector<16xf32>
        %get3A_131 = arith.index_cast %scan3A_44 : i32 to index
        %get3A_132 = arith.constant 80 : index
        %get3A_133 = tpu.vector_load %arg14[%get3A_131, %get3A_132] {strides = array<i32>} : memref<80x128xf32, #tpu.memory_space<vmem>>, vector<1x16xf32>,
        %get3A_134 = vector.shape_cast %get3A_133 : vector<1x16xf32> to vector<16xf32>
        %add3A_135 = arith.addf %get3A_130, %get3A_134 : vector<16xf32>
        %max3A_136 = arith.constant 0.000000e+00 : f32
        %max3A_137 = vector.broadcast %max3A_136 : f32 to vector<16xf32>
        %max3A_138 = arith.maximumf %add3A_135, %max3A_137 : vector<16xf32>
        %swap3A_139 = arith.index_cast %scan3A_44 : i32 to index
        %swap3A_140 = arith.constant 80 : index
        %swap3A_141 = tpu.vector_load %arg13[%swap3A_139, %swap3A_140] {strides = array<i32>} : memref<80x128xf32, #tpu.memory_space<vmem>>, vector<1x16xf32>,
        %swap3A_142 = vector.shape_cast %swap3A_141 : vector<1x16xf32> to vector<16xf32>
        %swap3A_143 = vector.shape_cast %max3A_138 : vector<16xf32> to vector<1x16xf32>
        tpu.vector_store %arg13[%swap3A_139, %swap3A_140], %swap3A_143 {strides = array<i32>} : memref<80x128xf32, #tpu.memory_space<vmem>>, vector<1x16xf32>,
        %get3A_144 = arith.index_cast %scan3A_44 : i32 to index
        %get3A_145 = arith.constant 96 : index
        %get3A_146 = tpu.vector_load %arg13[%get3A_144, %get3A_145] {strides = array<i32>} : memref<80x128xf32, #tpu.memory_space<vmem>>, vector<1x16xf32>,
        %get3A_147 = vector.shape_cast %get3A_146 : vector<1x16xf32> to vector<16xf32>
        %get3A_148 = arith.index_cast %scan3A_44 : i32 to index
        %get3A_149 = arith.constant 96 : index
        %get3A_150 = tpu.vector_load %arg14[%get3A_148, %get3A_149] {strides = array<i32>} : memref<80x128xf32, #tpu.memory_space<vmem>>, vector<1x16xf32>,
        %get3A_151 = vector.shape_cast %get3A_150 : vector<1x16xf32> to vector<16xf32>
        %add3A_152 = arith.addf %get3A_147, %get3A_151 : vector<16xf32>
        %max3A_153 = arith.constant 0.000000e+00 : f32
        %max3A_154 = vector.broadcast %max3A_153 : f32 to vector<16xf32>
        %max3A_155 = arith.maximumf %add3A_152, %max3A_154 : vector<16xf32>
        %swap3A_156 = arith.index_cast %scan3A_44 : i32 to index
        %swap3A_157 = arith.constant 96 : index
        %swap3A_158 = tpu.vector_load %arg13[%swap3A_156, %swap3A_157] {strides = array<i32>} : memref<80x128xf32, #tpu.memory_space<vmem>>, vector<1x16xf32>,
        %swap3A_159 = vector.shape_cast %swap3A_158 : vector<1x16xf32> to vector<16xf32>
        %swap3A_160 = vector.shape_cast %max3A_155 : vector<16xf32> to vector<1x16xf32>
        tpu.vector_store %arg13[%swap3A_156, %swap3A_157], %swap3A_160 {strides = array<i32>} : memref<80x128xf32, #tpu.memory_space<vmem>>, vector<1x16xf32>,
        %get3A_161 = arith.index_cast %scan3A_44 : i32 to index
        %get3A_162 = arith.constant 112 : index
        %get3A_163 = tpu.vector_load %arg13[%get3A_161, %get3A_162] {strides = array<i32>} : memref<80x128xf32, #tpu.memory_space<vmem>>, vector<1x16xf32>,
        %get3A_164 = vector.shape_cast %get3A_163 : vector<1x16xf32> to vector<16xf32>
        %get3A_165 = arith.index_cast %scan3A_44 : i32 to index
        %get3A_166 = arith.constant 112 : index
        %get3A_167 = tpu.vector_load %arg14[%get3A_165, %get3A_166] {strides = array<i32>} : memref<80x128xf32, #tpu.memory_space<vmem>>, vector<1x16xf32>,
        %get3A_168 = vector.shape_cast %get3A_167 : vector<1x16xf32> to vector<16xf32>
        %add3A_169 = arith.addf %get3A_164, %get3A_168 : vector<16xf32>
        %max3A_170 = arith.constant 0.000000e+00 : f32
        %max3A_171 = vector.broadcast %max3A_170 : f32 to vector<16xf32>
        %max3A_172 = arith.maximumf %add3A_169, %max3A_171 : vector<16xf32>
        %swap3A_173 = arith.index_cast %scan3A_44 : i32 to index
        %swap3A_174 = arith.constant 112 : index
        %swap3A_175 = tpu.vector_load %arg13[%swap3A_173, %swap3A_174] {strides = array<i32>} : memref<80x128xf32, #tpu.memory_space<vmem>>, vector<1x16xf32>,
        %swap3A_176 = vector.shape_cast %swap3A_175 : vector<1x16xf32> to vector<16xf32>
        %swap3A_177 = vector.shape_cast %max3A_172 : vector<16xf32> to vector<1x16xf32>
        tpu.vector_store %arg13[%swap3A_173, %swap3A_174], %swap3A_177 {strides = array<i32>} : memref<80x128xf32, #tpu.memory_space<vmem>>, vector<1x16xf32>,
      }
      %scan3A_43 = arith.constant 80 : i32
      "tpu.region"() ({
        %run_scoped3A = tpu.sem_alloc : memref<!tpu.dma_semaphore, #tpu.memory_space<semaphore_mem>>
        %dma_start3A_44 = arith.constant 0 : i32
        %dma_start3A_45 = arith.constant 0 : i32
        %dma_start3A_46 = tpu.memref_slice %arg9[%dma_start3A_44, %dma_start3A_45] : memref<10000x128xf32, #tpu.memory_space<vmem_shared>> -> memref<10000x128xf32, #tpu.memory_space<vmem_shared>>
        tpu.enqueue_indirect_dma source(%arg13 : memref<80x128xf32, #tpu.memory_space<vmem>>) target(%dma_start3A_46 : memref<10000x128xf32, #tpu.memory_space<vmem_shared>>) offsets(%arg12 : memref<80xi32, #tpu.memory_space<vmem>>) semaphore(%run_scoped3A : memref<!tpu.dma_semaphore, #tpu.memory_space<semaphore_mem>>) {add = true}
        %dma_wait3A_47 = arith.constant 0 : i32
        %dma_wait3A_48 = arith.constant 0 : i32
        %dma_wait3A_49 = tpu.memref_slice %arg9[%dma_wait3A_47, %dma_wait3A_48] : memref<10000x128xf32, #tpu.memory_space<vmem_shared>> -> memref<10000x128xf32, #tpu.memory_space<vmem_shared>>
        tpu.wait_indirect_dma semaphore(%run_scoped3A : memref<!tpu.dma_semaphore, #tpu.memory_space<semaphore_mem>>) src(%arg13 : memref<80x128xf32, #tpu.memory_space<vmem>>) dst(%dma_wait3A_49 : memref<10000x128xf32, #tpu.memory_space<vmem_shared>>)
        tpu.yield
      }) : () -> ()
    }
    %scan3A_7 = arith.constant 125 : i32
    %barrier3A_8 = arith.constant 0 : index
    tpu.barrier barrier_id(%barrier3A_8)
    %mul3A_9 = arith.constant 10000 : i32
    %mul3A_10 = arith.muli %arg0, %mul3A_9 : i32
    %add3A = arith.addi %mul3A_10, %mul3A_0 : i32
    "tpu.region"() ({
      %run_scoped3A = tpu.sem_alloc : memref<!tpu.dma_semaphore, #tpu.memory_space<semaphore_mem>>
      %dma_start3A = arith.constant 0 : i32
      %dma_start3A_16 = tpu.memref_slice %arg8[%add3A, %dma_start3A] : memref<20000x128xf32, #tpu.memory_space<hbm>> -> memref<624x128xf32, #tpu.memory_space<hbm>>
      %dma_start3A_17 = arith.constant 0 : i32
      %dma_start3A_18 = tpu.memref_slice %arg9[%mul3A_0, %dma_start3A_17] : memref<10000x128xf32, #tpu.memory_space<vmem_shared>> -> memref<624x128xf32, #tpu.memory_space<vmem_shared>>
      tpu.enqueue_dma source(%dma_start3A_18 : memref<624x128xf32, #tpu.memory_space<vmem_shared>>) target(%dma_start3A_16 : memref<624x128xf32, #tpu.memory_space<hbm>>) target_semaphore(%run_scoped3A : memref<!tpu.dma_semaphore, #tpu.memory_space<semaphore_mem>>)
      %dma_wait3A = arith.constant 0 : i32
      %dma_wait3A_19 = tpu.memref_slice %arg8[%add3A, %dma_wait3A] : memref<20000x128xf32, #tpu.memory_space<hbm>> -> memref<624x128xf32, #tpu.memory_space<hbm>>
      %dma_wait3A_20 = arith.constant 0 : i32
      %dma_wait3A_21 = tpu.memref_slice %arg9[%mul3A_0, %dma_wait3A_20] : memref<10000x128xf32, #tpu.memory_space<vmem_shared>> -> memref<624x128xf32, #tpu.memory_space<vmem_shared>>
      tpu.wait_dma2 semaphore(%run_scoped3A : memref<!tpu.dma_semaphore, #tpu.memory_space<semaphore_mem>>) src(%dma_wait3A_21 : memref<624x128xf32, #tpu.memory_space<vmem_shared>>) dst(%dma_wait3A_19 : memref<624x128xf32, #tpu.memory_space<hbm>>)
      tpu.yield
    }) : () -> ()
    %eq3A_11 = arith.constant 15 : i32
    %eq3A_12 = arith.cmpi eq, %arg1, %eq3A_11 : i32
    %convert_element_type3A_13 = arith.extui %eq3A_12 : i1 to i32
    %cond3A_14 = arith.constant 0 : i32
    %cond3A_15 = arith.cmpi ne, %convert_element_type3A_13, %cond3A_14 : i32
    scf.if %cond3A_15 {
      %mul3A_16 = arith.constant 10000 : i32
      %mul3A_17 = arith.muli %arg0, %mul3A_16 : i32
      %add3A_18 = arith.constant 9984 : i32
      %add3A_19 = arith.addi %mul3A_17, %add3A_18 : i32
      "tpu.region"() ({
        %run_scoped3A = tpu.sem_alloc : memref<!tpu.dma_semaphore, #tpu.memory_space<semaphore_mem>>
        %dma_start3A = arith.constant 0 : i32
        %dma_start3A_20 = tpu.memref_slice %arg8[%add3A_19, %dma_start3A] : memref<20000x128xf32, #tpu.memory_space<hbm>> -> memref<16x128xf32, #tpu.memory_space<hbm>>
        %dma_start3A_21 = arith.constant 9984 : i32
        %dma_start3A_22 = arith.constant 0 : i32
        %dma_start3A_23 = tpu.memref_slice %arg9[%dma_start3A_21, %dma_start3A_22] : memref<10000x128xf32, #tpu.memory_space<vmem_shared>> -> memref<16x128xf32, #tpu.memory_space<vmem_shared>>
        tpu.enqueue_dma source(%dma_start3A_23 : memref<16x128xf32, #tpu.memory_space<vmem_shared>>) target(%dma_start3A_20 : memref<16x128xf32, #tpu.memory_space<hbm>>) target_semaphore(%run_scoped3A : memref<!tpu.dma_semaphore, #tpu.memory_space<semaphore_mem>>)
        %dma_wait3A = arith.constant 0 : i32
        %dma_wait3A_24 = tpu.memref_slice %arg8[%add3A_19, %dma_wait3A] : memref<20000x128xf32, #tpu.memory_space<hbm>> -> memref<16x128xf32, #tpu.memory_space<hbm>>
        %dma_wait3A_25 = arith.constant 9984 : i32
        %dma_wait3A_26 = arith.constant 0 : i32
        %dma_wait3A_27 = tpu.memref_slice %arg9[%dma_wait3A_25, %dma_wait3A_26] : memref<10000x128xf32, #tpu.memory_space<vmem_shared>> -> memref<16x128xf32, #tpu.memory_space<vmem_shared>>
        tpu.wait_dma2 semaphore(%run_scoped3A : memref<!tpu.dma_semaphore, #tpu.memory_space<semaphore_mem>>) src(%dma_wait3A_27 : memref<16x128xf32, #tpu.memory_space<vmem_shared>>) dst(%dma_wait3A_24 : memref<16x128xf32, #tpu.memory_space<hbm>>)
        tpu.yield
      }) : () -> ()
    } else {
    }
    return
  }
}

module attributes {stable_mosaic.version = 14 : i64} {
  func.func @_tc_pre_body(%arg0: memref<10000x128xf32, #tpu.memory_space<vmem>>, %arg1: memref<128x256xf32, #tpu.memory_space<vmem>>, %arg2: memref<1x256xf32, #tpu.memory_space<vmem>>, %arg3: memref<2x10000x128xf32, #tpu.memory_space<vmem>>) attributes {dimension_semantics = [], scalar_prefetch = 0 : i64, scratch_operands = 0 : i64, tpu.core_type = #tpu.core_type<tc>} {
    %get3A = arith.constant 0 : index
    %get3A_0 = arith.constant 0 : index
    %get3A_1 = vector.load %arg0[%get3A, %get3A_0] : memref<10000x128xf32, #tpu.memory_space<vmem>>, vector<10000x128xf32>
    %get3A_2 = arith.constant 0 : index
    %get3A_3 = arith.constant 0 : index
    %get3A_4 = vector.load %arg1[%get3A_2, %get3A_3] : memref<128x256xf32, #tpu.memory_space<vmem>>, vector<128x256xf32>
    %convert_element_type3A = arith.truncf %get3A_4 : vector<128x256xf32> to vector<128x256xbf16>
    %convert_element_type3A_5 = arith.extf %convert_element_type3A : vector<128x256xbf16> to vector<128x256xf32>
    %sub3A = arith.subf %get3A_4, %convert_element_type3A_5 : vector<128x256xf32>
    %convert_element_type3A_6 = arith.truncf %sub3A : vector<128x256xf32> to vector<128x256xbf16>
    %convert_element_type3A_7 = arith.extf %convert_element_type3A_6 : vector<128x256xbf16> to vector<128x256xf32>
    %sub3A_8 = arith.subf %sub3A, %convert_element_type3A_7 : vector<128x256xf32>
    %convert_element_type3A_9 = arith.truncf %sub3A_8 : vector<128x256xf32> to vector<128x256xbf16>
    %convert_element_type3A_10 = arith.truncf %get3A_1 : vector<10000x128xf32> to vector<10000x128xbf16>
    %dot_general3A = arith.constant dense<0.000000e+00> : vector<10000x256xf32>
    %dot_general3A_11 = tpu.matmul %convert_element_type3A_10, %convert_element_type3A, %dot_general3A {dimension_numbers = #tpu.dot_dimension_numbers<[1], [0], [0], [1], [0, 0, 1, 1], [], []>, transpose_lhs_hint = false} : vector<10000x128xbf16>, vector<128x256xbf16>, vector<10000x256xf32> -> vector<10000x256xf32>
    %dot_general3A_12 = arith.constant dense<0.000000e+00> : vector<10000x256xf32>
    %dot_general3A_13 = tpu.matmul %convert_element_type3A_10, %convert_element_type3A_6, %dot_general3A_12 {dimension_numbers = #tpu.dot_dimension_numbers<[1], [0], [0], [1], [0, 0, 1, 1], [], []>, transpose_lhs_hint = false} : vector<10000x128xbf16>, vector<128x256xbf16>, vector<10000x256xf32> -> vector<10000x256xf32>
    %dot_general3A_14 = arith.constant dense<0.000000e+00> : vector<10000x256xf32>
    %dot_general3A_15 = tpu.matmul %convert_element_type3A_10, %convert_element_type3A_9, %dot_general3A_14 {dimension_numbers = #tpu.dot_dimension_numbers<[1], [0], [0], [1], [0, 0, 1, 1], [], []>, transpose_lhs_hint = false} : vector<10000x128xbf16>, vector<128x256xbf16>, vector<10000x256xf32> -> vector<10000x256xf32>
    %add3A = arith.addf %dot_general3A_13, %dot_general3A_15 : vector<10000x256xf32>
    %add3A_16 = arith.addf %dot_general3A_11, %add3A : vector<10000x256xf32>
    %get3A_17 = arith.constant 0 : index
    %get3A_18 = arith.constant 0 : index
    %get3A_19 = vector.load %arg2[%get3A_17, %get3A_18] : memref<1x256xf32, #tpu.memory_space<vmem>>, vector<1x256xf32>
    %add3A_20 = vector.broadcast %get3A_19 : vector<1x256xf32> to vector<10000x256xf32>
    %add3A_21 = arith.addf %add3A_16, %add3A_20 : vector<10000x256xf32>
    %slice3A = vector.extract_strided_slice %add3A_21 {offsets = [0, 0], sizes = [10000, 128], strides = [1, 1]} : vector<10000x256xf32> to vector<10000x128xf32>
    %swap3A = arith.constant 0 : index
    %swap3A_22 = arith.constant 0 : index
    %swap3A_23 = arith.constant 0 : index
    %swap3A_24 = vector.load %arg3[%swap3A, %swap3A_22, %swap3A_23] : memref<2x10000x128xf32, #tpu.memory_space<vmem>>, vector<1x10000x128xf32>
    %swap3A_25 = vector.shape_cast %swap3A_24 : vector<1x10000x128xf32> to vector<10000x128xf32>
    %swap3A_26 = vector.shape_cast %slice3A : vector<10000x128xf32> to vector<1x10000x128xf32>
    tpu.vector_store %arg3[%swap3A, %swap3A_22, %swap3A_23], %swap3A_26 {strides = array<i32>} : memref<2x10000x128xf32, #tpu.memory_space<vmem>>, vector<1x10000x128xf32>,
    %slice3A_27 = vector.extract_strided_slice %add3A_21 {offsets = [0, 128], sizes = [10000, 128], strides = [1, 1]} : vector<10000x256xf32> to vector<10000x128xf32>
    %swap3A_28 = arith.constant 1 : index
    %swap3A_29 = arith.constant 0 : index
    %swap3A_30 = arith.constant 0 : index
    %swap3A_31 = vector.load %arg3[%swap3A_28, %swap3A_29, %swap3A_30] : memref<2x10000x128xf32, #tpu.memory_space<vmem>>, vector<1x10000x128xf32>
    %swap3A_32 = vector.shape_cast %swap3A_31 : vector<1x10000x128xf32> to vector<10000x128xf32>
    %swap3A_33 = vector.shape_cast %slice3A_27 : vector<10000x128xf32> to vector<1x10000x128xf32>
    tpu.vector_store %arg3[%swap3A_28, %swap3A_29, %swap3A_30], %swap3A_33 {strides = array<i32>} : memref<2x10000x128xf32, #tpu.memory_space<vmem>>, vector<1x10000x128xf32>,
    return
  }
}

module attributes {stable_mosaic.version = 14 : i64} {
  func.func @_tc_layer_body(%arg0: memref<10000x128xf32, #tpu.memory_space<vmem>>, %arg1: memref<10000x128xf32, #tpu.memory_space<vmem>>, %arg2: memref<10000x128xf32, #tpu.memory_space<vmem>>, %arg3: memref<10000x128xf32, #tpu.memory_space<vmem>>, %arg4: memref<1x10000xi32, #tpu.memory_space<vmem>>, %arg5: memref<1x1xf32, #tpu.memory_space<vmem>>, %arg6: memref<256x512xf32, #tpu.memory_space<vmem>>, %arg7: memref<1x512xf32, #tpu.memory_space<vmem>>, %arg8: memref<1x512xf32, #tpu.memory_space<vmem>>, %arg9: memref<1x512xf32, #tpu.memory_space<vmem>>, %arg10: memref<512x256xf32, #tpu.memory_space<vmem>>, %arg11: memref<1x256xf32, #tpu.memory_space<vmem>>, %arg12: memref<1x256xf32, #tpu.memory_space<vmem>>, %arg13: memref<1x256xf32, #tpu.memory_space<vmem>>, %arg14: memref<64x256xf32, #tpu.memory_space<vmem>>, %arg15: memref<256x512xf32, #tpu.memory_space<vmem>>, %arg16: memref<1x512xf32, #tpu.memory_space<vmem>>, %arg17: memref<1x512xf32, #tpu.memory_space<vmem>>, %arg18: memref<1x512xf32, #tpu.memory_space<vmem>>, %arg19: memref<512x256xf32, #tpu.memory_space<vmem>>, %arg20: memref<1x256xf32, #tpu.memory_space<vmem>>, %arg21: memref<1x256xf32, #tpu.memory_space<vmem>>, %arg22: memref<1x256xf32, #tpu.memory_space<vmem>>, %arg23: memref<2x10000x128xf32, #tpu.memory_space<vmem>>, %arg24: memref<64x256xf32, #tpu.memory_space<vmem>>) attributes {dimension_semantics = [], scalar_prefetch = 0 : i64, scratch_operands = 0 : i64, tpu.core_type = #tpu.core_type<tc>} {
    %get3A = arith.constant 0 : index
    %get3A_0 = arith.constant 0 : index
    %get3A_1 = vector.load %arg0[%get3A, %get3A_0] : memref<10000x128xf32, #tpu.memory_space<vmem>>, vector<10000x128xf32>
    %get3A_2 = arith.constant 0 : index
    %get3A_3 = arith.constant 0 : index
    %get3A_4 = vector.load %arg1[%get3A_2, %get3A_3] : memref<10000x128xf32, #tpu.memory_space<vmem>>, vector<10000x128xf32>
    %concatenate3A = tpu.concatenate %get3A_1, %get3A_4 in 1 : vector<10000x128xf32>, vector<10000x128xf32> -> vector<10000x256xf32>
    %get3A_5 = arith.constant 0 : index
    %get3A_6 = arith.constant 0 : index
    %get3A_7 = vector.load %arg2[%get3A_5, %get3A_6] : memref<10000x128xf32, #tpu.memory_space<vmem>>, vector<10000x128xf32>
    %get3A_8 = arith.constant 0 : index
    %get3A_9 = arith.constant 0 : index
    %get3A_10 = vector.load %arg3[%get3A_8, %get3A_9] : memref<10000x128xf32, #tpu.memory_space<vmem>>, vector<10000x128xf32>
    %concatenate3A_11 = tpu.concatenate %get3A_7, %get3A_10 in 1 : vector<10000x128xf32>, vector<10000x128xf32> -> vector<10000x256xf32>
    %get3A_12 = arith.constant 0 : index
    %get3A_13 = arith.constant 0 : index
    %get3A_14 = vector.load %arg5[%get3A_12, %get3A_13] : memref<1x1xf32, #tpu.memory_space<vmem>>, vector<1x1xf32>
    %get3A_15 = vector.extract %get3A_14[0, 0] : f32 from vector<1x1xf32>
    %add3A = arith.constant 1.000000e+00 : f32
    %add3A_16 = arith.addf %add3A, %get3A_15 : f32
    %mul3A = vector.broadcast %add3A_16 : f32 to vector<10000x256xf32>
    %mul3A_17 = arith.mulf %mul3A, %concatenate3A : vector<10000x256xf32>
    %add3A_18 = arith.addf %mul3A_17, %concatenate3A_11 : vector<10000x256xf32>
    %get3A_19 = arith.constant 0 : index
    %get3A_20 = arith.constant 0 : index
    %get3A_21 = vector.load %arg6[%get3A_19, %get3A_20] : memref<256x512xf32, #tpu.memory_space<vmem>>, vector<256x512xf32>
    %dot_general3A = arith.constant dense<0.000000e+00> : vector<10000x512xf32>
    %dot_general3A_22 = tpu.matmul %add3A_18, %get3A_21, %dot_general3A {dimension_numbers = #tpu.dot_dimension_numbers<[1], [0], [0], [1], [0, 0, 1, 1], [], []>, transpose_lhs_hint = false} : vector<10000x256xf32>, vector<256x512xf32>, vector<10000x512xf32> -> vector<10000x512xf32>
    %get3A_23 = arith.constant 0 : index
    %get3A_24 = arith.constant 0 : index
    %get3A_25 = vector.load %arg7[%get3A_23, %get3A_24] : memref<1x512xf32, #tpu.memory_space<vmem>>, vector<1x512xf32>
    %add3A_26 = vector.broadcast %get3A_25 : vector<1x512xf32> to vector<10000x512xf32>
    %add3A_27 = arith.addf %dot_general3A_22, %add3A_26 : vector<10000x512xf32>
    %get3A_28 = arith.constant 0 : index
    %get3A_29 = arith.constant 0 : index
    %get3A_30 = vector.load %arg8[%get3A_28, %get3A_29] : memref<1x512xf32, #tpu.memory_space<vmem>>, vector<1x512xf32>
    %get3A_31 = arith.constant 0 : index
    %get3A_32 = arith.constant 0 : index
    %get3A_33 = vector.load %arg9[%get3A_31, %get3A_32] : memref<1x512xf32, #tpu.memory_space<vmem>>, vector<1x512xf32>
    %reduce_sum3A = arith.constant dense<0.000000e+00> : vector<512xf32>
    %reduce_sum3A_34 = vector.multi_reduction <add>, %add3A_27, %reduce_sum3A [0] : vector<10000x512xf32> to vector<512xf32>
    %div3A = arith.constant 1.000000e+04 : f32
    %div3A_35 = vector.broadcast %div3A : f32 to vector<512xf32>
    %div3A_36 = arith.divf %reduce_sum3A_34, %div3A_35 : vector<512xf32>
    %jit3A = arith.constant 0 : i32
    %reduce_sum3A_37 = arith.constant dense<0.000000e+00> : vector<512xf32>
    %reduce_sum3A_38 = vector.multi_reduction <add>, %add3A_27, %reduce_sum3A_37 [0] : vector<10000x512xf32> to vector<512xf32>
    %broadcast_in_dim3A = vector.shape_cast %reduce_sum3A_38 : vector<512xf32> to vector<1x512xf32>
    %div3A_39 = arith.constant 1.000000e+04 : f32
    %div3A_40 = vector.broadcast %div3A_39 : f32 to vector<1x512xf32>
    %div3A_41 = arith.divf %broadcast_in_dim3A, %div3A_40 : vector<1x512xf32>
    %sub3A = vector.broadcast %div3A_41 : vector<1x512xf32> to vector<10000x512xf32>
    %sub3A_42 = arith.subf %add3A_27, %sub3A : vector<10000x512xf32>
    %square3A = arith.mulf %sub3A_42, %sub3A_42 : vector<10000x512xf32>
    %convert_element_type3A = arith.sitofp %jit3A : i32 to f32
    %sub3A_43 = arith.constant 1.000000e+04 : f32
    %sub3A_44 = arith.subf %sub3A_43, %convert_element_type3A : f32
    %reduce_sum3A_45 = arith.constant dense<0.000000e+00> : vector<512xf32>
    %reduce_sum3A_46 = vector.multi_reduction <add>, %square3A, %reduce_sum3A_45 [0] : vector<10000x512xf32> to vector<512xf32>
    %div3A_47 = vector.broadcast %sub3A_44 : f32 to vector<512xf32>
    %div3A_48 = arith.divf %reduce_sum3A_46, %div3A_47 : vector<512xf32>
    %gt3A = arith.constant 0.000000e+00 : f32
    %gt3A_49 = arith.cmpf ogt, %sub3A_44, %gt3A : f32
    %jit3A_50 = arith.constant 0x7FC00000 : f32
    %broadcast_in_dim3A_51 = vector.broadcast %jit3A_50 : f32 to vector<512xf32>
    %select_n3A = arith.select %gt3A_49, %div3A_48, %broadcast_in_dim3A_51 : vector<512xf32>
    %broadcast_in_dim3A_52 = vector.shape_cast %div3A_36 : vector<512xf32> to vector<1x512xf32>
    %sub3A_53 = vector.broadcast %broadcast_in_dim3A_52 : vector<1x512xf32> to vector<10000x512xf32>
    %sub3A_54 = arith.subf %add3A_27, %sub3A_53 : vector<10000x512xf32>
    %add3A_55 = arith.constant 9.99999974E-6 : f32
    %add3A_56 = vector.broadcast %add3A_55 : f32 to vector<512xf32>
    %add3A_57 = arith.addf %select_n3A, %add3A_56 : vector<512xf32>
    %rsqrt3A = math.rsqrt %add3A_57 : vector<512xf32>
    %broadcast_in_dim3A_58 = vector.shape_cast %rsqrt3A : vector<512xf32> to vector<1x512xf32>
    %mul3A_59 = vector.broadcast %broadcast_in_dim3A_58 : vector<1x512xf32> to vector<10000x512xf32>
    %mul3A_60 = arith.mulf %sub3A_54, %mul3A_59 : vector<10000x512xf32>
    %mul3A_61 = vector.broadcast %get3A_30 : vector<1x512xf32> to vector<10000x512xf32>
    %mul3A_62 = arith.mulf %mul3A_60, %mul3A_61 : vector<10000x512xf32>
    %add3A_63 = vector.broadcast %get3A_33 : vector<1x512xf32> to vector<10000x512xf32>
    %add3A_64 = arith.addf %mul3A_62, %add3A_63 : vector<10000x512xf32>
    %max3A = arith.constant 0.000000e+00 : f32
    %max3A_65 = vector.broadcast %max3A : f32 to vector<10000x512xf32>
    %max3A_66 = arith.maximumf %add3A_64, %max3A_65 : vector<10000x512xf32>
    %get3A_67 = arith.constant 0 : index
    %get3A_68 = arith.constant 0 : index
    %get3A_69 = vector.load %arg10[%get3A_67, %get3A_68] : memref<512x256xf32, #tpu.memory_space<vmem>>, vector<512x256xf32>
    %dot_general3A_70 = arith.constant dense<0.000000e+00> : vector<10000x256xf32>
    %dot_general3A_71 = tpu.matmul %max3A_66, %get3A_69, %dot_general3A_70 {dimension_numbers = #tpu.dot_dimension_numbers<[1], [0], [0], [1], [0, 0, 1, 1], [], []>, transpose_lhs_hint = false} : vector<10000x512xf32>, vector<512x256xf32>, vector<10000x256xf32> -> vector<10000x256xf32>
    %get3A_72 = arith.constant 0 : index
    %get3A_73 = arith.constant 0 : index
    %get3A_74 = vector.load %arg11[%get3A_72, %get3A_73] : memref<1x256xf32, #tpu.memory_space<vmem>>, vector<1x256xf32>
    %add3A_75 = vector.broadcast %get3A_74 : vector<1x256xf32> to vector<10000x256xf32>
    %add3A_76 = arith.addf %dot_general3A_71, %add3A_75 : vector<10000x256xf32>
    %get3A_77 = arith.constant 0 : index
    %get3A_78 = arith.constant 0 : index
    %get3A_79 = vector.load %arg12[%get3A_77, %get3A_78] : memref<1x256xf32, #tpu.memory_space<vmem>>, vector<1x256xf32>
    %get3A_80 = arith.constant 0 : index
    %get3A_81 = arith.constant 0 : index
    %get3A_82 = vector.load %arg13[%get3A_80, %get3A_81] : memref<1x256xf32, #tpu.memory_space<vmem>>, vector<1x256xf32>
    %reduce_sum3A_83 = arith.constant dense<0.000000e+00> : vector<256xf32>
    %reduce_sum3A_84 = vector.multi_reduction <add>, %add3A_76, %reduce_sum3A_83 [0] : vector<10000x256xf32> to vector<256xf32>
    %div3A_85 = arith.constant 1.000000e+04 : f32
    %div3A_86 = vector.broadcast %div3A_85 : f32 to vector<256xf32>
    %div3A_87 = arith.divf %reduce_sum3A_84, %div3A_86 : vector<256xf32>
    %jit3A_88 = arith.constant 0 : i32
    %reduce_sum3A_89 = arith.constant dense<0.000000e+00> : vector<256xf32>
    %reduce_sum3A_90 = vector.multi_reduction <add>, %add3A_76, %reduce_sum3A_89 [0] : vector<10000x256xf32> to vector<256xf32>
    %broadcast_in_dim3A_91 = vector.shape_cast %reduce_sum3A_90 : vector<256xf32> to vector<1x256xf32>
    %div3A_92 = arith.constant 1.000000e+04 : f32
    %div3A_93 = vector.broadcast %div3A_92 : f32 to vector<1x256xf32>
    %div3A_94 = arith.divf %broadcast_in_dim3A_91, %div3A_93 : vector<1x256xf32>
    %sub3A_95 = vector.broadcast %div3A_94 : vector<1x256xf32> to vector<10000x256xf32>
    %sub3A_96 = arith.subf %add3A_76, %sub3A_95 : vector<10000x256xf32>
    %square3A_97 = arith.mulf %sub3A_96, %sub3A_96 : vector<10000x256xf32>
    %convert_element_type3A_98 = arith.sitofp %jit3A_88 : i32 to f32
    %sub3A_99 = arith.constant 1.000000e+04 : f32
    %sub3A_100 = arith.subf %sub3A_99, %convert_element_type3A_98 : f32
    %reduce_sum3A_101 = arith.constant dense<0.000000e+00> : vector<256xf32>
    %reduce_sum3A_102 = vector.multi_reduction <add>, %square3A_97, %reduce_sum3A_101 [0] : vector<10000x256xf32> to vector<256xf32>
    %div3A_103 = vector.broadcast %sub3A_100 : f32 to vector<256xf32>
    %div3A_104 = arith.divf %reduce_sum3A_102, %div3A_103 : vector<256xf32>
    %gt3A_105 = arith.constant 0.000000e+00 : f32
    %gt3A_106 = arith.cmpf ogt, %sub3A_100, %gt3A_105 : f32
    %jit3A_107 = arith.constant 0x7FC00000 : f32
    %broadcast_in_dim3A_108 = vector.broadcast %jit3A_107 : f32 to vector<256xf32>
    %select_n3A_109 = arith.select %gt3A_106, %div3A_104, %broadcast_in_dim3A_108 : vector<256xf32>
    %broadcast_in_dim3A_110 = vector.shape_cast %div3A_87 : vector<256xf32> to vector<1x256xf32>
    %sub3A_111 = vector.broadcast %broadcast_in_dim3A_110 : vector<1x256xf32> to vector<10000x256xf32>
    %sub3A_112 = arith.subf %add3A_76, %sub3A_111 : vector<10000x256xf32>
    %add3A_113 = arith.constant 9.99999974E-6 : f32
    %add3A_114 = vector.broadcast %add3A_113 : f32 to vector<256xf32>
    %add3A_115 = arith.addf %select_n3A_109, %add3A_114 : vector<256xf32>
    %rsqrt3A_116 = math.rsqrt %add3A_115 : vector<256xf32>
    %broadcast_in_dim3A_117 = vector.shape_cast %rsqrt3A_116 : vector<256xf32> to vector<1x256xf32>
    %mul3A_118 = vector.broadcast %broadcast_in_dim3A_117 : vector<1x256xf32> to vector<10000x256xf32>
    %mul3A_119 = arith.mulf %sub3A_112, %mul3A_118 : vector<10000x256xf32>
    %mul3A_120 = vector.broadcast %get3A_79 : vector<1x256xf32> to vector<10000x256xf32>
    %mul3A_121 = arith.mulf %mul3A_119, %mul3A_120 : vector<10000x256xf32>
    %add3A_122 = vector.broadcast %get3A_82 : vector<1x256xf32> to vector<10000x256xf32>
    %add3A_123 = arith.addf %mul3A_121, %add3A_122 : vector<10000x256xf32>
    %get3A_124 = arith.constant 0 : index
    %get3A_125 = arith.constant 0 : index
    %get3A_126 = vector.load %arg4[%get3A_124, %get3A_125] : memref<1x10000xi32, #tpu.memory_space<vmem>>, vector<1x10000xi32>
    %iota3A = tpu.iota {dimensions = array<i32: 0>} : vector<64x10000xi32>
    %eq3A = vector.broadcast %get3A_126 : vector<1x10000xi32> to vector<64x10000xi32>
    %eq3A_127 = arith.cmpi eq, %eq3A, %iota3A : vector<64x10000xi32>
    %convert_element_type3A_128 = arith.extui %eq3A_127 : vector<64x10000xi1> to vector<64x10000xi32>
    %convert_element_type3A_129 = arith.sitofp %convert_element_type3A_128 : vector<64x10000xi32> to vector<64x10000xf32>
    %max3A_130 = arith.constant 0.000000e+00 : f32
    %max3A_131 = vector.broadcast %max3A_130 : f32 to vector<10000x256xf32>
    %max3A_132 = arith.maximumf %add3A_123, %max3A_131 : vector<10000x256xf32>
    %convert_element_type3A_133 = arith.truncf %concatenate3A : vector<10000x256xf32> to vector<10000x256xbf16>
    %convert_element_type3A_134 = arith.extf %convert_element_type3A_133 : vector<10000x256xbf16> to vector<10000x256xf32>
    %sub3A_135 = arith.subf %concatenate3A, %convert_element_type3A_134 : vector<10000x256xf32>
    %convert_element_type3A_136 = arith.truncf %sub3A_135 : vector<10000x256xf32> to vector<10000x256xbf16>
    %convert_element_type3A_137 = arith.extf %convert_element_type3A_136 : vector<10000x256xbf16> to vector<10000x256xf32>
    %sub3A_138 = arith.subf %sub3A_135, %convert_element_type3A_137 : vector<10000x256xf32>
    %convert_element_type3A_139 = arith.truncf %sub3A_138 : vector<10000x256xf32> to vector<10000x256xbf16>
    %convert_element_type3A_140 = arith.truncf %convert_element_type3A_129 : vector<64x10000xf32> to vector<64x10000xbf16>
    %dot_general3A_141 = arith.constant dense<0.000000e+00> : vector<64x256xf32>
    %dot_general3A_142 = tpu.matmul %convert_element_type3A_140, %convert_element_type3A_133, %dot_general3A_141 {dimension_numbers = #tpu.dot_dimension_numbers<[1], [0], [0], [1], [0, 0, 1, 1], [], []>, transpose_lhs_hint = false} : vector<64x10000xbf16>, vector<10000x256xbf16>, vector<64x256xf32> -> vector<64x256xf32>
    %dot_general3A_143 = arith.constant dense<0.000000e+00> : vector<64x256xf32>
    %dot_general3A_144 = tpu.matmul %convert_element_type3A_140, %convert_element_type3A_136, %dot_general3A_143 {dimension_numbers = #tpu.dot_dimension_numbers<[1], [0], [0], [1], [0, 0, 1, 1], [], []>, transpose_lhs_hint = false} : vector<64x10000xbf16>, vector<10000x256xbf16>, vector<64x256xf32> -> vector<64x256xf32>
    %dot_general3A_145 = arith.constant dense<0.000000e+00> : vector<64x256xf32>
    %dot_general3A_146 = tpu.matmul %convert_element_type3A_140, %convert_element_type3A_139, %dot_general3A_145 {dimension_numbers = #tpu.dot_dimension_numbers<[1], [0], [0], [1], [0, 0, 1, 1], [], []>, transpose_lhs_hint = false} : vector<64x10000xbf16>, vector<10000x256xbf16>, vector<64x256xf32> -> vector<64x256xf32>
    %add3A_147 = arith.addf %dot_general3A_144, %dot_general3A_146 : vector<64x256xf32>
    %add3A_148 = arith.addf %dot_general3A_142, %add3A_147 : vector<64x256xf32>
    %get3A_149 = arith.constant 0 : index
    %get3A_150 = arith.constant 0 : index
    %get3A_151 = vector.load %arg14[%get3A_149, %get3A_150] : memref<64x256xf32, #tpu.memory_space<vmem>>, vector<64x256xf32>
    %add3A_152 = arith.addf %add3A_148, %get3A_151 : vector<64x256xf32>
    %get3A_153 = arith.constant 0 : index
    %get3A_154 = arith.constant 0 : index
    %get3A_155 = vector.load %arg15[%get3A_153, %get3A_154] : memref<256x512xf32, #tpu.memory_space<vmem>>, vector<256x512xf32>
    %dot_general3A_156 = arith.constant dense<0.000000e+00> : vector<64x512xf32>
    %dot_general3A_157 = tpu.matmul %add3A_152, %get3A_155, %dot_general3A_156 {dimension_numbers = #tpu.dot_dimension_numbers<[1], [0], [0], [1], [0, 0, 1, 1], [], []>, transpose_lhs_hint = false} : vector<64x256xf32>, vector<256x512xf32>, vector<64x512xf32> -> vector<64x512xf32>
    %get3A_158 = arith.constant 0 : index
    %get3A_159 = arith.constant 0 : index
    %get3A_160 = vector.load %arg16[%get3A_158, %get3A_159] : memref<1x512xf32, #tpu.memory_space<vmem>>, vector<1x512xf32>
    %add3A_161 = vector.broadcast %get3A_160 : vector<1x512xf32> to vector<64x512xf32>
    %add3A_162 = arith.addf %dot_general3A_157, %add3A_161 : vector<64x512xf32>
    %get3A_163 = arith.constant 0 : index
    %get3A_164 = arith.constant 0 : index
    %get3A_165 = vector.load %arg17[%get3A_163, %get3A_164] : memref<1x512xf32, #tpu.memory_space<vmem>>, vector<1x512xf32>
    %get3A_166 = arith.constant 0 : index
    %get3A_167 = arith.constant 0 : index
    %get3A_168 = vector.load %arg18[%get3A_166, %get3A_167] : memref<1x512xf32, #tpu.memory_space<vmem>>, vector<1x512xf32>
    %reduce_sum3A_169 = arith.constant dense<0.000000e+00> : vector<512xf32>
    %reduce_sum3A_170 = vector.multi_reduction <add>, %add3A_162, %reduce_sum3A_169 [0] : vector<64x512xf32> to vector<512xf32>
    %div3A_171 = arith.constant 6.400000e+01 : f32
    %div3A_172 = vector.broadcast %div3A_171 : f32 to vector<512xf32>
    %div3A_173 = arith.divf %reduce_sum3A_170, %div3A_172 : vector<512xf32>
    %jit3A_174 = arith.constant 0 : i32
    %reduce_sum3A_175 = arith.constant dense<0.000000e+00> : vector<512xf32>
    %reduce_sum3A_176 = vector.multi_reduction <add>, %add3A_162, %reduce_sum3A_175 [0] : vector<64x512xf32> to vector<512xf32>
    %broadcast_in_dim3A_177 = vector.shape_cast %reduce_sum3A_176 : vector<512xf32> to vector<1x512xf32>
    %div3A_178 = arith.constant 6.400000e+01 : f32
    %div3A_179 = vector.broadcast %div3A_178 : f32 to vector<1x512xf32>
    %div3A_180 = arith.divf %broadcast_in_dim3A_177, %div3A_179 : vector<1x512xf32>
    %sub3A_181 = vector.broadcast %div3A_180 : vector<1x512xf32> to vector<64x512xf32>
    %sub3A_182 = arith.subf %add3A_162, %sub3A_181 : vector<64x512xf32>
    %square3A_183 = arith.mulf %sub3A_182, %sub3A_182 : vector<64x512xf32>
    %convert_element_type3A_184 = arith.sitofp %jit3A_174 : i32 to f32
    %sub3A_185 = arith.constant 6.400000e+01 : f32
    %sub3A_186 = arith.subf %sub3A_185, %convert_element_type3A_184 : f32
    %reduce_sum3A_187 = arith.constant dense<0.000000e+00> : vector<512xf32>
    %reduce_sum3A_188 = vector.multi_reduction <add>, %square3A_183, %reduce_sum3A_187 [0] : vector<64x512xf32> to vector<512xf32>
    %div3A_189 = vector.broadcast %sub3A_186 : f32 to vector<512xf32>
    %div3A_190 = arith.divf %reduce_sum3A_188, %div3A_189 : vector<512xf32>
    %gt3A_191 = arith.constant 0.000000e+00 : f32
    %gt3A_192 = arith.cmpf ogt, %sub3A_186, %gt3A_191 : f32
    %jit3A_193 = arith.constant 0x7FC00000 : f32
    %broadcast_in_dim3A_194 = vector.broadcast %jit3A_193 : f32 to vector<512xf32>
    %select_n3A_195 = arith.select %gt3A_192, %div3A_190, %broadcast_in_dim3A_194 : vector<512xf32>
    %broadcast_in_dim3A_196 = vector.shape_cast %div3A_173 : vector<512xf32> to vector<1x512xf32>
    %sub3A_197 = vector.broadcast %broadcast_in_dim3A_196 : vector<1x512xf32> to vector<64x512xf32>
    %sub3A_198 = arith.subf %add3A_162, %sub3A_197 : vector<64x512xf32>
    %add3A_199 = arith.constant 9.99999974E-6 : f32
    %add3A_200 = vector.broadcast %add3A_199 : f32 to vector<512xf32>
    %add3A_201 = arith.addf %select_n3A_195, %add3A_200 : vector<512xf32>
    %rsqrt3A_202 = math.rsqrt %add3A_201 : vector<512xf32>
    %broadcast_in_dim3A_203 = vector.shape_cast %rsqrt3A_202 : vector<512xf32> to vector<1x512xf32>
    %mul3A_204 = vector.broadcast %broadcast_in_dim3A_203 : vector<1x512xf32> to vector<64x512xf32>
    %mul3A_205 = arith.mulf %sub3A_198, %mul3A_204 : vector<64x512xf32>
    %mul3A_206 = vector.broadcast %get3A_165 : vector<1x512xf32> to vector<64x512xf32>
    %mul3A_207 = arith.mulf %mul3A_205, %mul3A_206 : vector<64x512xf32>
    %add3A_208 = vector.broadcast %get3A_168 : vector<1x512xf32> to vector<64x512xf32>
    %add3A_209 = arith.addf %mul3A_207, %add3A_208 : vector<64x512xf32>
    %max3A_210 = arith.constant 0.000000e+00 : f32
    %max3A_211 = vector.broadcast %max3A_210 : f32 to vector<64x512xf32>
    %max3A_212 = arith.maximumf %add3A_209, %max3A_211 : vector<64x512xf32>
    %get3A_213 = arith.constant 0 : index
    %get3A_214 = arith.constant 0 : index
    %get3A_215 = vector.load %arg19[%get3A_213, %get3A_214] : memref<512x256xf32, #tpu.memory_space<vmem>>, vector<512x256xf32>
    %dot_general3A_216 = arith.constant dense<0.000000e+00> : vector<64x256xf32>
    %dot_general3A_217 = tpu.matmul %max3A_212, %get3A_215, %dot_general3A_216 {dimension_numbers = #tpu.dot_dimension_numbers<[1], [0], [0], [1], [0, 0, 1, 1], [], []>, transpose_lhs_hint = false} : vector<64x512xf32>, vector<512x256xf32>, vector<64x256xf32> -> vector<64x256xf32>
    %get3A_218 = arith.constant 0 : index
    %get3A_219 = arith.constant 0 : index
    %get3A_220 = vector.load %arg20[%get3A_218, %get3A_219] : memref<1x256xf32, #tpu.memory_space<vmem>>, vector<1x256xf32>
    %add3A_221 = vector.broadcast %get3A_220 : vector<1x256xf32> to vector<64x256xf32>
    %add3A_222 = arith.addf %dot_general3A_217, %add3A_221 : vector<64x256xf32>
    %get3A_223 = arith.constant 0 : index
    %get3A_224 = arith.constant 0 : index
    %get3A_225 = vector.load %arg21[%get3A_223, %get3A_224] : memref<1x256xf32, #tpu.memory_space<vmem>>, vector<1x256xf32>
    %get3A_226 = arith.constant 0 : index
    %get3A_227 = arith.constant 0 : index
    %get3A_228 = vector.load %arg22[%get3A_226, %get3A_227] : memref<1x256xf32, #tpu.memory_space<vmem>>, vector<1x256xf32>
    %reduce_sum3A_229 = arith.constant dense<0.000000e+00> : vector<256xf32>
    %reduce_sum3A_230 = vector.multi_reduction <add>, %add3A_222, %reduce_sum3A_229 [0] : vector<64x256xf32> to vector<256xf32>
    %div3A_231 = arith.constant 6.400000e+01 : f32
    %div3A_232 = vector.broadcast %div3A_231 : f32 to vector<256xf32>
    %div3A_233 = arith.divf %reduce_sum3A_230, %div3A_232 : vector<256xf32>
    %jit3A_234 = arith.constant 0 : i32
    %reduce_sum3A_235 = arith.constant dense<0.000000e+00> : vector<256xf32>
    %reduce_sum3A_236 = vector.multi_reduction <add>, %add3A_222, %reduce_sum3A_235 [0] : vector<64x256xf32> to vector<256xf32>
    %broadcast_in_dim3A_237 = vector.shape_cast %reduce_sum3A_236 : vector<256xf32> to vector<1x256xf32>
    %div3A_238 = arith.constant 6.400000e+01 : f32
    %div3A_239 = vector.broadcast %div3A_238 : f32 to vector<1x256xf32>
    %div3A_240 = arith.divf %broadcast_in_dim3A_237, %div3A_239 : vector<1x256xf32>
    %sub3A_241 = vector.broadcast %div3A_240 : vector<1x256xf32> to vector<64x256xf32>
    %sub3A_242 = arith.subf %add3A_222, %sub3A_241 : vector<64x256xf32>
    %square3A_243 = arith.mulf %sub3A_242, %sub3A_242 : vector<64x256xf32>
    %convert_element_type3A_244 = arith.sitofp %jit3A_234 : i32 to f32
    %sub3A_245 = arith.constant 6.400000e+01 : f32
    %sub3A_246 = arith.subf %sub3A_245, %convert_element_type3A_244 : f32
    %reduce_sum3A_247 = arith.constant dense<0.000000e+00> : vector<256xf32>
    %reduce_sum3A_248 = vector.multi_reduction <add>, %square3A_243, %reduce_sum3A_247 [0] : vector<64x256xf32> to vector<256xf32>
    %div3A_249 = vector.broadcast %sub3A_246 : f32 to vector<256xf32>
    %div3A_250 = arith.divf %reduce_sum3A_248, %div3A_249 : vector<256xf32>
    %gt3A_251 = arith.constant 0.000000e+00 : f32
    %gt3A_252 = arith.cmpf ogt, %sub3A_246, %gt3A_251 : f32
    %jit3A_253 = arith.constant 0x7FC00000 : f32
    %broadcast_in_dim3A_254 = vector.broadcast %jit3A_253 : f32 to vector<256xf32>
    %select_n3A_255 = arith.select %gt3A_252, %div3A_250, %broadcast_in_dim3A_254 : vector<256xf32>
    %broadcast_in_dim3A_256 = vector.shape_cast %div3A_233 : vector<256xf32> to vector<1x256xf32>
    %sub3A_257 = vector.broadcast %broadcast_in_dim3A_256 : vector<1x256xf32> to vector<64x256xf32>
    %sub3A_258 = arith.subf %add3A_222, %sub3A_257 : vector<64x256xf32>
    %add3A_259 = arith.constant 9.99999974E-6 : f32
    %add3A_260 = vector.broadcast %add3A_259 : f32 to vector<256xf32>
    %add3A_261 = arith.addf %select_n3A_255, %add3A_260 : vector<256xf32>
    %rsqrt3A_262 = math.rsqrt %add3A_261 : vector<256xf32>
    %broadcast_in_dim3A_263 = vector.shape_cast %rsqrt3A_262 : vector<256xf32> to vector<1x256xf32>
    %mul3A_264 = vector.broadcast %broadcast_in_dim3A_263 : vector<1x256xf32> to vector<64x256xf32>
    %mul3A_265 = arith.mulf %sub3A_258, %mul3A_264 : vector<64x256xf32>
    %mul3A_266 = vector.broadcast %get3A_225 : vector<1x256xf32> to vector<64x256xf32>
    %mul3A_267 = arith.mulf %mul3A_265, %mul3A_266 : vector<64x256xf32>
    %add3A_268 = vector.broadcast %get3A_228 : vector<1x256xf32> to vector<64x256xf32>
    %add3A_269 = arith.addf %mul3A_267, %add3A_268 : vector<64x256xf32>
    %max3A_270 = arith.constant 0.000000e+00 : f32
    %max3A_271 = vector.broadcast %max3A_270 : f32 to vector<64x256xf32>
    %max3A_272 = arith.maximumf %add3A_269, %max3A_271 : vector<64x256xf32>
    %convert_element_type3A_273 = arith.truncf %max3A_272 : vector<64x256xf32> to vector<64x256xbf16>
    %convert_element_type3A_274 = arith.extf %convert_element_type3A_273 : vector<64x256xbf16> to vector<64x256xf32>
    %sub3A_275 = arith.subf %max3A_272, %convert_element_type3A_274 : vector<64x256xf32>
    %convert_element_type3A_276 = arith.truncf %sub3A_275 : vector<64x256xf32> to vector<64x256xbf16>
    %convert_element_type3A_277 = arith.extf %convert_element_type3A_276 : vector<64x256xbf16> to vector<64x256xf32>
    %sub3A_278 = arith.subf %sub3A_275, %convert_element_type3A_277 : vector<64x256xf32>
    %convert_element_type3A_279 = arith.truncf %sub3A_278 : vector<64x256xf32> to vector<64x256xbf16>
    %convert_element_type3A_280 = arith.truncf %convert_element_type3A_129 : vector<64x10000xf32> to vector<64x10000xbf16>
    %dot_general3A_281 = arith.constant dense<0.000000e+00> : vector<10000x256xf32>
    %dot_general3A_282 = tpu.matmul %convert_element_type3A_280, %convert_element_type3A_273, %dot_general3A_281 {dimension_numbers = #tpu.dot_dimension_numbers<[0], [0], [1], [1], [0, 1, 1, 1], [], []>, transpose_lhs_hint = false} : vector<64x10000xbf16>, vector<64x256xbf16>, vector<10000x256xf32> -> vector<10000x256xf32>
    %dot_general3A_283 = arith.constant dense<0.000000e+00> : vector<10000x256xf32>
    %dot_general3A_284 = tpu.matmul %convert_element_type3A_280, %convert_element_type3A_276, %dot_general3A_283 {dimension_numbers = #tpu.dot_dimension_numbers<[0], [0], [1], [1], [0, 1, 1, 1], [], []>, transpose_lhs_hint = false} : vector<64x10000xbf16>, vector<64x256xbf16>, vector<10000x256xf32> -> vector<10000x256xf32>
    %dot_general3A_285 = arith.constant dense<0.000000e+00> : vector<10000x256xf32>
    %dot_general3A_286 = tpu.matmul %convert_element_type3A_280, %convert_element_type3A_279, %dot_general3A_285 {dimension_numbers = #tpu.dot_dimension_numbers<[0], [0], [1], [1], [0, 1, 1, 1], [], []>, transpose_lhs_hint = false} : vector<64x10000xbf16>, vector<64x256xbf16>, vector<10000x256xf32> -> vector<10000x256xf32>
    %add3A_287 = arith.addf %dot_general3A_284, %dot_general3A_286 : vector<10000x256xf32>
    %add3A_288 = arith.addf %dot_general3A_282, %add3A_287 : vector<10000x256xf32>
    %add3A_289 = arith.addf %max3A_132, %add3A_288 : vector<10000x256xf32>
    %slice3A = vector.extract_strided_slice %add3A_289 {offsets = [0, 0], sizes = [10000, 128], strides = [1, 1]} : vector<10000x256xf32> to vector<10000x128xf32>
    %swap3A = arith.constant 0 : index
    %swap3A_290 = arith.constant 0 : index
    %swap3A_291 = arith.constant 0 : index
    %swap3A_292 = vector.load %arg23[%swap3A, %swap3A_290, %swap3A_291] : memref<2x10000x128xf32, #tpu.memory_space<vmem>>, vector<1x10000x128xf32>
    %swap3A_293 = vector.shape_cast %swap3A_292 : vector<1x10000x128xf32> to vector<10000x128xf32>
    %swap3A_294 = vector.shape_cast %slice3A : vector<10000x128xf32> to vector<1x10000x128xf32>
    tpu.vector_store %arg23[%swap3A, %swap3A_290, %swap3A_291], %swap3A_294 {strides = array<i32>} : memref<2x10000x128xf32, #tpu.memory_space<vmem>>, vector<1x10000x128xf32>,
    %slice3A_295 = vector.extract_strided_slice %add3A_289 {offsets = [0, 128], sizes = [10000, 128], strides = [1, 1]} : vector<10000x256xf32> to vector<10000x128xf32>
    %swap3A_296 = arith.constant 1 : index
    %swap3A_297 = arith.constant 0 : index
    %swap3A_298 = arith.constant 0 : index
    %swap3A_299 = vector.load %arg23[%swap3A_296, %swap3A_297, %swap3A_298] : memref<2x10000x128xf32, #tpu.memory_space<vmem>>, vector<1x10000x128xf32>
    %swap3A_300 = vector.shape_cast %swap3A_299 : vector<1x10000x128xf32> to vector<10000x128xf32>
    %swap3A_301 = vector.shape_cast %slice3A_295 : vector<10000x128xf32> to vector<1x10000x128xf32>
    tpu.vector_store %arg23[%swap3A_296, %swap3A_297, %swap3A_298], %swap3A_301 {strides = array<i32>} : memref<2x10000x128xf32, #tpu.memory_space<vmem>>, vector<1x10000x128xf32>,
    %swap3A_302 = arith.constant 0 : index
    %swap3A_303 = arith.constant 0 : index
    %swap3A_304 = vector.load %arg24[%swap3A_302, %swap3A_303] : memref<64x256xf32, #tpu.memory_space<vmem>>, vector<64x256xf32>
    tpu.vector_store %arg24[%swap3A_302, %swap3A_303], %max3A_272 {strides = array<i32>} : memref<64x256xf32, #tpu.memory_space<vmem>>, vector<64x256xf32>,
    return
  }
}

module attributes {stable_mosaic.version = 14 : i64} {
  func.func @_tc_layer_body(%arg0: memref<10000x128xf32, #tpu.memory_space<vmem>>, %arg1: memref<10000x128xf32, #tpu.memory_space<vmem>>, %arg2: memref<10000x128xf32, #tpu.memory_space<vmem>>, %arg3: memref<10000x128xf32, #tpu.memory_space<vmem>>, %arg4: memref<1x10000xi32, #tpu.memory_space<vmem>>, %arg5: memref<1x1xf32, #tpu.memory_space<vmem>>, %arg6: memref<256x512xf32, #tpu.memory_space<vmem>>, %arg7: memref<1x512xf32, #tpu.memory_space<vmem>>, %arg8: memref<1x512xf32, #tpu.memory_space<vmem>>, %arg9: memref<1x512xf32, #tpu.memory_space<vmem>>, %arg10: memref<512x256xf32, #tpu.memory_space<vmem>>, %arg11: memref<1x256xf32, #tpu.memory_space<vmem>>, %arg12: memref<1x256xf32, #tpu.memory_space<vmem>>, %arg13: memref<1x256xf32, #tpu.memory_space<vmem>>, %arg14: memref<1x1xf32, #tpu.memory_space<vmem>>, %arg15: memref<256x128xf32, #tpu.memory_space<vmem>>, %arg16: memref<1x128xf32, #tpu.memory_space<vmem>>, %arg17: memref<1x1xf32, #tpu.memory_space<vmem>>, %arg18: memref<1x1xf32, #tpu.memory_space<vmem>>, %arg19: memref<1x1xf32, #tpu.memory_space<vmem>>, %arg20: memref<1x1xf32, #tpu.memory_space<vmem>>, %arg21: memref<1x1xf32, #tpu.memory_space<vmem>>, %arg22: memref<1x1xf32, #tpu.memory_space<vmem>>, %arg23: memref<64x128xf32, #tpu.memory_space<vmem>>) attributes {dimension_semantics = [], scalar_prefetch = 0 : i64, scratch_operands = 0 : i64, tpu.core_type = #tpu.core_type<tc>} {
    %get3A = arith.constant 0 : index
    %get3A_0 = arith.constant 0 : index
    %get3A_1 = vector.load %arg0[%get3A, %get3A_0] : memref<10000x128xf32, #tpu.memory_space<vmem>>, vector<10000x128xf32>
    %get3A_2 = arith.constant 0 : index
    %get3A_3 = arith.constant 0 : index
    %get3A_4 = vector.load %arg1[%get3A_2, %get3A_3] : memref<10000x128xf32, #tpu.memory_space<vmem>>, vector<10000x128xf32>
    %concatenate3A = tpu.concatenate %get3A_1, %get3A_4 in 1 : vector<10000x128xf32>, vector<10000x128xf32> -> vector<10000x256xf32>
    %get3A_5 = arith.constant 0 : index
    %get3A_6 = arith.constant 0 : index
    %get3A_7 = vector.load %arg2[%get3A_5, %get3A_6] : memref<10000x128xf32, #tpu.memory_space<vmem>>, vector<10000x128xf32>
    %get3A_8 = arith.constant 0 : index
    %get3A_9 = arith.constant 0 : index
    %get3A_10 = vector.load %arg3[%get3A_8, %get3A_9] : memref<10000x128xf32, #tpu.memory_space<vmem>>, vector<10000x128xf32>
    %concatenate3A_11 = tpu.concatenate %get3A_7, %get3A_10 in 1 : vector<10000x128xf32>, vector<10000x128xf32> -> vector<10000x256xf32>
    %get3A_12 = arith.constant 0 : index
    %get3A_13 = arith.constant 0 : index
    %get3A_14 = vector.load %arg5[%get3A_12, %get3A_13] : memref<1x1xf32, #tpu.memory_space<vmem>>, vector<1x1xf32>
    %get3A_15 = vector.extract %get3A_14[0, 0] : f32 from vector<1x1xf32>
    %add3A = arith.constant 1.000000e+00 : f32
    %add3A_16 = arith.addf %add3A, %get3A_15 : f32
    %mul3A = vector.broadcast %add3A_16 : f32 to vector<10000x256xf32>
    %mul3A_17 = arith.mulf %mul3A, %concatenate3A : vector<10000x256xf32>
    %add3A_18 = arith.addf %mul3A_17, %concatenate3A_11 : vector<10000x256xf32>
    %get3A_19 = arith.constant 0 : index
    %get3A_20 = arith.constant 0 : index
    %get3A_21 = vector.load %arg6[%get3A_19, %get3A_20] : memref<256x512xf32, #tpu.memory_space<vmem>>, vector<256x512xf32>
    %dot_general3A = arith.constant dense<0.000000e+00> : vector<10000x512xf32>
    %dot_general3A_22 = tpu.matmul %add3A_18, %get3A_21, %dot_general3A {dimension_numbers = #tpu.dot_dimension_numbers<[1], [0], [0], [1], [0, 0, 1, 1], [], []>, transpose_lhs_hint = false} : vector<10000x256xf32>, vector<256x512xf32>, vector<10000x512xf32> -> vector<10000x512xf32>
    %get3A_23 = arith.constant 0 : index
    %get3A_24 = arith.constant 0 : index
    %get3A_25 = vector.load %arg7[%get3A_23, %get3A_24] : memref<1x512xf32, #tpu.memory_space<vmem>>, vector<1x512xf32>
    %add3A_26 = vector.broadcast %get3A_25 : vector<1x512xf32> to vector<10000x512xf32>
    %add3A_27 = arith.addf %dot_general3A_22, %add3A_26 : vector<10000x512xf32>
    %get3A_28 = arith.constant 0 : index
    %get3A_29 = arith.constant 0 : index
    %get3A_30 = vector.load %arg8[%get3A_28, %get3A_29] : memref<1x512xf32, #tpu.memory_space<vmem>>, vector<1x512xf32>
    %get3A_31 = arith.constant 0 : index
    %get3A_32 = arith.constant 0 : index
    %get3A_33 = vector.load %arg9[%get3A_31, %get3A_32] : memref<1x512xf32, #tpu.memory_space<vmem>>, vector<1x512xf32>
    %reduce_sum3A = arith.constant dense<0.000000e+00> : vector<512xf32>
    %reduce_sum3A_34 = vector.multi_reduction <add>, %add3A_27, %reduce_sum3A [0] : vector<10000x512xf32> to vector<512xf32>
    %div3A = arith.constant 1.000000e+04 : f32
    %div3A_35 = vector.broadcast %div3A : f32 to vector<512xf32>
    %div3A_36 = arith.divf %reduce_sum3A_34, %div3A_35 : vector<512xf32>
    %jit3A = arith.constant 0 : i32
    %reduce_sum3A_37 = arith.constant dense<0.000000e+00> : vector<512xf32>
    %reduce_sum3A_38 = vector.multi_reduction <add>, %add3A_27, %reduce_sum3A_37 [0] : vector<10000x512xf32> to vector<512xf32>
    %broadcast_in_dim3A = vector.shape_cast %reduce_sum3A_38 : vector<512xf32> to vector<1x512xf32>
    %div3A_39 = arith.constant 1.000000e+04 : f32
    %div3A_40 = vector.broadcast %div3A_39 : f32 to vector<1x512xf32>
    %div3A_41 = arith.divf %broadcast_in_dim3A, %div3A_40 : vector<1x512xf32>
    %sub3A = vector.broadcast %div3A_41 : vector<1x512xf32> to vector<10000x512xf32>
    %sub3A_42 = arith.subf %add3A_27, %sub3A : vector<10000x512xf32>
    %square3A = arith.mulf %sub3A_42, %sub3A_42 : vector<10000x512xf32>
    %convert_element_type3A = arith.sitofp %jit3A : i32 to f32
    %sub3A_43 = arith.constant 1.000000e+04 : f32
    %sub3A_44 = arith.subf %sub3A_43, %convert_element_type3A : f32
    %reduce_sum3A_45 = arith.constant dense<0.000000e+00> : vector<512xf32>
    %reduce_sum3A_46 = vector.multi_reduction <add>, %square3A, %reduce_sum3A_45 [0] : vector<10000x512xf32> to vector<512xf32>
    %div3A_47 = vector.broadcast %sub3A_44 : f32 to vector<512xf32>
    %div3A_48 = arith.divf %reduce_sum3A_46, %div3A_47 : vector<512xf32>
    %gt3A = arith.constant 0.000000e+00 : f32
    %gt3A_49 = arith.cmpf ogt, %sub3A_44, %gt3A : f32
    %jit3A_50 = arith.constant 0x7FC00000 : f32
    %broadcast_in_dim3A_51 = vector.broadcast %jit3A_50 : f32 to vector<512xf32>
    %select_n3A = arith.select %gt3A_49, %div3A_48, %broadcast_in_dim3A_51 : vector<512xf32>
    %broadcast_in_dim3A_52 = vector.shape_cast %div3A_36 : vector<512xf32> to vector<1x512xf32>
    %sub3A_53 = vector.broadcast %broadcast_in_dim3A_52 : vector<1x512xf32> to vector<10000x512xf32>
    %sub3A_54 = arith.subf %add3A_27, %sub3A_53 : vector<10000x512xf32>
    %add3A_55 = arith.constant 9.99999974E-6 : f32
    %add3A_56 = vector.broadcast %add3A_55 : f32 to vector<512xf32>
    %add3A_57 = arith.addf %select_n3A, %add3A_56 : vector<512xf32>
    %rsqrt3A = math.rsqrt %add3A_57 : vector<512xf32>
    %broadcast_in_dim3A_58 = vector.shape_cast %rsqrt3A : vector<512xf32> to vector<1x512xf32>
    %mul3A_59 = vector.broadcast %broadcast_in_dim3A_58 : vector<1x512xf32> to vector<10000x512xf32>
    %mul3A_60 = arith.mulf %sub3A_54, %mul3A_59 : vector<10000x512xf32>
    %mul3A_61 = vector.broadcast %get3A_30 : vector<1x512xf32> to vector<10000x512xf32>
    %mul3A_62 = arith.mulf %mul3A_60, %mul3A_61 : vector<10000x512xf32>
    %add3A_63 = vector.broadcast %get3A_33 : vector<1x512xf32> to vector<10000x512xf32>
    %add3A_64 = arith.addf %mul3A_62, %add3A_63 : vector<10000x512xf32>
    %max3A = arith.constant 0.000000e+00 : f32
    %max3A_65 = vector.broadcast %max3A : f32 to vector<10000x512xf32>
    %max3A_66 = arith.maximumf %add3A_64, %max3A_65 : vector<10000x512xf32>
    %get3A_67 = arith.constant 0 : index
    %get3A_68 = arith.constant 0 : index
    %get3A_69 = vector.load %arg10[%get3A_67, %get3A_68] : memref<512x256xf32, #tpu.memory_space<vmem>>, vector<512x256xf32>
    %dot_general3A_70 = arith.constant dense<0.000000e+00> : vector<10000x256xf32>
    %dot_general3A_71 = tpu.matmul %max3A_66, %get3A_69, %dot_general3A_70 {dimension_numbers = #tpu.dot_dimension_numbers<[1], [0], [0], [1], [0, 0, 1, 1], [], []>, transpose_lhs_hint = false} : vector<10000x512xf32>, vector<512x256xf32>, vector<10000x256xf32> -> vector<10000x256xf32>
    %get3A_72 = arith.constant 0 : index
    %get3A_73 = arith.constant 0 : index
    %get3A_74 = vector.load %arg11[%get3A_72, %get3A_73] : memref<1x256xf32, #tpu.memory_space<vmem>>, vector<1x256xf32>
    %add3A_75 = vector.broadcast %get3A_74 : vector<1x256xf32> to vector<10000x256xf32>
    %add3A_76 = arith.addf %dot_general3A_71, %add3A_75 : vector<10000x256xf32>
    %get3A_77 = arith.constant 0 : index
    %get3A_78 = arith.constant 0 : index
    %get3A_79 = vector.load %arg12[%get3A_77, %get3A_78] : memref<1x256xf32, #tpu.memory_space<vmem>>, vector<1x256xf32>
    %get3A_80 = arith.constant 0 : index
    %get3A_81 = arith.constant 0 : index
    %get3A_82 = vector.load %arg13[%get3A_80, %get3A_81] : memref<1x256xf32, #tpu.memory_space<vmem>>, vector<1x256xf32>
    %reduce_sum3A_83 = arith.constant dense<0.000000e+00> : vector<256xf32>
    %reduce_sum3A_84 = vector.multi_reduction <add>, %add3A_76, %reduce_sum3A_83 [0] : vector<10000x256xf32> to vector<256xf32>
    %div3A_85 = arith.constant 1.000000e+04 : f32
    %div3A_86 = vector.broadcast %div3A_85 : f32 to vector<256xf32>
    %div3A_87 = arith.divf %reduce_sum3A_84, %div3A_86 : vector<256xf32>
    %jit3A_88 = arith.constant 0 : i32
    %reduce_sum3A_89 = arith.constant dense<0.000000e+00> : vector<256xf32>
    %reduce_sum3A_90 = vector.multi_reduction <add>, %add3A_76, %reduce_sum3A_89 [0] : vector<10000x256xf32> to vector<256xf32>
    %broadcast_in_dim3A_91 = vector.shape_cast %reduce_sum3A_90 : vector<256xf32> to vector<1x256xf32>
    %div3A_92 = arith.constant 1.000000e+04 : f32
    %div3A_93 = vector.broadcast %div3A_92 : f32 to vector<1x256xf32>
    %div3A_94 = arith.divf %broadcast_in_dim3A_91, %div3A_93 : vector<1x256xf32>
    %sub3A_95 = vector.broadcast %div3A_94 : vector<1x256xf32> to vector<10000x256xf32>
    %sub3A_96 = arith.subf %add3A_76, %sub3A_95 : vector<10000x256xf32>
    %square3A_97 = arith.mulf %sub3A_96, %sub3A_96 : vector<10000x256xf32>
    %convert_element_type3A_98 = arith.sitofp %jit3A_88 : i32 to f32
    %sub3A_99 = arith.constant 1.000000e+04 : f32
    %sub3A_100 = arith.subf %sub3A_99, %convert_element_type3A_98 : f32
    %reduce_sum3A_101 = arith.constant dense<0.000000e+00> : vector<256xf32>
    %reduce_sum3A_102 = vector.multi_reduction <add>, %square3A_97, %reduce_sum3A_101 [0] : vector<10000x256xf32> to vector<256xf32>
    %div3A_103 = vector.broadcast %sub3A_100 : f32 to vector<256xf32>
    %div3A_104 = arith.divf %reduce_sum3A_102, %div3A_103 : vector<256xf32>
    %gt3A_105 = arith.constant 0.000000e+00 : f32
    %gt3A_106 = arith.cmpf ogt, %sub3A_100, %gt3A_105 : f32
    %jit3A_107 = arith.constant 0x7FC00000 : f32
    %broadcast_in_dim3A_108 = vector.broadcast %jit3A_107 : f32 to vector<256xf32>
    %select_n3A_109 = arith.select %gt3A_106, %div3A_104, %broadcast_in_dim3A_108 : vector<256xf32>
    %broadcast_in_dim3A_110 = vector.shape_cast %div3A_87 : vector<256xf32> to vector<1x256xf32>
    %sub3A_111 = vector.broadcast %broadcast_in_dim3A_110 : vector<1x256xf32> to vector<10000x256xf32>
    %sub3A_112 = arith.subf %add3A_76, %sub3A_111 : vector<10000x256xf32>
    %add3A_113 = arith.constant 9.99999974E-6 : f32
    %add3A_114 = vector.broadcast %add3A_113 : f32 to vector<256xf32>
    %add3A_115 = arith.addf %select_n3A_109, %add3A_114 : vector<256xf32>
    %rsqrt3A_116 = math.rsqrt %add3A_115 : vector<256xf32>
    %broadcast_in_dim3A_117 = vector.shape_cast %rsqrt3A_116 : vector<256xf32> to vector<1x256xf32>
    %mul3A_118 = vector.broadcast %broadcast_in_dim3A_117 : vector<1x256xf32> to vector<10000x256xf32>
    %mul3A_119 = arith.mulf %sub3A_112, %mul3A_118 : vector<10000x256xf32>
    %mul3A_120 = vector.broadcast %get3A_79 : vector<1x256xf32> to vector<10000x256xf32>
    %mul3A_121 = arith.mulf %mul3A_119, %mul3A_120 : vector<10000x256xf32>
    %add3A_122 = vector.broadcast %get3A_82 : vector<1x256xf32> to vector<10000x256xf32>
    %add3A_123 = arith.addf %mul3A_121, %add3A_122 : vector<10000x256xf32>
    %get3A_124 = arith.constant 0 : index
    %get3A_125 = arith.constant 0 : index
    %get3A_126 = vector.load %arg4[%get3A_124, %get3A_125] : memref<1x10000xi32, #tpu.memory_space<vmem>>, vector<1x10000xi32>
    %iota3A = tpu.iota {dimensions = array<i32: 0>} : vector<64x10000xi32>
    %eq3A = vector.broadcast %get3A_126 : vector<1x10000xi32> to vector<64x10000xi32>
    %eq3A_127 = arith.cmpi eq, %eq3A, %iota3A : vector<64x10000xi32>
    %convert_element_type3A_128 = arith.extui %eq3A_127 : vector<64x10000xi1> to vector<64x10000xi32>
    %convert_element_type3A_129 = arith.sitofp %convert_element_type3A_128 : vector<64x10000xi32> to vector<64x10000xf32>
    %convert_element_type3A_130 = arith.truncf %add3A_123 : vector<10000x256xf32> to vector<10000x256xbf16>
    %convert_element_type3A_131 = arith.extf %convert_element_type3A_130 : vector<10000x256xbf16> to vector<10000x256xf32>
    %sub3A_132 = arith.subf %add3A_123, %convert_element_type3A_131 : vector<10000x256xf32>
    %convert_element_type3A_133 = arith.truncf %sub3A_132 : vector<10000x256xf32> to vector<10000x256xbf16>
    %convert_element_type3A_134 = arith.extf %convert_element_type3A_133 : vector<10000x256xbf16> to vector<10000x256xf32>
    %sub3A_135 = arith.subf %sub3A_132, %convert_element_type3A_134 : vector<10000x256xf32>
    %convert_element_type3A_136 = arith.truncf %sub3A_135 : vector<10000x256xf32> to vector<10000x256xbf16>
    %convert_element_type3A_137 = arith.truncf %convert_element_type3A_129 : vector<64x10000xf32> to vector<64x10000xbf16>
    %dot_general3A_138 = arith.constant dense<0.000000e+00> : vector<64x256xf32>
    %dot_general3A_139 = tpu.matmul %convert_element_type3A_137, %convert_element_type3A_130, %dot_general3A_138 {dimension_numbers = #tpu.dot_dimension_numbers<[1], [0], [0], [1], [0, 0, 1, 1], [], []>, transpose_lhs_hint = false} : vector<64x10000xbf16>, vector<10000x256xbf16>, vector<64x256xf32> -> vector<64x256xf32>
    %dot_general3A_140 = arith.constant dense<0.000000e+00> : vector<64x256xf32>
    %dot_general3A_141 = tpu.matmul %convert_element_type3A_137, %convert_element_type3A_133, %dot_general3A_140 {dimension_numbers = #tpu.dot_dimension_numbers<[1], [0], [0], [1], [0, 0, 1, 1], [], []>, transpose_lhs_hint = false} : vector<64x10000xbf16>, vector<10000x256xbf16>, vector<64x256xf32> -> vector<64x256xf32>
    %dot_general3A_142 = arith.constant dense<0.000000e+00> : vector<64x256xf32>
    %dot_general3A_143 = tpu.matmul %convert_element_type3A_137, %convert_element_type3A_136, %dot_general3A_142 {dimension_numbers = #tpu.dot_dimension_numbers<[1], [0], [0], [1], [0, 0, 1, 1], [], []>, transpose_lhs_hint = false} : vector<64x10000xbf16>, vector<10000x256xbf16>, vector<64x256xf32> -> vector<64x256xf32>
    %add3A_144 = arith.addf %dot_general3A_141, %dot_general3A_143 : vector<64x256xf32>
    %add3A_145 = arith.addf %dot_general3A_139, %add3A_144 : vector<64x256xf32>
    %reduce_sum3A_146 = arith.constant dense<0.000000e+00> : vector<64xf32>
    %reduce_sum3A_147 = vector.multi_reduction <add>, %convert_element_type3A_129, %reduce_sum3A_146 [1] : vector<64x10000xf32> to vector<64xf32>
    %broadcast_in_dim3A_148 = vector.shape_cast %reduce_sum3A_147 : vector<64xf32> to vector<64x1xf32>
    %max3A_149 = arith.constant 1.000000e+00 : f32
    %max3A_150 = vector.broadcast %max3A_149 : f32 to vector<64x1xf32>
    %max3A_151 = arith.maximumf %broadcast_in_dim3A_148, %max3A_150 : vector<64x1xf32>
    %div3A_152 = vector.broadcast %max3A_151 : vector<64x1xf32> to vector<64x256xf32>
    %div3A_153 = arith.divf %add3A_145, %div3A_152 : vector<64x256xf32>
    %get3A_154 = arith.constant 0 : index
    %get3A_155 = arith.constant 0 : index
    %get3A_156 = vector.load %arg15[%get3A_154, %get3A_155] : memref<256x128xf32, #tpu.memory_space<vmem>>, vector<256x128xf32>
    %dot_general3A_157 = arith.constant dense<0.000000e+00> : vector<64x128xf32>
    %dot_general3A_158 = tpu.matmul %div3A_153, %get3A_156, %dot_general3A_157 {dimension_numbers = #tpu.dot_dimension_numbers<[1], [0], [0], [1], [0, 0, 1, 1], [], []>, transpose_lhs_hint = false} : vector<64x256xf32>, vector<256x128xf32>, vector<64x128xf32> -> vector<64x128xf32>
    %get3A_159 = arith.constant 0 : index
    %get3A_160 = arith.constant 0 : index
    %get3A_161 = vector.load %arg16[%get3A_159, %get3A_160] : memref<1x128xf32, #tpu.memory_space<vmem>>, vector<1x128xf32>
    %add3A_162 = vector.broadcast %get3A_161 : vector<1x128xf32> to vector<64x128xf32>
    %add3A_163 = arith.addf %dot_general3A_158, %add3A_162 : vector<64x128xf32>
    %swap3A = arith.constant 0 : index
    %swap3A_164 = arith.constant 0 : index
    %swap3A_165 = vector.load %arg23[%swap3A, %swap3A_164] : memref<64x128xf32, #tpu.memory_space<vmem>>, vector<64x128xf32>
    tpu.vector_store %arg23[%swap3A, %swap3A_164], %add3A_163 {strides = array<i32>} : memref<64x128xf32, #tpu.memory_space<vmem>>, vector<64x128xf32>,
    return
  }
}

</mosaic_0001>

<sc_bundles>
// kernel: kernel.13.cloned.1.call-start
scs
__scs_entry_jumppad:
0x0: {  	(pc) =	sbr.rel $0x88, $3  }
0x1: {  	(tag) =	ssettag $0x0;
	lr =	simm.s32 $0x1  }
0x2: {  	[smem:$0x3F85] =	sst lr;
	_ =	strace $0xD0000000  }
0x3: {  	_ = 	snop  }
0x4: {  	_ = 	snop  }
0x5: {  	_ = 	snop  }
0x6: {  	_ = 	snop  }
0x7: {  	_ = 	snop  }
__scs_overlays_trampoline_lowered:
0x8: {  	[smem:$0x3F94] =	sst s0  }
0x9: {  	[smem:$0x3F95] =	sst s1  }
0xa: {  	[smem:$0x3F96] =	sst s2  }
0xb: {  	[smem:$0x3F97] =	sst s3  }
0xc: {  	[smem:$0x3F98] =	sst s4  }
0xd: {  	[smem:$0x3F99] =	sst s5  }
0xe: {  	[smem:$0x3F9A] =	sst s6  }
0xf: {  	[smem:$0x3F9B] =	sst s7  }
0x10: {  	[smem:$0x3F9C] =	sst s8  }
0x11: {  	[smem:$0x3F9D] =	sst s9;
	s0 =	simm.s32 @!p0 $0x0  }
0x12: {  	s1 =	sld [smem:$0x3F83];
	s0 =	simm.s32 @p0 $0x1  }
0x13: {  	[smem:$0x3F9E] =	sst s0;
	s0 =	simm.s32 @!p1 $0x0  }
0x14: {  	s2 =	sld [smem:$0x3F82];
	s0 =	simm.s32 @p1 $0x1  }
0x15: {  	[smem:$0x3F9F] =	sst s0;
	s0 =	simm.s32 @!p2 $0x0  }
0x16: {  	s3 =	sld [smem:$0x3FDB];
	s0 =	simm.s32 @p2 $0x1  }
0x17: {  	s4 =	simm.s32 $0x1BF5;
	[smem:$0x3FA1] =	sst s0  }
0x18: {  	s0 =	sld [smem:$0x3F84];
	_ =	swait.ge [sflag:s4], $0x0  }
0x19: {  	s7 =	sld [smem:$0x3F85]  }
0x1a: {  	s8 =	sadd.s32 $0xFFFFE003, lr  }
0x1b: {  	s9 =	sadd.s32 $0xFFFFFEF7, lr;
	s5 =	simm.s32 $0xFFFFFFFF;
	p2 =	slt.u32 s8, $0xFFFFF086  }
0x1c: {  	p1 =	slt.u32 s9, $0xF7A;
	s5 =	simm.s32 @!p2 $0x0  }
0x1d: {  	s5 =	simm.s32 @p1 $0x1;
	p0 =	seq.s32 s7, s2  }
0x1e: {  	s7 =	smul.u32 @!p0 $0xF7A, s2;
	p2 =	seq.s32 @!p0 s5, $0x0  }
0x1f: {  	s9 =	smul.u32 $0xF7A, s1;
	s8 =	simm.s32 @!p0 $0x1BF5;
	p2 =	por !p2, p0  }
0x20: {  	[sflag:s8] =	ssyncset.s32 @!p0 $0xFFFFF086;
	s6 =	sadd.s32 @!p0 s3, s7;
	s7 =	simm.s32 @!p0 $0x108  }
0x21: {  	s3 =	sadd.s32 s3, s9;
	s6 =	sadd.s32 @!p0 $0x88, s6;
	s7 =	simm.s32 @p2 $0x1082  }
0x22: {  	[simem:s7], [sflag:s8] =	dma.local @!p0 [hbm:s6], $0xF7A  }
0x23: {  	s9 =	sor.u32 $0xD0000000, s2;
	s6 =	simm.s32 $0x108;
	_ =	swait.ge @!p0 [sflag:s8], $0x0  }
0x24: {  	s3 =	sadd.s32 $0x88, s3;
	s6 =	simm.s32 @!p1 $0x1082;
	[sflag:s4] =	ssyncset.s32 $0xFFFFF086  }
0x25: {  	[simem:s6], [sflag:s4] =	dma.local [hbm:s3], $0xF7A  }
0x26: {  	[smem:$0x3F85] =	sst s1;
	(tag) =	ssettag s2;
	_ =	strace s9  }
0x27: {  	s1 =	sld [smem:$0x3F95]  }
0x28: {  	s2 =	sld [smem:$0x3F96]  }
0x29: {  	s4 =	sld [smem:$0x3F98]  }
0x2a: {  	p0 =	seq.s32 s5, $0x0;
	s5 =	sld [smem:$0x3F99]  }
0x2b: {  	s6 =	sld [smem:$0x3F9A]  }
0x2c: {  	s7 =	sld [smem:$0x3F9B]  }
0x2d: {  	s3 =	simm.s32 $0x108;
	s8 =	sld [smem:$0x3F9C]  }
0x2e: {  	s3 =	simm.s32 @!p0 $0x1082;
	s9 =	sld [smem:$0x3F9D]  }
0x2f: {  	lr =	sadd.s32 s0, s3;
	s0 =	sld [smem:$0x3F94]  }
0x30: {  	s3 =	sld [smem:$0x3F97]  }
0x31: {  	[smem:$0x3FA0] =	sst s10  }
0x32: {  	s10 =	sld [smem:$0x3F9E];
	_ =	sdelay $0x3  }
0x33: {  	p0 =	seq.s32 s10, $0x1;
	s10 =	sld [smem:$0x3FA0];
	_ =	sdelay $0x3  }
0x34: {  	[smem:$0x3FA0] =	sst s10  }
0x35: {  	s10 =	sld [smem:$0x3F9F];
	_ =	sdelay $0x3  }
0x36: {  	p1 =	seq.s32 s10, $0x1;
	s10 =	sld [smem:$0x3FA0];
	_ =	sdelay $0x3  }
0x37: {  	[smem:$0x3FA0] =	sst s10  }
0x38: {  	s10 =	sld [smem:$0x3FA1]  }
0x39: {  	_ = 	snop;
	(pc) =	sbr.ind lr, $3  }
0x3a: {  	_ = 	snop  }
0x3b: {  	_ = 	snop  }
0x3c: {  	p2 =	seq.s32 s10, $0x1;
	s10 =	sld [smem:$0x3FA0]  }
0x3d: {  	_ =	shalt  }
0x3e: {  	_ =	shalt  }
0x3f: {  	_ =	shalt  }
0x40: {  	_ =	shalt  }
0x41: {  	_ =	shalt  }
0x42: {  	_ =	shalt  }
0x43: {  	_ =	shalt  }
0x44: {  	_ =	shalt  }
0x45: {  	_ =	shalt  }
0x46: {  	_ =	shalt  }
0x47: {  	_ =	shalt  }
0x48: {  	_ =	shalt  }
0x49: {  	_ =	shalt  }
0x4a: {  	_ =	shalt  }
0x4b: {  	_ =	shalt  }
0x4c: {  	_ =	shalt  }
0x4d: {  	_ =	shalt  }
0x4e: {  	_ =	shalt  }
0x4f: {  	_ =	shalt  }
0x50: {  	_ =	shalt  }
0x51: {  	_ =	shalt  }
0x52: {  	_ =	shalt  }
0x53: {  	_ =	shalt  }
0x54: {  	_ =	shalt  }
0x55: {  	_ =	shalt  }
0x56: {  	_ =	shalt  }
0x57: {  	_ =	shalt  }
0x58: {  	_ =	shalt  }
0x59: {  	_ =	shalt  }
0x5a: {  	_ =	shalt  }
0x5b: {  	_ =	shalt  }
0x5c: {  	_ =	shalt  }
0x5d: {  	_ =	shalt  }
0x5e: {  	_ =	shalt  }
0x5f: {  	_ =	shalt  }
0x60: {  	_ =	shalt  }
0x61: {  	_ =	shalt  }
0x62: {  	_ =	shalt  }
0x63: {  	_ =	shalt  }
0x64: {  	_ =	shalt  }
0x65: {  	_ =	shalt  }
0x66: {  	_ =	shalt  }
0x67: {  	_ =	shalt  }
0x68: {  	_ =	shalt  }
0x69: {  	_ =	shalt  }
0x6a: {  	_ =	shalt  }
0x6b: {  	_ =	shalt  }
0x6c: {  	_ =	shalt  }
0x6d: {  	_ =	shalt  }
0x6e: {  	_ =	shalt  }
0x6f: {  	_ =	shalt  }
0x70: {  	_ =	shalt  }
0x71: {  	_ =	shalt  }
0x72: {  	_ =	shalt  }
0x73: {  	_ =	shalt  }
0x74: {  	_ =	shalt  }
0x75: {  	_ =	shalt  }
0x76: {  	_ =	shalt  }
0x77: {  	_ =	shalt  }
0x78: {  	_ =	shalt  }
0x79: {  	_ =	shalt  }
0x7a: {  	_ =	shalt  }
0x7b: {  	_ =	shalt  }
0x7c: {  	_ =	shalt  }
0x7d: {  	_ =	shalt  }
0x7e: {  	_ =	shalt  }
0x7f: {  	_ =	shalt  }
0x80: {  	_ =	shalt  }
0x81: {  	_ =	shalt  }
0x82: {  	_ =	shalt  }
0x83: {  	_ =	shalt  }
0x84: {  	_ =	shalt  }
0x85: {  	_ =	shalt  }
0x86: {  	_ =	shalt  }
0x87: {  	_ =	shalt  }
.Lfunc_end0:
.L_simem_size_0:
called_computation_lowered:
.L_overlay_start_0:
0x88: {  	s2 =	sld [smem:$0x3FD9]  }
0x89: {  	s3 =	sld [smem:$0x3FFE];
	_ =	sdelay $0x1  }
0x8a: {  	s1 =	srdreg.scid  }
0x8b: {  	s0 =	sand.u32 $0x1, s1  }
0x8c: {  	s16 =	sshll.u32 s0, $0xA;
	s2 =	sadd.s32 s3, s2  }
0x8d: {  	s2 =	sadd.s32 s2, s16  }
0x8e: {  	[smem:$0x3FAC] =	sst s2  }
0x8f: {  	_ = 	snop  }
0x90: {  	(tm) =	ssettm $0x1  }
0x91: {  	s17 =	sld [smem:$0x3FFB];
	_ =	sdelay $0x3  }
0x92: {  	_ =	strace s17  }
0x93: {  	s2 =	sld [smem:$0x3FFC];
	_ =	sdelay $0x3  }
0x94: {  	_ =	strace s2  }
0x95: {  	s2 =	sld [smem:$0x3FFD];
	_ =	sdelay $0x3  }
0x96: {  	_ =	strace s2  }
0x97: {  	_ =	strace $0x8FFFFFFF  }
0x98: {  	s18 =	sld [smem:$0x3FDB];
	_ =	sdelay $0x1  }
0x99: {  	s19 =	simm.s32 $_scs_section_size  }
0x9a: {  	s4 =	simm.s32 $_size__tile_overlayer_lowered;
	s5 =	simm.s32 $_tile_overlayer_lowered  }
0x9b: {  	s22 =	simm.s32 $0x1BFF;
	s21 =	sshll.u32 s5, $0x1;
	s2 =	sadd.s32 s19, s18  }
0x9c: {  	s6 =	simm.s32 $0x0;
	s20 =	sshll.u32 s4, $0x1;
	s4 =	sadd.s32 s21, s2  }
0x9d: {  	[timem:s6], [sflag:s22] =	dma.local [hbm:s4], s20  }
0x9e: {  	_ =	swait.ge [sflag:s22], s20  }
0x9f: {  	s3 =	ssub.s32 $0x0, s20;
	[sflag:s22] =	ssyncset.done $0x0  }
0xa0: {  	[sflag:s22] =	ssyncadd.s32 s3;
	_ =	sdelay $0x1  }
0xa1: {  	s23 =	simm.s32 $0x1B8B  }
0xa2: {  	_ =	swait.ge [sflag:s23], $0x1  }
0xa3: {  	[sflag:s23] =	ssyncset.done $0x0  }
0xa4: {  	s25 =	simm.s32 $0x1B8E;
	s24 =	sld [smem:$0x3FFE];
	[sflag:s23] =	ssyncadd.s32 $0xFFFFFFFF  }
0xa5: {  	s26 =	simm.s32 $execute0_lowered;
	[smem:$0x3FD2] =	sst s25  }
0xa6: {  	s4 =	sshll.u32 s26, $0x1;
	_ =	strace $0x80000046;
	[dreg:$0x1] =	wrdreg $0xFFFFFFFF  }
0xa7: {  	s28 =	simm.s32 $_size_execute0_lowered;
	s2 =	sadd.s32 s2, s4;
	[dreg:$0x0] =	wrdreg $0x0  }
0xa8: {  	s4 =	sshll.u32 s28, $0x1;
	[dreg:$0x2] =	wrdreg s2  }
0xa9: {  	[dreg:$0x3] =	wrdreg s4  }
0xaa: {  	[dreg:$0x4] =	wrdreg $0xC0  }
0xab: {  	_ =	task [dreg:s6], $0x5FFFF  }
0xac: {  	[dreg:$0x1] =	wrdreg $0xFFFFFFFF  }
0xad: {  	[dreg:$0x0] =	wrdreg $0x60  }
0xae: {  	[dreg:$0x2] =	wrdreg s24  }
0xaf: {  	[dreg:$0x3] =	wrdreg $0x0  }
0xb0: {  	[dreg:$0x4] =	wrdreg $0x9  }
0xb1: {  	_ =	task.clear_ibuf [dreg:s6], $0x5FFFF;
	_ =	strace $0x90000046  }
0xb2: {  	s29 =	simm.s32 $0x9;
	_ =	strace $0x80000048  }
0xb3: {  	_ =	swait.ge [sflag:s29], $0x1  }
0xb4: {  	[sflag:s29] =	ssyncadd.s32 $0xFFFFFFFF  }
0xb5: {  	_ =	strace $0x90000048  }
0xb6: {  	_ =	sfence  }
0xb7: {  	s30 =	sld [smem:$0x0];
	_ =	sdelay $0x2  }
0xb8: {  	s31 =	sshll.u32 s1, $0xD;
	s1 =	sshrl.u32 s1, $0x2  }
0xb9: {  	s3 =	sand.u32 $0x4000, s31;
	s1 =	sadd.s32 s1, s30  }
0xba: {  	s0 =	sor.u32 s3, s0;
	s1 =	sshll.u32 s1, $0x11  }
0xbb: {  	s0 =	sor.u32 s1, s0  }
0xbc: {  	s0 =	sadd.s32 $0x8F2B, s0  }
0xbd: {  	[sflag:s0] =	ssyncadd.remote.s32 $0x1  }
0xbe: {  	_ =	sfence.sel $0xFFFF  }
0xbf: {  	[dreg:$0x0] =	wrdreg $0xFFFFFFFF;
	(pc) =	sbr.abs _section_cstart, $3  }
0xc0: {  	[dreg:$0x1] =	wrdreg $0xFFFFFFFF  }
0xc1: {  	_ =	task.clear_ibuf [dreg:s6], $0x2FFFF;
	_ =	strace $0x9FFFFFFF  }
0xc2: {  	(tm) =	ssettm $0x7FFFFFFF  }
0xc3: {  	_ =	shalt  }
tec
execute0_lowered:
.L_overlay_start_1:
0x0: {  	(tag) =	ssettag $0x1  }
0x1: {  	s12 =	rddreg [dreg:$0x0]  }
0x2: {  	s1 =	rddreg [dreg:$0x1];
	s2 =	simm.s32 $0x0;
	s0 =	stileid.u32  }
0x3: {  	s7 =	srdreg.scid;
	s20 =	simm.s32 $0x13880;
	s21 =	simm.s32 $0x13900  }
0x4: {  	s22 =	simm.s32 $0x13980;
	s23 =	simm.s32 $0x50;
	s24 =	simm.s32 $0x13A00  }
0x5: {  	s25 =	simm.s32 $0x16200;
	s26 =	simm.s32 $0x1;
	s28 =	simm.s32 $0x2  }
0x6: {  	s3 =	simm.s32 $0x0;
	[smem:$0x7FF] =	sst s2;
	s4 =	sadd.s32 $0x49400, s12  }
0x7: {  	s5 =	sadd.s32 $0xCE00, s12;
	s6 =	sadd.s32 $0x3F200, s12;
	s14 =	smul.u32 $0x2700, s0  }
0x8: {  	s11 =	sand.u32 $0x1, s7;
	s7 =	sadd.s32 $0x7E00, s12;
	s10 =	smul.u32 $0x4E000, s0  }
0x9: {  	s8 =	sadd.s32 $0x16C00, s12;
	s16 =	sadd.s32 $0xBE800, s12;
	s30 =	sshll.u32 s0, $0x6  }
0xa: {  	s19 =	sadd.s32 $0x138000, s1;
	p0 =	sne.s32 s0, $0xF;
	s31 =	smul.u32 $0x138800, s11  }
0xb: {  	_ =	strace $0x80000047;
	s9 =	ssub.s32 $0x2, s11;
	s11 =	smul.u32 $0x27100, s11  }
0xc: {  	s19 =	sshrl.u32 @!p0 s19, $0x3;
	s13 =	sadd.s32 s14, s12;
	s15 =	sshrl.u32 s9, $0x1  }
0xd: {  	s29 =	sshrl.u32 s10, $0x2;
	s10 =	sor.u32 $0x1C03, s30;
	s12 =	sadd.s32 $0xBE600, s12  }
0xe: {  	s17 =	ssub.s32 s9, s15;
	s18 =	sadd.s32 s29, s1;
	s9 =	sadd.s32 $0x97600, s13  }
0xf: {  	s15 =	sshrl.u32 s31, $0x3;
	s13 =	smul.u32 $0x2710, s0;
	s14 =	sadd.s32 s14, s11  }
0x10: {  	s15 =	sadd.s32 s16, s15;
	s14 =	sadd.s32 s16, s14;
	s16 =	smax.u32 s17, $0x1  }
0x11: {  	s17 =	sshrl.u32 s18, $0x3;
	s18 =	simm.s32 $0x3;
	s15 =	sadd.s32 $0x27000, s15  }
.LBB2_1:
0x12: {  	[spmem:s17], [sflag:s10] =	dma.local [hbm:s9], $0x2700  }
0x13: {  	_ =	swait.ge [sflag:s18], $0x2700  }
0x14: {  	[sflag:s18] =	ssyncset.done $0x0  }
0x15: {  	s29 =	simm.s32 @!p0 $0x3;
	[sflag:s18] =	ssyncadd.s32 $0xFFFFD900  }
0x16: {  	[spmem:s19], [sflag:s10] =	dma.local @!p0 [hbm:s12], $0x100  }
0x17: {  	_ =	swait.ge @!p0 [sflag:s29], $0x100  }
0x18: {  	[sflag:s29] =	ssyncset.done @!p0 $0x0  }
0x19: {  	[sflag:s29] =	ssyncadd.s32 @!p0 $0xFFFFFF00  }
0x1a: {  	s29 =	simm.s32 $0x0;
	[bflag:$0x0] =	sbarrier.arrive $0xFFFF  }
.LBB2_2:
0x1b: {  	s30 =	smul.u32 $0x50, s29;
	_ =	sdelay $0x1  }
0x1c: {  	s30 =	sadd.s32 s13, s30  }
0x1d: {  	s31 =	sadd.s32 s11, s30  }
0x1e: {  	s31 =	sshrl.u32 s31, $0x3  }
0x1f: {  	s0 =	sadd.s32 s5, s31  }
0x20: {  	[tilespmem:s20], [sflag:$0x3] =	stream.linear.gather [hbm4b:s0+s3], $0x50, $0x38;
	[tilespmem:$0x18A00] =	vst v63  }
0x21: {  	_ =	swait.ge [sflag:s18], $0x50  }
0x22: {  	[sflag:s18] =	ssyncset.done $0x0  }
0x23: {  	s0 =	sadd.s32 s6, s31;
	[sflag:s18] =	ssyncadd.s32 $0xFFFFFFB0  }
0x24: {  	[tilespmem:s21], [sflag:$0x3] =	stream.linear.gather [hbm4b:s0+s3], $0x50, $0x38;
	[tilespmem:$0x18A00] =	vst v63  }
0x25: {  	_ =	swait.ge [sflag:s18], $0x50  }
0x26: {  	s0 =	sshrl.u32 s30, $0x3;
	[sflag:s18] =	ssyncset.done $0x0  }
0x27: {  	s0 =	sadd.s32 s7, s0;
	[sflag:s18] =	ssyncadd.s32 $0xFFFFFFB0  }
0x28: {  	[tilespmem:s22], [sflag:$0x3] =	stream.linear.gather [hbm4b:s0+s3], $0x50, $0x38;
	[tilespmem:$0x18A00] =	vst v63  }
0x29: {  	_ =	swait.ge [sflag:s18], $0x50  }
0x2a: {  	[sflag:s18] =	ssyncset.done $0x0  }
0x2b: {  	[sflag:s18] =	ssyncadd.s32 $0xFFFFFFB0  }
0x2c: {  	[tilespmem:s24], [sflag:$0x1] =	stream.indirect.gather [hbm4b:s8+s23], $0x80, s21, s23, $0xb8;
	[tilespmem:$0x18A00] =	vst v63  }
0x2d: {  	_ = 	snop  }
0x2e: {  	[tilespmem:s25], [sflag:$0x2] =	stream.indirect.gather [hbm4b:s4+s23], $0x80, s20, s23, $0xb8;
	[tilespmem:$0x18A00] =	vst v63  }
0x2f: {  	_ =	swait.ge [sflag:s26], $0x2800  }
0x30: {  	[sflag:s26] =	ssyncset.done $0x0  }
0x31: {  	[sflag:s26] =	ssyncadd.s32 $0xFFFFD800  }
0x32: {  	_ =	swait.ge [sflag:s28], $0x2800  }
0x33: {  	[sflag:s28] =	ssyncset.done $0x0  }
0x34: {  	s30 =	simm.s32 $0x0;
	[sflag:s28] =	ssyncadd.s32 $0xFFFFD800  }
0x35: {  	v6 =	vld [tilespmem:s30+$0x16200]  }
0x36: {  	v11 =	vld [tilespmem:s30+$0x16210]  }
0x37: {  	v5 =	vld [tilespmem:s30+$0x16220]  }
0x38: {  	v4 =	vld [tilespmem:s30+$0x16230]  }
0x39: {  	v3 =	vld [tilespmem:s30+$0x16240]  }
0x3a: {  	v2 =	vld [tilespmem:s30+$0x16250]  }
0x3b: {  	v1 =	vld [tilespmem:s30+$0x16260]  }
0x3c: {  	v0 =	vld [tilespmem:s30+$0x16270]  }
0x3d: {  	v12 =	vld [tilespmem:s30+$0x13A00]  }
0x3e: {  	v13 =	vld [tilespmem:s30+$0x13A10]  }
0x3f: {  	v10 =	vld [tilespmem:s30+$0x13A20]  }
0x40: {  	v9 =	vld [tilespmem:s30+$0x13A30]  }
0x41: {  	v8 =	vld [tilespmem:s30+$0x13A40]  }
0x42: {  	v7 =	vld [tilespmem:s30+$0x13A50];
	v12 =	vadd.f32 v6, v12  }
0x43: {  	s31 =	simm.s32 $0x200;
	v11 =	vadd.f32 v11, v13;
	v6 =	vld [tilespmem:s30+$0x13A60]  }
.LBB2_3:
0x44: {  	s0 =	sshra.s32 s31, $0x2;
	p1 =	sne.s32 s31, $0x9E00;
	v12 =	vmax.f32 v12, $0.0e+00;
	v5 =	vadd.f32 v5, v10;
	v10 =	vld [tilespmem:s30+$0x13A70]  }
0x45: {  	v13 =	vld [tilespmem:s0+$0x16200];
	[tilespmem:s30+$0x13A00] =	vst v12;
	v11 =	vmax.f32 v11, $0.0e+00;
	v4 =	vadd.f32 v4, v9  }
0x46: {  	v14 =	vld [tilespmem:s0+$0x16210];
	[tilespmem:s30+$0x13A10] =	vst v11;
	v9 =	vmax.f32 v5, $0.0e+00;
	v3 =	vadd.f32 v3, v8  }
0x47: {  	v5 =	vld [tilespmem:s0+$0x16220];
	[tilespmem:s30+$0x13A20] =	vst v9;
	v8 =	vmax.f32 v4, $0.0e+00;
	v2 =	vadd.f32 v2, v7  }
0x48: {  	v4 =	vld [tilespmem:s0+$0x16230];
	[tilespmem:s30+$0x13A30] =	vst v8;
	v7 =	vmax.f32 v3, $0.0e+00;
	v1 =	vadd.f32 v1, v6  }
0x49: {  	v3 =	vld [tilespmem:s0+$0x16240];
	[tilespmem:s30+$0x13A40] =	vst v7;
	v6 =	vmax.f32 v2, $0.0e+00;
	v0 =	vadd.f32 v0, v10  }
0x4a: {  	v2 =	vld [tilespmem:s0+$0x16250];
	[tilespmem:s30+$0x13A50] =	vst v6;
	v6 =	vmax.f32 v1, $0.0e+00  }
0x4b: {  	v1 =	vld [tilespmem:s0+$0x16260];
	[tilespmem:s30+$0x13A60] =	vst v6;
	v6 =	vmax.f32 v0, $0.0e+00  }
0x4c: {  	v0 =	vld [tilespmem:s0+$0x16270];
	[tilespmem:s30+$0x13A70] =	vst v6;
	s30 =	smov.u32 s0  }
0x4d: {  	v6 =	vld [tilespmem:s30+$0x13A00]  }
0x4e: {  	v11 =	vld [tilespmem:s30+$0x13A10]  }
.Ltmp0:
0x4f: {  	v10 =	vld [tilespmem:s30+$0x13A20];
	(pc) =	sbr.rel @p1 .LBB2_3-.Ltmp0, $4  }
0x50: {  	v9 =	vld [tilespmem:s30+$0x13A30]  }
0x51: {  	v8 =	vld [tilespmem:s30+$0x13A40]  }
0x52: {  	v12 =	vadd.f32 v13, v6;
	v7 =	vld [tilespmem:s30+$0x13A50]  }
0x53: {  	s31 =	sadd.s32 $0x200, s31;
	v11 =	vadd.f32 v14, v11;
	v6 =	vld [tilespmem:s30+$0x13A60]  }
0x54: {  	v12 =	vmax.f32 v12, $0.0e+00;
	v5 =	vadd.f32 v5, v10;
	v63 =	vld [tilespmem:s30+$0x13A70]  }
0x55: {  	[tilespmem:s30+$0x13A00] =	vst v12;
	v11 =	vmax.f32 v11, $0.0e+00;
	v4 =	vadd.f32 v4, v9  }
0x56: {  	[tilespmem:s30+$0x13A10] =	vst v11;
	v5 =	vmax.f32 v5, $0.0e+00;
	v3 =	vadd.f32 v3, v8  }
0x57: {  	[tilespmem:s30+$0x13A20] =	vst v5;
	v4 =	vmax.f32 v4, $0.0e+00;
	v2 =	vadd.f32 v2, v7  }
0x58: {  	[tilespmem:s30+$0x13A30] =	vst v4;
	v3 =	vmax.f32 v3, $0.0e+00;
	v1 =	vadd.f32 v1, v6  }
0x59: {  	[tilespmem:s30+$0x13A40] =	vst v3;
	v2 =	vmax.f32 v2, $0.0e+00;
	v0 =	vadd.f32 v0, v63  }
0x5a: {  	s29 =	sadd.s32 $0x1, s29;
	[tilespmem:s30+$0x13A50] =	vst v2;
	v1 =	vmax.f32 v1, $0.0e+00  }
0x5b: {  	p1 =	sne.s32 s29, $0x7D;
	[tilespmem:s30+$0x13A60] =	vst v1;
	v0 =	vmax.f32 v0, $0.0e+00  }
.Ltmp1:
0x5c: {  	[tilespmem:s30+$0x13A70] =	vst v0;
	(pc) =	sbr.rel @p1 .LBB2_2-.Ltmp1, $4  }
0x5d: {  	[spmem:s1] =	stream.indirect.scatter.add.f32 [tilespmem:s24], [sflag:$0x3], $0x80, s22, s23, $0xb8;
	[tilespmem:$0x18A00] =	vst v63  }
0x5e: {  	_ =	swait.ge [sflag:s18], $0x2800  }
0x5f: {  	[sflag:s18] =	ssyncset.done $0x0  }
0x60: {  	[sflag:s18] =	ssyncadd.s32 $0xFFFFD800  }
0x61: {  	[bflag:$0x0] =	sbarrier.arrive $0xFFFF  }
0x62: {  	[hbm:s14], [sflag:s10] =	dma.local [spmem:s17], $0x2700  }
0x63: {  	s2 =	sadd.s32 $0x1, s2;
	_ =	swait.ge [sflag:s18], $0x2700  }
0x64: {  	p1 =	sne.s32 s2, s16;
	[sflag:s18] =	ssyncset.done $0x0  }
.Ltmp2:
0x65: {  	s0 =	simm.s32 @!p0 $0x3;
	[sflag:s18] =	ssyncadd.s32 $0xFFFFD900;
	(pc) =	sbr.rel @p1 .LBB2_1-.Ltmp2, $4  }
0x66: {  	[hbm:s15], [sflag:s10] =	dma.local @!p0 [spmem:s19], $0x100  }
0x67: {  	_ =	swait.ge @!p0 [sflag:s0], $0x100  }
0x68: {  	[sflag:s0] =	ssyncset.done @!p0 $0x0  }
0x69: {  	[sflag:s0] =	ssyncadd.s32 @!p0 $0xFFFFFF00  }
0x6a: {  	_ =	sfence.sel $0x180000  }
0x6b: {  	[bflag:$0x0] =	sbarrier.arrive $0xFFFF  }
0x6c: {  	_ =	strace $0x90000047  }
0x6d: {  	s0 =	stileid.u32;
	[bflag:$0x2] =	sbarrier.arrive $0xFFFF  }
0x6e: {  	p0 =	sne.s32 s0, $0x0;
	s0 =	rddreg [dreg:$0x2]  }
0x6f: {  	s0 =	sadd.s32 @!p0 $0x100000, s0  }
0x70: {  	[sflag:s0] =	ssyncadd.tile.s32 @!p0 $0x1;
	_ =	shalt  }
.Lfunc_end2:
_tile_overlayer_lowered:
.L_overlay_start_2:
0x71: {  	(tag) =	ssettag $0x2  }
0x72: {  	s0 =	rddreg [dreg:$0x0];
	s2 =	stileid.u32  }
0x73: {  	s1 =	rddreg [dreg:$0x1];
	p0 =	sne.s32 s2, $0x0  }
0x74: {  	s3 =	rddreg [dreg:$0x2];
	[bflag:$0x3] =	sbarrier.arrive $0xFFFF;
	s2 =	simm.s32 @!p0 $0x1C03  }
0x75: {  	[timem:s3], [sflag:s2] =	dma.local @!p0 [hbm:s0], s1  }
0x76: {  	s0 =	simm.s32 @!p0 $0x3  }
0x77: {  	_ =	swait.ge @!p0 [sflag:s0], s1  }
0x78: {  	s1 =	ssub.s32 @!p0 $0x0, s1;
	[sflag:s0] =	ssyncset.done @!p0 $0x0  }
0x79: {  	[sflag:s0] =	ssyncadd.s32 @!p0 s1  }
0x7a: {  	[bflag:$0x3] =	sbarrier.arrive $0xFFFF  }
0x7b: {  	_ =	shalt  }

// kernel: kernel.16.cloned.1.call-start
scs
__scs_entry_jumppad:
0x0: {  	(pc) =	sbr.rel $0x88, $3  }
0x1: {  	(tag) =	ssettag $0x0;
	lr =	simm.s32 $0x1  }
0x2: {  	[smem:$0x3F85] =	sst lr;
	_ =	strace $0xD0000000  }
0x3: {  	_ = 	snop  }
0x4: {  	_ = 	snop  }
0x5: {  	_ = 	snop  }
0x6: {  	_ = 	snop  }
0x7: {  	_ = 	snop  }
__scs_overlays_trampoline_lowered:
0x8: {  	[smem:$0x3F94] =	sst s0  }
0x9: {  	[smem:$0x3F95] =	sst s1  }
0xa: {  	[smem:$0x3F96] =	sst s2  }
0xb: {  	[smem:$0x3F97] =	sst s3  }
0xc: {  	[smem:$0x3F98] =	sst s4  }
0xd: {  	[smem:$0x3F99] =	sst s5  }
0xe: {  	[smem:$0x3F9A] =	sst s6  }
0xf: {  	[smem:$0x3F9B] =	sst s7  }
0x10: {  	[smem:$0x3F9C] =	sst s8  }
0x11: {  	[smem:$0x3F9D] =	sst s9;
	s0 =	simm.s32 @!p0 $0x0  }
0x12: {  	s1 =	sld [smem:$0x3F83];
	s0 =	simm.s32 @p0 $0x1  }
0x13: {  	[smem:$0x3F9E] =	sst s0;
	s0 =	simm.s32 @!p1 $0x0  }
0x14: {  	s2 =	sld [smem:$0x3F82];
	s0 =	simm.s32 @p1 $0x1  }
0x15: {  	[smem:$0x3F9F] =	sst s0;
	s0 =	simm.s32 @!p2 $0x0  }
0x16: {  	s3 =	sld [smem:$0x3FDB];
	s0 =	simm.s32 @p2 $0x1  }
0x17: {  	s4 =	simm.s32 $0x1BF5;
	[smem:$0x3FA1] =	sst s0  }
0x18: {  	s0 =	sld [smem:$0x3F84];
	_ =	swait.ge [sflag:s4], $0x0  }
0x19: {  	s7 =	sld [smem:$0x3F85]  }
0x1a: {  	s8 =	sadd.s32 $0xFFFFE003, lr  }
0x1b: {  	s9 =	sadd.s32 $0xFFFFFEF7, lr;
	s5 =	simm.s32 $0xFFFFFFFF;
	p2 =	slt.u32 s8, $0xFFFFF086  }
0x1c: {  	p1 =	slt.u32 s9, $0xF7A;
	s5 =	simm.s32 @!p2 $0x0  }
0x1d: {  	s5 =	simm.s32 @p1 $0x1;
	p0 =	seq.s32 s7, s2  }
0x1e: {  	s7 =	smul.u32 @!p0 $0xF7A, s2;
	p2 =	seq.s32 @!p0 s5, $0x0  }
0x1f: {  	s9 =	smul.u32 $0xF7A, s1;
	s8 =	simm.s32 @!p0 $0x1BF5;
	p2 =	por !p2, p0  }
0x20: {  	[sflag:s8] =	ssyncset.s32 @!p0 $0xFFFFF086;
	s6 =	sadd.s32 @!p0 s3, s7;
	s7 =	simm.s32 @!p0 $0x108  }
0x21: {  	s3 =	sadd.s32 s3, s9;
	s6 =	sadd.s32 @!p0 $0x88, s6;
	s7 =	simm.s32 @p2 $0x1082  }
0x22: {  	[simem:s7], [sflag:s8] =	dma.local @!p0 [hbm:s6], $0xF7A  }
0x23: {  	s9 =	sor.u32 $0xD0000000, s2;
	s6 =	simm.s32 $0x108;
	_ =	swait.ge @!p0 [sflag:s8], $0x0  }
0x24: {  	s3 =	sadd.s32 $0x88, s3;
	s6 =	simm.s32 @!p1 $0x1082;
	[sflag:s4] =	ssyncset.s32 $0xFFFFF086  }
0x25: {  	[simem:s6], [sflag:s4] =	dma.local [hbm:s3], $0xF7A  }
0x26: {  	[smem:$0x3F85] =	sst s1;
	(tag) =	ssettag s2;
	_ =	strace s9  }
0x27: {  	s1 =	sld [smem:$0x3F95]  }
0x28: {  	s2 =	sld [smem:$0x3F96]  }
0x29: {  	s4 =	sld [smem:$0x3F98]  }
0x2a: {  	p0 =	seq.s32 s5, $0x0;
	s5 =	sld [smem:$0x3F99]  }
0x2b: {  	s6 =	sld [smem:$0x3F9A]  }
0x2c: {  	s7 =	sld [smem:$0x3F9B]  }
0x2d: {  	s3 =	simm.s32 $0x108;
	s8 =	sld [smem:$0x3F9C]  }
0x2e: {  	s3 =	simm.s32 @!p0 $0x1082;
	s9 =	sld [smem:$0x3F9D]  }
0x2f: {  	lr =	sadd.s32 s0, s3;
	s0 =	sld [smem:$0x3F94]  }
0x30: {  	s3 =	sld [smem:$0x3F97]  }
0x31: {  	[smem:$0x3FA0] =	sst s10  }
0x32: {  	s10 =	sld [smem:$0x3F9E];
	_ =	sdelay $0x3  }
0x33: {  	p0 =	seq.s32 s10, $0x1;
	s10 =	sld [smem:$0x3FA0];
	_ =	sdelay $0x3  }
0x34: {  	[smem:$0x3FA0] =	sst s10  }
0x35: {  	s10 =	sld [smem:$0x3F9F];
	_ =	sdelay $0x3  }
0x36: {  	p1 =	seq.s32 s10, $0x1;
	s10 =	sld [smem:$0x3FA0];
	_ =	sdelay $0x3  }
0x37: {  	[smem:$0x3FA0] =	sst s10  }
0x38: {  	s10 =	sld [smem:$0x3FA1]  }
0x39: {  	_ = 	snop;
	(pc) =	sbr.ind lr, $3  }
0x3a: {  	_ = 	snop  }
0x3b: {  	_ = 	snop  }
0x3c: {  	p2 =	seq.s32 s10, $0x1;
	s10 =	sld [smem:$0x3FA0]  }
0x3d: {  	_ =	shalt  }
0x3e: {  	_ =	shalt  }
0x3f: {  	_ =	shalt  }
0x40: {  	_ =	shalt  }
0x41: {  	_ =	shalt  }
0x42: {  	_ =	shalt  }
0x43: {  	_ =	shalt  }
0x44: {  	_ =	shalt  }
0x45: {  	_ =	shalt  }
0x46: {  	_ =	shalt  }
0x47: {  	_ =	shalt  }
0x48: {  	_ =	shalt  }
0x49: {  	_ =	shalt  }
0x4a: {  	_ =	shalt  }
0x4b: {  	_ =	shalt  }
0x4c: {  	_ =	shalt  }
0x4d: {  	_ =	shalt  }
0x4e: {  	_ =	shalt  }
0x4f: {  	_ =	shalt  }
0x50: {  	_ =	shalt  }
0x51: {  	_ =	shalt  }
0x52: {  	_ =	shalt  }
0x53: {  	_ =	shalt  }
0x54: {  	_ =	shalt  }
0x55: {  	_ =	shalt  }
0x56: {  	_ =	shalt  }
0x57: {  	_ =	shalt  }
0x58: {  	_ =	shalt  }
0x59: {  	_ =	shalt  }
0x5a: {  	_ =	shalt  }
0x5b: {  	_ =	shalt  }
0x5c: {  	_ =	shalt  }
0x5d: {  	_ =	shalt  }
0x5e: {  	_ =	shalt  }
0x5f: {  	_ =	shalt  }
0x60: {  	_ =	shalt  }
0x61: {  	_ =	shalt  }
0x62: {  	_ =	shalt  }
0x63: {  	_ =	shalt  }
0x64: {  	_ =	shalt  }
0x65: {  	_ =	shalt  }
0x66: {  	_ =	shalt  }
0x67: {  	_ =	shalt  }
0x68: {  	_ =	shalt  }
0x69: {  	_ =	shalt  }
0x6a: {  	_ =	shalt  }
0x6b: {  	_ =	shalt  }
0x6c: {  	_ =	shalt  }
0x6d: {  	_ =	shalt  }
0x6e: {  	_ =	shalt  }
0x6f: {  	_ =	shalt  }
0x70: {  	_ =	shalt  }
0x71: {  	_ =	shalt  }
0x72: {  	_ =	shalt  }
0x73: {  	_ =	shalt  }
0x74: {  	_ =	shalt  }
0x75: {  	_ =	shalt  }
0x76: {  	_ =	shalt  }
0x77: {  	_ =	shalt  }
0x78: {  	_ =	shalt  }
0x79: {  	_ =	shalt  }
0x7a: {  	_ =	shalt  }
0x7b: {  	_ =	shalt  }
0x7c: {  	_ =	shalt  }
0x7d: {  	_ =	shalt  }
0x7e: {  	_ =	shalt  }
0x7f: {  	_ =	shalt  }
0x80: {  	_ =	shalt  }
0x81: {  	_ =	shalt  }
0x82: {  	_ =	shalt  }
0x83: {  	_ =	shalt  }
0x84: {  	_ =	shalt  }
0x85: {  	_ =	shalt  }
0x86: {  	_ =	shalt  }
0x87: {  	_ =	shalt  }
.Lfunc_end0:
.L_simem_size_0:
called_computation.1_lowered:
.L_overlay_start_0:
0x88: {  	s2 =	sld [smem:$0x3FD9]  }
0x89: {  	s3 =	sld [smem:$0x3FFE];
	_ =	sdelay $0x1  }
0x8a: {  	s1 =	srdreg.scid  }
0x8b: {  	s0 =	sand.u32 $0x1, s1  }
0x8c: {  	s16 =	sshll.u32 s0, $0xA;
	s2 =	sadd.s32 s3, s2  }
0x8d: {  	s2 =	sadd.s32 s2, s16  }
0x8e: {  	[smem:$0x3FAC] =	sst s2  }
0x8f: {  	_ = 	snop  }
0x90: {  	(tm) =	ssettm $0x1  }
0x91: {  	s17 =	sld [smem:$0x3FFB];
	_ =	sdelay $0x3  }
0x92: {  	_ =	strace s17  }
0x93: {  	s2 =	sld [smem:$0x3FFC];
	_ =	sdelay $0x3  }
0x94: {  	_ =	strace s2  }
0x95: {  	s2 =	sld [smem:$0x3FFD];
	_ =	sdelay $0x3  }
0x96: {  	_ =	strace s2  }
0x97: {  	_ =	strace $0x8FFFFFFF  }
0x98: {  	s18 =	sld [smem:$0x3FDB];
	_ =	sdelay $0x1  }
0x99: {  	s19 =	simm.s32 $_scs_section_size  }
0x9a: {  	s4 =	simm.s32 $_size__tile_overlayer_lowered;
	s5 =	simm.s32 $_tile_overlayer_lowered  }
0x9b: {  	s22 =	simm.s32 $0x1BFF;
	s21 =	sshll.u32 s5, $0x1;
	s2 =	sadd.s32 s19, s18  }
0x9c: {  	s6 =	simm.s32 $0x0;
	s20 =	sshll.u32 s4, $0x1;
	s4 =	sadd.s32 s21, s2  }
0x9d: {  	[timem:s6], [sflag:s22] =	dma.local [hbm:s4], s20  }
0x9e: {  	_ =	swait.ge [sflag:s22], s20  }
0x9f: {  	s3 =	ssub.s32 $0x0, s20;
	[sflag:s22] =	ssyncset.done $0x0  }
0xa0: {  	[sflag:s22] =	ssyncadd.s32 s3;
	_ =	sdelay $0x1  }
0xa1: {  	s23 =	simm.s32 $0x1B8B  }
0xa2: {  	_ =	swait.ge [sflag:s23], $0x1  }
0xa3: {  	[sflag:s23] =	ssyncset.done $0x0  }
0xa4: {  	s25 =	simm.s32 $0x1B8E;
	s24 =	sld [smem:$0x3FFE];
	[sflag:s23] =	ssyncadd.s32 $0xFFFFFFFF  }
0xa5: {  	s26 =	simm.s32 $execute0_lowered;
	[smem:$0x3FD2] =	sst s25  }
0xa6: {  	s4 =	sshll.u32 s26, $0x1;
	_ =	strace $0x80000049;
	[dreg:$0x1] =	wrdreg $0xFFFFFFFF  }
0xa7: {  	s28 =	simm.s32 $_size_execute0_lowered;
	s2 =	sadd.s32 s2, s4;
	[dreg:$0x0] =	wrdreg $0x0  }
0xa8: {  	s4 =	sshll.u32 s28, $0x1;
	[dreg:$0x2] =	wrdreg s2  }
0xa9: {  	[dreg:$0x3] =	wrdreg s4  }
0xaa: {  	[dreg:$0x4] =	wrdreg $0xC0  }
0xab: {  	_ =	task [dreg:s6], $0x5FFFF  }
0xac: {  	[dreg:$0x1] =	wrdreg $0xFFFFFFFF  }
0xad: {  	[dreg:$0x0] =	wrdreg $0x60  }
0xae: {  	[dreg:$0x2] =	wrdreg s24  }
0xaf: {  	[dreg:$0x3] =	wrdreg $0x0  }
0xb0: {  	[dreg:$0x4] =	wrdreg $0x9  }
0xb1: {  	_ =	task.clear_ibuf [dreg:s6], $0x5FFFF;
	_ =	strace $0x90000049  }
0xb2: {  	s29 =	simm.s32 $0x9;
	_ =	strace $0x8000004B  }
0xb3: {  	_ =	swait.ge [sflag:s29], $0x1  }
0xb4: {  	[sflag:s29] =	ssyncadd.s32 $0xFFFFFFFF  }
0xb5: {  	_ =	strace $0x9000004B  }
0xb6: {  	_ =	sfence  }
0xb7: {  	s30 =	sld [smem:$0x0];
	_ =	sdelay $0x2  }
0xb8: {  	s31 =	sshll.u32 s1, $0xD;
	s1 =	sshrl.u32 s1, $0x2  }
0xb9: {  	s3 =	sand.u32 $0x4000, s31;
	s1 =	sadd.s32 s1, s30  }
0xba: {  	s0 =	sor.u32 s3, s0;
	s1 =	sshll.u32 s1, $0x11  }
0xbb: {  	s0 =	sor.u32 s1, s0  }
0xbc: {  	s0 =	sadd.s32 $0x8F2B, s0  }
0xbd: {  	[sflag:s0] =	ssyncadd.remote.s32 $0x1  }
0xbe: {  	_ =	sfence.sel $0xFFFF  }
0xbf: {  	[dreg:$0x0] =	wrdreg $0xFFFFFFFF;
	(pc) =	sbr.abs _section_cstart, $3  }
0xc0: {  	[dreg:$0x1] =	wrdreg $0xFFFFFFFF  }
0xc1: {  	_ =	task.clear_ibuf [dreg:s6], $0x2FFFF;
	_ =	strace $0x9FFFFFFF  }
0xc2: {  	(tm) =	ssettm $0x7FFFFFFF  }
0xc3: {  	_ =	shalt  }
tec
execute0_lowered:
.L_overlay_start_1:
0x0: {  	(tag) =	ssettag $0x1  }
0x1: {  	s12 =	rddreg [dreg:$0x0]  }
0x2: {  	s1 =	rddreg [dreg:$0x1];
	s2 =	simm.s32 $0x0;
	s0 =	stileid.u32  }
0x3: {  	s7 =	srdreg.scid;
	s20 =	simm.s32 $0x13880;
	s21 =	simm.s32 $0x13900  }
0x4: {  	s22 =	simm.s32 $0x13980;
	s23 =	simm.s32 $0x50;
	s24 =	simm.s32 $0x13A00  }
0x5: {  	s25 =	simm.s32 $0x16200;
	s26 =	simm.s32 $0x1;
	s28 =	simm.s32 $0x2  }
0x6: {  	s3 =	simm.s32 $0x0;
	[smem:$0x7FF] =	sst s2;
	s4 =	sadd.s32 $0x18EE00, s12  }
0x7: {  	s5 =	sadd.s32 $0xCE00, s12;
	s6 =	sadd.s32 $0x3F200, s12;
	s14 =	smul.u32 $0x2700, s0  }
0x8: {  	s11 =	sand.u32 $0x1, s7;
	s7 =	sadd.s32 $0x7E00, s12;
	s10 =	smul.u32 $0x4E000, s0  }
0x9: {  	s8 =	sadd.s32 $0x20200, s12;
	s16 =	sadd.s32 $0x49400, s12;
	s30 =	sshll.u32 s0, $0x6  }
0xa: {  	s19 =	sadd.s32 $0x138000, s1;
	p0 =	sne.s32 s0, $0xF;
	s31 =	smul.u32 $0x138800, s11  }
0xb: {  	_ =	strace $0x8000004A;
	s9 =	ssub.s32 $0x2, s11;
	s11 =	smul.u32 $0x27100, s11  }
0xc: {  	s19 =	sshrl.u32 @!p0 s19, $0x3;
	s13 =	sadd.s32 s14, s12;
	s15 =	sshrl.u32 s9, $0x1  }
0xd: {  	s29 =	sshrl.u32 s10, $0x2;
	s10 =	sor.u32 $0x1C03, s30;
	s12 =	sadd.s32 $0xBE600, s12  }
0xe: {  	s17 =	ssub.s32 s9, s15;
	s18 =	sadd.s32 s29, s1;
	s9 =	sadd.s32 $0x97600, s13  }
0xf: {  	s15 =	sshrl.u32 s31, $0x3;
	s13 =	smul.u32 $0x2710, s0;
	s14 =	sadd.s32 s14, s11  }
0x10: {  	s15 =	sadd.s32 s16, s15;
	s14 =	sadd.s32 s16, s14;
	s16 =	smax.u32 s17, $0x1  }
0x11: {  	s17 =	sshrl.u32 s18, $0x3;
	s18 =	simm.s32 $0x3;
	s15 =	sadd.s32 $0x27000, s15  }
.LBB2_1:
0x12: {  	[spmem:s17], [sflag:s10] =	dma.local [hbm:s9], $0x2700  }
0x13: {  	_ =	swait.ge [sflag:s18], $0x2700  }
0x14: {  	[sflag:s18] =	ssyncset.done $0x0  }
0x15: {  	s29 =	simm.s32 @!p0 $0x3;
	[sflag:s18] =	ssyncadd.s32 $0xFFFFD900  }
0x16: {  	[spmem:s19], [sflag:s10] =	dma.local @!p0 [hbm:s12], $0x100  }
0x17: {  	_ =	swait.ge @!p0 [sflag:s29], $0x100  }
0x18: {  	[sflag:s29] =	ssyncset.done @!p0 $0x0  }
0x19: {  	[sflag:s29] =	ssyncadd.s32 @!p0 $0xFFFFFF00  }
0x1a: {  	s29 =	simm.s32 $0x0;
	[bflag:$0x0] =	sbarrier.arrive $0xFFFF  }
.LBB2_2:
0x1b: {  	s30 =	smul.u32 $0x50, s29;
	_ =	sdelay $0x1  }
0x1c: {  	s30 =	sadd.s32 s13, s30  }
0x1d: {  	s31 =	sadd.s32 s11, s30  }
0x1e: {  	s31 =	sshrl.u32 s31, $0x3  }
0x1f: {  	s0 =	sadd.s32 s5, s31  }
0x20: {  	[tilespmem:s20], [sflag:$0x3] =	stream.linear.gather [hbm4b:s0+s3], $0x50, $0x38;
	[tilespmem:$0x18A00] =	vst v63  }
0x21: {  	_ =	swait.ge [sflag:s18], $0x50  }
0x22: {  	[sflag:s18] =	ssyncset.done $0x0  }
0x23: {  	s0 =	sadd.s32 s6, s31;
	[sflag:s18] =	ssyncadd.s32 $0xFFFFFFB0  }
0x24: {  	[tilespmem:s21], [sflag:$0x3] =	stream.linear.gather [hbm4b:s0+s3], $0x50, $0x38;
	[tilespmem:$0x18A00] =	vst v63  }
0x25: {  	_ =	swait.ge [sflag:s18], $0x50  }
0x26: {  	s0 =	sshrl.u32 s30, $0x3;
	[sflag:s18] =	ssyncset.done $0x0  }
0x27: {  	s0 =	sadd.s32 s7, s0;
	[sflag:s18] =	ssyncadd.s32 $0xFFFFFFB0  }
0x28: {  	[tilespmem:s22], [sflag:$0x3] =	stream.linear.gather [hbm4b:s0+s3], $0x50, $0x38;
	[tilespmem:$0x18A00] =	vst v63  }
0x29: {  	_ =	swait.ge [sflag:s18], $0x50  }
0x2a: {  	[sflag:s18] =	ssyncset.done $0x0  }
0x2b: {  	[sflag:s18] =	ssyncadd.s32 $0xFFFFFFB0  }
0x2c: {  	[tilespmem:s24], [sflag:$0x1] =	stream.indirect.gather [hbm4b:s8+s23], $0x80, s21, s23, $0xb8;
	[tilespmem:$0x18A00] =	vst v63  }
0x2d: {  	_ = 	snop  }
0x2e: {  	[tilespmem:s25], [sflag:$0x2] =	stream.indirect.gather [hbm4b:s4+s23], $0x80, s20, s23, $0xb8;
	[tilespmem:$0x18A00] =	vst v63  }
0x2f: {  	_ =	swait.ge [sflag:s26], $0x2800  }
0x30: {  	[sflag:s26] =	ssyncset.done $0x0  }
0x31: {  	[sflag:s26] =	ssyncadd.s32 $0xFFFFD800  }
0x32: {  	_ =	swait.ge [sflag:s28], $0x2800  }
0x33: {  	[sflag:s28] =	ssyncset.done $0x0  }
0x34: {  	s30 =	simm.s32 $0x0;
	[sflag:s28] =	ssyncadd.s32 $0xFFFFD800  }
0x35: {  	v6 =	vld [tilespmem:s30+$0x16200]  }
0x36: {  	v11 =	vld [tilespmem:s30+$0x16210]  }
0x37: {  	v5 =	vld [tilespmem:s30+$0x16220]  }
0x38: {  	v4 =	vld [tilespmem:s30+$0x16230]  }
0x39: {  	v3 =	vld [tilespmem:s30+$0x16240]  }
0x3a: {  	v2 =	vld [tilespmem:s30+$0x16250]  }
0x3b: {  	v1 =	vld [tilespmem:s30+$0x16260]  }
0x3c: {  	v0 =	vld [tilespmem:s30+$0x16270]  }
0x3d: {  	v12 =	vld [tilespmem:s30+$0x13A00]  }
0x3e: {  	v13 =	vld [tilespmem:s30+$0x13A10]  }
0x3f: {  	v10 =	vld [tilespmem:s30+$0x13A20]  }
0x40: {  	v9 =	vld [tilespmem:s30+$0x13A30]  }
0x41: {  	v8 =	vld [tilespmem:s30+$0x13A40]  }
0x42: {  	v7 =	vld [tilespmem:s30+$0x13A50];
	v12 =	vadd.f32 v6, v12  }
0x43: {  	s31 =	simm.s32 $0x200;
	v11 =	vadd.f32 v11, v13;
	v6 =	vld [tilespmem:s30+$0x13A60]  }
.LBB2_3:
0x44: {  	s0 =	sshra.s32 s31, $0x2;
	p1 =	sne.s32 s31, $0x9E00;
	v12 =	vmax.f32 v12, $0.0e+00;
	v5 =	vadd.f32 v5, v10;
	v10 =	vld [tilespmem:s30+$0x13A70]  }
0x45: {  	v13 =	vld [tilespmem:s0+$0x16200];
	[tilespmem:s30+$0x13A00] =	vst v12;
	v11 =	vmax.f32 v11, $0.0e+00;
	v4 =	vadd.f32 v4, v9  }
0x46: {  	v14 =	vld [tilespmem:s0+$0x16210];
	[tilespmem:s30+$0x13A10] =	vst v11;
	v9 =	vmax.f32 v5, $0.0e+00;
	v3 =	vadd.f32 v3, v8  }
0x47: {  	v5 =	vld [tilespmem:s0+$0x16220];
	[tilespmem:s30+$0x13A20] =	vst v9;
	v8 =	vmax.f32 v4, $0.0e+00;
	v2 =	vadd.f32 v2, v7  }
0x48: {  	v4 =	vld [tilespmem:s0+$0x16230];
	[tilespmem:s30+$0x13A30] =	vst v8;
	v7 =	vmax.f32 v3, $0.0e+00;
	v1 =	vadd.f32 v1, v6  }
0x49: {  	v3 =	vld [tilespmem:s0+$0x16240];
	[tilespmem:s30+$0x13A40] =	vst v7;
	v6 =	vmax.f32 v2, $0.0e+00;
	v0 =	vadd.f32 v0, v10  }
0x4a: {  	v2 =	vld [tilespmem:s0+$0x16250];
	[tilespmem:s30+$0x13A50] =	vst v6;
	v6 =	vmax.f32 v1, $0.0e+00  }
0x4b: {  	v1 =	vld [tilespmem:s0+$0x16260];
	[tilespmem:s30+$0x13A60] =	vst v6;
	v6 =	vmax.f32 v0, $0.0e+00  }
0x4c: {  	v0 =	vld [tilespmem:s0+$0x16270];
	[tilespmem:s30+$0x13A70] =	vst v6;
	s30 =	smov.u32 s0  }
0x4d: {  	v6 =	vld [tilespmem:s30+$0x13A00]  }
0x4e: {  	v11 =	vld [tilespmem:s30+$0x13A10]  }
.Ltmp0:
0x4f: {  	v10 =	vld [tilespmem:s30+$0x13A20];
	(pc) =	sbr.rel @p1 .LBB2_3-.Ltmp0, $4  }
0x50: {  	v9 =	vld [tilespmem:s30+$0x13A30]  }
0x51: {  	v8 =	vld [tilespmem:s30+$0x13A40]  }
0x52: {  	v12 =	vadd.f32 v13, v6;
	v7 =	vld [tilespmem:s30+$0x13A50]  }
0x53: {  	s31 =	sadd.s32 $0x200, s31;
	v11 =	vadd.f32 v14, v11;
	v6 =	vld [tilespmem:s30+$0x13A60]  }
0x54: {  	v12 =	vmax.f32 v12, $0.0e+00;
	v5 =	vadd.f32 v5, v10;
	v63 =	vld [tilespmem:s30+$0x13A70]  }
0x55: {  	[tilespmem:s30+$0x13A00] =	vst v12;
	v11 =	vmax.f32 v11, $0.0e+00;
	v4 =	vadd.f32 v4, v9  }
0x56: {  	[tilespmem:s30+$0x13A10] =	vst v11;
	v5 =	vmax.f32 v5, $0.0e+00;
	v3 =	vadd.f32 v3, v8  }
0x57: {  	[tilespmem:s30+$0x13A20] =	vst v5;
	v4 =	vmax.f32 v4, $0.0e+00;
	v2 =	vadd.f32 v2, v7  }
0x58: {  	[tilespmem:s30+$0x13A30] =	vst v4;
	v3 =	vmax.f32 v3, $0.0e+00;
	v1 =	vadd.f32 v1, v6  }
0x59: {  	[tilespmem:s30+$0x13A40] =	vst v3;
	v2 =	vmax.f32 v2, $0.0e+00;
	v0 =	vadd.f32 v0, v63  }
0x5a: {  	s29 =	sadd.s32 $0x1, s29;
	[tilespmem:s30+$0x13A50] =	vst v2;
	v1 =	vmax.f32 v1, $0.0e+00  }
0x5b: {  	p1 =	sne.s32 s29, $0x7D;
	[tilespmem:s30+$0x13A60] =	vst v1;
	v0 =	vmax.f32 v0, $0.0e+00  }
.Ltmp1:
0x5c: {  	[tilespmem:s30+$0x13A70] =	vst v0;
	(pc) =	sbr.rel @p1 .LBB2_2-.Ltmp1, $4  }
0x5d: {  	[spmem:s1] =	stream.indirect.scatter.add.f32 [tilespmem:s24], [sflag:$0x3], $0x80, s22, s23, $0xb8;
	[tilespmem:$0x18A00] =	vst v63  }
0x5e: {  	_ =	swait.ge [sflag:s18], $0x2800  }
0x5f: {  	[sflag:s18] =	ssyncset.done $0x0  }
0x60: {  	[sflag:s18] =	ssyncadd.s32 $0xFFFFD800  }
0x61: {  	[bflag:$0x0] =	sbarrier.arrive $0xFFFF  }
0x62: {  	[hbm:s14], [sflag:s10] =	dma.local [spmem:s17], $0x2700  }
0x63: {  	s2 =	sadd.s32 $0x1, s2;
	_ =	swait.ge [sflag:s18], $0x2700  }
0x64: {  	p1 =	sne.s32 s2, s16;
	[sflag:s18] =	ssyncset.done $0x0  }
.Ltmp2:
0x65: {  	s0 =	simm.s32 @!p0 $0x3;
	[sflag:s18] =	ssyncadd.s32 $0xFFFFD900;
	(pc) =	sbr.rel @p1 .LBB2_1-.Ltmp2, $4  }
0x66: {  	[hbm:s15], [sflag:s10] =	dma.local @!p0 [spmem:s19], $0x100  }
0x67: {  	_ =	swait.ge @!p0 [sflag:s0], $0x100  }
0x68: {  	[sflag:s0] =	ssyncset.done @!p0 $0x0  }
0x69: {  	[sflag:s0] =	ssyncadd.s32 @!p0 $0xFFFFFF00  }
0x6a: {  	_ =	sfence.sel $0x180000  }
0x6b: {  	[bflag:$0x0] =	sbarrier.arrive $0xFFFF  }
0x6c: {  	_ =	strace $0x9000004A  }
0x6d: {  	s0 =	stileid.u32;
	[bflag:$0x2] =	sbarrier.arrive $0xFFFF  }
0x6e: {  	p0 =	sne.s32 s0, $0x0;
	s0 =	rddreg [dreg:$0x2]  }
0x6f: {  	s0 =	sadd.s32 @!p0 $0x100000, s0  }
0x70: {  	[sflag:s0] =	ssyncadd.tile.s32 @!p0 $0x1;
	_ =	shalt  }
.Lfunc_end2:
_tile_overlayer_lowered:
.L_overlay_start_2:
0x71: {  	(tag) =	ssettag $0x2  }
0x72: {  	s0 =	rddreg [dreg:$0x0];
	s2 =	stileid.u32  }
0x73: {  	s1 =	rddreg [dreg:$0x1];
	p0 =	sne.s32 s2, $0x0  }
0x74: {  	s3 =	rddreg [dreg:$0x2];
	[bflag:$0x3] =	sbarrier.arrive $0xFFFF;
	s2 =	simm.s32 @!p0 $0x1C03  }
0x75: {  	[timem:s3], [sflag:s2] =	dma.local @!p0 [hbm:s0], s1  }
0x76: {  	s0 =	simm.s32 @!p0 $0x3  }
0x77: {  	_ =	swait.ge @!p0 [sflag:s0], s1  }
0x78: {  	s1 =	ssub.s32 @!p0 $0x0, s1;
	[sflag:s0] =	ssyncset.done @!p0 $0x0  }
0x79: {  	[sflag:s0] =	ssyncadd.s32 @!p0 s1  }
0x7a: {  	[bflag:$0x3] =	sbarrier.arrive $0xFFFF  }
0x7b: {  	_ =	shalt  }

// kernel: kernel.19.cloned.1.call-start
scs
__scs_entry_jumppad:
0x0: {  	(pc) =	sbr.rel $0x88, $3  }
0x1: {  	(tag) =	ssettag $0x0;
	lr =	simm.s32 $0x1  }
0x2: {  	[smem:$0x3F85] =	sst lr;
	_ =	strace $0xD0000000  }
0x3: {  	_ = 	snop  }
0x4: {  	_ = 	snop  }
0x5: {  	_ = 	snop  }
0x6: {  	_ = 	snop  }
0x7: {  	_ = 	snop  }
__scs_overlays_trampoline_lowered:
0x8: {  	[smem:$0x3F94] =	sst s0  }
0x9: {  	[smem:$0x3F95] =	sst s1  }
0xa: {  	[smem:$0x3F96] =	sst s2  }
0xb: {  	[smem:$0x3F97] =	sst s3  }
0xc: {  	[smem:$0x3F98] =	sst s4  }
0xd: {  	[smem:$0x3F99] =	sst s5  }
0xe: {  	[smem:$0x3F9A] =	sst s6  }
0xf: {  	[smem:$0x3F9B] =	sst s7  }
0x10: {  	[smem:$0x3F9C] =	sst s8  }
0x11: {  	[smem:$0x3F9D] =	sst s9;
	s0 =	simm.s32 @!p0 $0x0  }
0x12: {  	s1 =	sld [smem:$0x3F83];
	s0 =	simm.s32 @p0 $0x1  }
0x13: {  	[smem:$0x3F9E] =	sst s0;
	s0 =	simm.s32 @!p1 $0x0  }
0x14: {  	s2 =	sld [smem:$0x3F82];
	s0 =	simm.s32 @p1 $0x1  }
0x15: {  	[smem:$0x3F9F] =	sst s0;
	s0 =	simm.s32 @!p2 $0x0  }
0x16: {  	s3 =	sld [smem:$0x3FDB];
	s0 =	simm.s32 @p2 $0x1  }
0x17: {  	s4 =	simm.s32 $0x1BF5;
	[smem:$0x3FA1] =	sst s0  }
0x18: {  	s0 =	sld [smem:$0x3F84];
	_ =	swait.ge [sflag:s4], $0x0  }
0x19: {  	s7 =	sld [smem:$0x3F85]  }
0x1a: {  	s8 =	sadd.s32 $0xFFFFE003, lr  }
0x1b: {  	s9 =	sadd.s32 $0xFFFFFEF7, lr;
	s5 =	simm.s32 $0xFFFFFFFF;
	p2 =	slt.u32 s8, $0xFFFFF086  }
0x1c: {  	p1 =	slt.u32 s9, $0xF7A;
	s5 =	simm.s32 @!p2 $0x0  }
0x1d: {  	s5 =	simm.s32 @p1 $0x1;
	p0 =	seq.s32 s7, s2  }
0x1e: {  	s7 =	smul.u32 @!p0 $0xF7A, s2;
	p2 =	seq.s32 @!p0 s5, $0x0  }
0x1f: {  	s9 =	smul.u32 $0xF7A, s1;
	s8 =	simm.s32 @!p0 $0x1BF5;
	p2 =	por !p2, p0  }
0x20: {  	[sflag:s8] =	ssyncset.s32 @!p0 $0xFFFFF086;
	s6 =	sadd.s32 @!p0 s3, s7;
	s7 =	simm.s32 @!p0 $0x108  }
0x21: {  	s3 =	sadd.s32 s3, s9;
	s6 =	sadd.s32 @!p0 $0x88, s6;
	s7 =	simm.s32 @p2 $0x1082  }
0x22: {  	[simem:s7], [sflag:s8] =	dma.local @!p0 [hbm:s6], $0xF7A  }
0x23: {  	s9 =	sor.u32 $0xD0000000, s2;
	s6 =	simm.s32 $0x108;
	_ =	swait.ge @!p0 [sflag:s8], $0x0  }
0x24: {  	s3 =	sadd.s32 $0x88, s3;
	s6 =	simm.s32 @!p1 $0x1082;
	[sflag:s4] =	ssyncset.s32 $0xFFFFF086  }
0x25: {  	[simem:s6], [sflag:s4] =	dma.local [hbm:s3], $0xF7A  }
0x26: {  	[smem:$0x3F85] =	sst s1;
	(tag) =	ssettag s2;
	_ =	strace s9  }
0x27: {  	s1 =	sld [smem:$0x3F95]  }
0x28: {  	s2 =	sld [smem:$0x3F96]  }
0x29: {  	s4 =	sld [smem:$0x3F98]  }
0x2a: {  	p0 =	seq.s32 s5, $0x0;
	s5 =	sld [smem:$0x3F99]  }
0x2b: {  	s6 =	sld [smem:$0x3F9A]  }
0x2c: {  	s7 =	sld [smem:$0x3F9B]  }
0x2d: {  	s3 =	simm.s32 $0x108;
	s8 =	sld [smem:$0x3F9C]  }
0x2e: {  	s3 =	simm.s32 @!p0 $0x1082;
	s9 =	sld [smem:$0x3F9D]  }
0x2f: {  	lr =	sadd.s32 s0, s3;
	s0 =	sld [smem:$0x3F94]  }
0x30: {  	s3 =	sld [smem:$0x3F97]  }
0x31: {  	[smem:$0x3FA0] =	sst s10  }
0x32: {  	s10 =	sld [smem:$0x3F9E];
	_ =	sdelay $0x3  }
0x33: {  	p0 =	seq.s32 s10, $0x1;
	s10 =	sld [smem:$0x3FA0];
	_ =	sdelay $0x3  }
0x34: {  	[smem:$0x3FA0] =	sst s10  }
0x35: {  	s10 =	sld [smem:$0x3F9F];
	_ =	sdelay $0x3  }
0x36: {  	p1 =	seq.s32 s10, $0x1;
	s10 =	sld [smem:$0x3FA0];
	_ =	sdelay $0x3  }
0x37: {  	[smem:$0x3FA0] =	sst s10  }
0x38: {  	s10 =	sld [smem:$0x3FA1]  }
0x39: {  	_ = 	snop;
	(pc) =	sbr.ind lr, $3  }
0x3a: {  	_ = 	snop  }
0x3b: {  	_ = 	snop  }
0x3c: {  	p2 =	seq.s32 s10, $0x1;
	s10 =	sld [smem:$0x3FA0]  }
0x3d: {  	_ =	shalt  }
0x3e: {  	_ =	shalt  }
0x3f: {  	_ =	shalt  }
0x40: {  	_ =	shalt  }
0x41: {  	_ =	shalt  }
0x42: {  	_ =	shalt  }
0x43: {  	_ =	shalt  }
0x44: {  	_ =	shalt  }
0x45: {  	_ =	shalt  }
0x46: {  	_ =	shalt  }
0x47: {  	_ =	shalt  }
0x48: {  	_ =	shalt  }
0x49: {  	_ =	shalt  }
0x4a: {  	_ =	shalt  }
0x4b: {  	_ =	shalt  }
0x4c: {  	_ =	shalt  }
0x4d: {  	_ =	shalt  }
0x4e: {  	_ =	shalt  }
0x4f: {  	_ =	shalt  }
0x50: {  	_ =	shalt  }
0x51: {  	_ =	shalt  }
0x52: {  	_ =	shalt  }
0x53: {  	_ =	shalt  }
0x54: {  	_ =	shalt  }
0x55: {  	_ =	shalt  }
0x56: {  	_ =	shalt  }
0x57: {  	_ =	shalt  }
0x58: {  	_ =	shalt  }
0x59: {  	_ =	shalt  }
0x5a: {  	_ =	shalt  }
0x5b: {  	_ =	shalt  }
0x5c: {  	_ =	shalt  }
0x5d: {  	_ =	shalt  }
0x5e: {  	_ =	shalt  }
0x5f: {  	_ =	shalt  }
0x60: {  	_ =	shalt  }
0x61: {  	_ =	shalt  }
0x62: {  	_ =	shalt  }
0x63: {  	_ =	shalt  }
0x64: {  	_ =	shalt  }
0x65: {  	_ =	shalt  }
0x66: {  	_ =	shalt  }
0x67: {  	_ =	shalt  }
0x68: {  	_ =	shalt  }
0x69: {  	_ =	shalt  }
0x6a: {  	_ =	shalt  }
0x6b: {  	_ =	shalt  }
0x6c: {  	_ =	shalt  }
0x6d: {  	_ =	shalt  }
0x6e: {  	_ =	shalt  }
0x6f: {  	_ =	shalt  }
0x70: {  	_ =	shalt  }
0x71: {  	_ =	shalt  }
0x72: {  	_ =	shalt  }
0x73: {  	_ =	shalt  }
0x74: {  	_ =	shalt  }
0x75: {  	_ =	shalt  }
0x76: {  	_ =	shalt  }
0x77: {  	_ =	shalt  }
0x78: {  	_ =	shalt  }
0x79: {  	_ =	shalt  }
0x7a: {  	_ =	shalt  }
0x7b: {  	_ =	shalt  }
0x7c: {  	_ =	shalt  }
0x7d: {  	_ =	shalt  }
0x7e: {  	_ =	shalt  }
0x7f: {  	_ =	shalt  }
0x80: {  	_ =	shalt  }
0x81: {  	_ =	shalt  }
0x82: {  	_ =	shalt  }
0x83: {  	_ =	shalt  }
0x84: {  	_ =	shalt  }
0x85: {  	_ =	shalt  }
0x86: {  	_ =	shalt  }
0x87: {  	_ =	shalt  }
.Lfunc_end0:
.L_simem_size_0:
called_computation.2_lowered:
.L_overlay_start_0:
0x88: {  	s2 =	sld [smem:$0x3FD9]  }
0x89: {  	s3 =	sld [smem:$0x3FFE];
	_ =	sdelay $0x1  }
0x8a: {  	s1 =	srdreg.scid  }
0x8b: {  	s0 =	sand.u32 $0x1, s1  }
0x8c: {  	s16 =	sshll.u32 s0, $0xA;
	s2 =	sadd.s32 s3, s2  }
0x8d: {  	s2 =	sadd.s32 s2, s16  }
0x8e: {  	[smem:$0x3FAC] =	sst s2  }
0x8f: {  	_ = 	snop  }
0x90: {  	(tm) =	ssettm $0x1  }
0x91: {  	s17 =	sld [smem:$0x3FFB];
	_ =	sdelay $0x3  }
0x92: {  	_ =	strace s17  }
0x93: {  	s2 =	sld [smem:$0x3FFC];
	_ =	sdelay $0x3  }
0x94: {  	_ =	strace s2  }
0x95: {  	s2 =	sld [smem:$0x3FFD];
	_ =	sdelay $0x3  }
0x96: {  	_ =	strace s2  }
0x97: {  	_ =	strace $0x8FFFFFFF  }
0x98: {  	s18 =	sld [smem:$0x3FDB];
	_ =	sdelay $0x1  }
0x99: {  	s19 =	simm.s32 $_scs_section_size  }
0x9a: {  	s4 =	simm.s32 $_size__tile_overlayer_lowered;
	s5 =	simm.s32 $_tile_overlayer_lowered  }
0x9b: {  	s22 =	simm.s32 $0x1BFF;
	s21 =	sshll.u32 s5, $0x1;
	s2 =	sadd.s32 s19, s18  }
0x9c: {  	s6 =	simm.s32 $0x0;
	s20 =	sshll.u32 s4, $0x1;
	s4 =	sadd.s32 s21, s2  }
0x9d: {  	[timem:s6], [sflag:s22] =	dma.local [hbm:s4], s20  }
0x9e: {  	_ =	swait.ge [sflag:s22], s20  }
0x9f: {  	s3 =	ssub.s32 $0x0, s20;
	[sflag:s22] =	ssyncset.done $0x0  }
0xa0: {  	[sflag:s22] =	ssyncadd.s32 s3;
	_ =	sdelay $0x1  }
0xa1: {  	s23 =	simm.s32 $0x1B8B  }
0xa2: {  	_ =	swait.ge [sflag:s23], $0x1  }
0xa3: {  	[sflag:s23] =	ssyncset.done $0x0  }
0xa4: {  	s25 =	simm.s32 $0x1B8E;
	s24 =	sld [smem:$0x3FFE];
	[sflag:s23] =	ssyncadd.s32 $0xFFFFFFFF  }
0xa5: {  	s26 =	simm.s32 $execute0_lowered;
	[smem:$0x3FD2] =	sst s25  }
0xa6: {  	s4 =	sshll.u32 s26, $0x1;
	_ =	strace $0x8000004C;
	[dreg:$0x1] =	wrdreg $0xFFFFFFFF  }
0xa7: {  	s28 =	simm.s32 $_size_execute0_lowered;
	s2 =	sadd.s32 s2, s4;
	[dreg:$0x0] =	wrdreg $0x0  }
0xa8: {  	s4 =	sshll.u32 s28, $0x1;
	[dreg:$0x2] =	wrdreg s2  }
0xa9: {  	[dreg:$0x3] =	wrdreg s4  }
0xaa: {  	[dreg:$0x4] =	wrdreg $0xC0  }
0xab: {  	_ =	task [dreg:s6], $0x5FFFF  }
0xac: {  	[dreg:$0x1] =	wrdreg $0xFFFFFFFF  }
0xad: {  	[dreg:$0x0] =	wrdreg $0x60  }
0xae: {  	[dreg:$0x2] =	wrdreg s24  }
0xaf: {  	[dreg:$0x3] =	wrdreg $0x0  }
0xb0: {  	[dreg:$0x4] =	wrdreg $0x9  }
0xb1: {  	_ =	task.clear_ibuf [dreg:s6], $0x5FFFF;
	_ =	strace $0x9000004C  }
0xb2: {  	s29 =	simm.s32 $0x9;
	_ =	strace $0x8000004E  }
0xb3: {  	_ =	swait.ge [sflag:s29], $0x1  }
0xb4: {  	[sflag:s29] =	ssyncadd.s32 $0xFFFFFFFF  }
0xb5: {  	_ =	strace $0x9000004E  }
0xb6: {  	_ =	sfence  }
0xb7: {  	s30 =	sld [smem:$0x0];
	_ =	sdelay $0x2  }
0xb8: {  	s31 =	sshll.u32 s1, $0xD;
	s1 =	sshrl.u32 s1, $0x2  }
0xb9: {  	s3 =	sand.u32 $0x4000, s31;
	s1 =	sadd.s32 s1, s30  }
0xba: {  	s0 =	sor.u32 s3, s0;
	s1 =	sshll.u32 s1, $0x11  }
0xbb: {  	s0 =	sor.u32 s1, s0  }
0xbc: {  	s0 =	sadd.s32 $0x8F2B, s0  }
0xbd: {  	[sflag:s0] =	ssyncadd.remote.s32 $0x1  }
0xbe: {  	_ =	sfence.sel $0xFFFF  }
0xbf: {  	[dreg:$0x0] =	wrdreg $0xFFFFFFFF;
	(pc) =	sbr.abs _section_cstart, $3  }
0xc0: {  	[dreg:$0x1] =	wrdreg $0xFFFFFFFF  }
0xc1: {  	_ =	task.clear_ibuf [dreg:s6], $0x2FFFF;
	_ =	strace $0x9FFFFFFF  }
0xc2: {  	(tm) =	ssettm $0x7FFFFFFF  }
0xc3: {  	_ =	shalt  }
tec
execute0_lowered:
.L_overlay_start_1:
0x0: {  	(tag) =	ssettag $0x1  }
0x1: {  	s12 =	rddreg [dreg:$0x0]  }
0x2: {  	s1 =	rddreg [dreg:$0x1];
	s2 =	simm.s32 $0x0;
	s0 =	stileid.u32  }
0x3: {  	s7 =	srdreg.scid;
	s20 =	simm.s32 $0x13880;
	s21 =	simm.s32 $0x13900  }
0x4: {  	s22 =	simm.s32 $0x13980;
	s23 =	simm.s32 $0x50;
	s24 =	simm.s32 $0x13A00  }
0x5: {  	s25 =	simm.s32 $0x16200;
	s26 =	simm.s32 $0x1;
	s28 =	simm.s32 $0x2  }
0x6: {  	s3 =	simm.s32 $0x0;
	[smem:$0x7FF] =	sst s2;
	s4 =	sadd.s32 $0x18EE00, s12  }
0x7: {  	s5 =	sadd.s32 $0xCE00, s12;
	s6 =	sadd.s32 $0x3F200, s12;
	s14 =	smul.u32 $0x2700, s0  }
0x8: {  	s11 =	sand.u32 $0x1, s7;
	s7 =	sadd.s32 $0x7E00, s12;
	s10 =	smul.u32 $0x4E000, s0  }
0x9: {  	s8 =	sadd.s32 $0x22200, s12;
	s16 =	sadd.s32 $0xBE800, s12;
	s30 =	sshll.u32 s0, $0x6  }
0xa: {  	s19 =	sadd.s32 $0x138000, s1;
	p0 =	sne.s32 s0, $0xF;
	s31 =	smul.u32 $0x138800, s11  }
0xb: {  	_ =	strace $0x8000004D;
	s9 =	ssub.s32 $0x2, s11;
	s11 =	smul.u32 $0x27100, s11  }
0xc: {  	s19 =	sshrl.u32 @!p0 s19, $0x3;
	s13 =	sadd.s32 s14, s12;
	s15 =	sshrl.u32 s9, $0x1  }
0xd: {  	s29 =	sshrl.u32 s10, $0x2;
	s10 =	sor.u32 $0x1C03, s30;
	s12 =	sadd.s32 $0xBE600, s12  }
0xe: {  	s17 =	ssub.s32 s9, s15;
	s18 =	sadd.s32 s29, s1;
	s9 =	sadd.s32 $0x97600, s13  }
0xf: {  	s15 =	sshrl.u32 s31, $0x3;
	s13 =	smul.u32 $0x2710, s0;
	s14 =	sadd.s32 s14, s11  }
0x10: {  	s15 =	sadd.s32 s16, s15;
	s14 =	sadd.s32 s16, s14;
	s16 =	smax.u32 s17, $0x1  }
0x11: {  	s17 =	sshrl.u32 s18, $0x3;
	s18 =	simm.s32 $0x3;
	s15 =	sadd.s32 $0x27000, s15  }
.LBB2_1:
0x12: {  	[spmem:s17], [sflag:s10] =	dma.local [hbm:s9], $0x2700  }
0x13: {  	_ =	swait.ge [sflag:s18], $0x2700  }
0x14: {  	[sflag:s18] =	ssyncset.done $0x0  }
0x15: {  	s29 =	simm.s32 @!p0 $0x3;
	[sflag:s18] =	ssyncadd.s32 $0xFFFFD900  }
0x16: {  	[spmem:s19], [sflag:s10] =	dma.local @!p0 [hbm:s12], $0x100  }
0x17: {  	_ =	swait.ge @!p0 [sflag:s29], $0x100  }
0x18: {  	[sflag:s29] =	ssyncset.done @!p0 $0x0  }
0x19: {  	[sflag:s29] =	ssyncadd.s32 @!p0 $0xFFFFFF00  }
0x1a: {  	s29 =	simm.s32 $0x0;
	[bflag:$0x0] =	sbarrier.arrive $0xFFFF  }
.LBB2_2:
0x1b: {  	s30 =	smul.u32 $0x50, s29;
	_ =	sdelay $0x1  }
0x1c: {  	s30 =	sadd.s32 s13, s30  }
0x1d: {  	s31 =	sadd.s32 s11, s30  }
0x1e: {  	s31 =	sshrl.u32 s31, $0x3  }
0x1f: {  	s0 =	sadd.s32 s5, s31  }
0x20: {  	[tilespmem:s20], [sflag:$0x3] =	stream.linear.gather [hbm4b:s0+s3], $0x50, $0x38;
	[tilespmem:$0x18A00] =	vst v63  }
0x21: {  	_ =	swait.ge [sflag:s18], $0x50  }
0x22: {  	[sflag:s18] =	ssyncset.done $0x0  }
0x23: {  	s0 =	sadd.s32 s6, s31;
	[sflag:s18] =	ssyncadd.s32 $0xFFFFFFB0  }
0x24: {  	[tilespmem:s21], [sflag:$0x3] =	stream.linear.gather [hbm4b:s0+s3], $0x50, $0x38;
	[tilespmem:$0x18A00] =	vst v63  }
0x25: {  	_ =	swait.ge [sflag:s18], $0x50  }
0x26: {  	s0 =	sshrl.u32 s30, $0x3;
	[sflag:s18] =	ssyncset.done $0x0  }
0x27: {  	s0 =	sadd.s32 s7, s0;
	[sflag:s18] =	ssyncadd.s32 $0xFFFFFFB0  }
0x28: {  	[tilespmem:s22], [sflag:$0x3] =	stream.linear.gather [hbm4b:s0+s3], $0x50, $0x38;
	[tilespmem:$0x18A00] =	vst v63  }
0x29: {  	_ =	swait.ge [sflag:s18], $0x50  }
0x2a: {  	[sflag:s18] =	ssyncset.done $0x0  }
0x2b: {  	[sflag:s18] =	ssyncadd.s32 $0xFFFFFFB0  }
0x2c: {  	[tilespmem:s24], [sflag:$0x1] =	stream.indirect.gather [hbm4b:s8+s23], $0x80, s21, s23, $0xb8;
	[tilespmem:$0x18A00] =	vst v63  }
0x2d: {  	_ = 	snop  }
0x2e: {  	[tilespmem:s25], [sflag:$0x2] =	stream.indirect.gather [hbm4b:s4+s23], $0x80, s20, s23, $0xb8;
	[tilespmem:$0x18A00] =	vst v63  }
0x2f: {  	_ =	swait.ge [sflag:s26], $0x2800  }
0x30: {  	[sflag:s26] =	ssyncset.done $0x0  }
0x31: {  	[sflag:s26] =	ssyncadd.s32 $0xFFFFD800  }
0x32: {  	_ =	swait.ge [sflag:s28], $0x2800  }
0x33: {  	[sflag:s28] =	ssyncset.done $0x0  }
0x34: {  	s30 =	simm.s32 $0x0;
	[sflag:s28] =	ssyncadd.s32 $0xFFFFD800  }
0x35: {  	v6 =	vld [tilespmem:s30+$0x16200]  }
0x36: {  	v11 =	vld [tilespmem:s30+$0x16210]  }
0x37: {  	v5 =	vld [tilespmem:s30+$0x16220]  }
0x38: {  	v4 =	vld [tilespmem:s30+$0x16230]  }
0x39: {  	v3 =	vld [tilespmem:s30+$0x16240]  }
0x3a: {  	v2 =	vld [tilespmem:s30+$0x16250]  }
0x3b: {  	v1 =	vld [tilespmem:s30+$0x16260]  }
0x3c: {  	v0 =	vld [tilespmem:s30+$0x16270]  }
0x3d: {  	v12 =	vld [tilespmem:s30+$0x13A00]  }
0x3e: {  	v13 =	vld [tilespmem:s30+$0x13A10]  }
0x3f: {  	v10 =	vld [tilespmem:s30+$0x13A20]  }
0x40: {  	v9 =	vld [tilespmem:s30+$0x13A30]  }
0x41: {  	v8 =	vld [tilespmem:s30+$0x13A40]  }
0x42: {  	v7 =	vld [tilespmem:s30+$0x13A50];
	v12 =	vadd.f32 v6, v12  }
0x43: {  	s31 =	simm.s32 $0x200;
	v11 =	vadd.f32 v11, v13;
	v6 =	vld [tilespmem:s30+$0x13A60]  }
.LBB2_3:
0x44: {  	s0 =	sshra.s32 s31, $0x2;
	p1 =	sne.s32 s31, $0x9E00;
	v12 =	vmax.f32 v12, $0.0e+00;
	v5 =	vadd.f32 v5, v10;
	v10 =	vld [tilespmem:s30+$0x13A70]  }
0x45: {  	v13 =	vld [tilespmem:s0+$0x16200];
	[tilespmem:s30+$0x13A00] =	vst v12;
	v11 =	vmax.f32 v11, $0.0e+00;
	v4 =	vadd.f32 v4, v9  }
0x46: {  	v14 =	vld [tilespmem:s0+$0x16210];
	[tilespmem:s30+$0x13A10] =	vst v11;
	v9 =	vmax.f32 v5, $0.0e+00;
	v3 =	vadd.f32 v3, v8  }
0x47: {  	v5 =	vld [tilespmem:s0+$0x16220];
	[tilespmem:s30+$0x13A20] =	vst v9;
	v8 =	vmax.f32 v4, $0.0e+00;
	v2 =	vadd.f32 v2, v7  }
0x48: {  	v4 =	vld [tilespmem:s0+$0x16230];
	[tilespmem:s30+$0x13A30] =	vst v8;
	v7 =	vmax.f32 v3, $0.0e+00;
	v1 =	vadd.f32 v1, v6  }
0x49: {  	v3 =	vld [tilespmem:s0+$0x16240];
	[tilespmem:s30+$0x13A40] =	vst v7;
	v6 =	vmax.f32 v2, $0.0e+00;
	v0 =	vadd.f32 v0, v10  }
0x4a: {  	v2 =	vld [tilespmem:s0+$0x16250];
	[tilespmem:s30+$0x13A50] =	vst v6;
	v6 =	vmax.f32 v1, $0.0e+00  }
0x4b: {  	v1 =	vld [tilespmem:s0+$0x16260];
	[tilespmem:s30+$0x13A60] =	vst v6;
	v6 =	vmax.f32 v0, $0.0e+00  }
0x4c: {  	v0 =	vld [tilespmem:s0+$0x16270];
	[tilespmem:s30+$0x13A70] =	vst v6;
	s30 =	smov.u32 s0  }
0x4d: {  	v6 =	vld [tilespmem:s30+$0x13A00]  }
0x4e: {  	v11 =	vld [tilespmem:s30+$0x13A10]  }
.Ltmp0:
0x4f: {  	v10 =	vld [tilespmem:s30+$0x13A20];
	(pc) =	sbr.rel @p1 .LBB2_3-.Ltmp0, $4  }
0x50: {  	v9 =	vld [tilespmem:s30+$0x13A30]  }
0x51: {  	v8 =	vld [tilespmem:s30+$0x13A40]  }
0x52: {  	v12 =	vadd.f32 v13, v6;
	v7 =	vld [tilespmem:s30+$0x13A50]  }
0x53: {  	s31 =	sadd.s32 $0x200, s31;
	v11 =	vadd.f32 v14, v11;
	v6 =	vld [tilespmem:s30+$0x13A60]  }
0x54: {  	v12 =	vmax.f32 v12, $0.0e+00;
	v5 =	vadd.f32 v5, v10;
	v63 =	vld [tilespmem:s30+$0x13A70]  }
0x55: {  	[tilespmem:s30+$0x13A00] =	vst v12;
	v11 =	vmax.f32 v11, $0.0e+00;
	v4 =	vadd.f32 v4, v9  }
0x56: {  	[tilespmem:s30+$0x13A10] =	vst v11;
	v5 =	vmax.f32 v5, $0.0e+00;
	v3 =	vadd.f32 v3, v8  }
0x57: {  	[tilespmem:s30+$0x13A20] =	vst v5;
	v4 =	vmax.f32 v4, $0.0e+00;
	v2 =	vadd.f32 v2, v7  }
0x58: {  	[tilespmem:s30+$0x13A30] =	vst v4;
	v3 =	vmax.f32 v3, $0.0e+00;
	v1 =	vadd.f32 v1, v6  }
0x59: {  	[tilespmem:s30+$0x13A40] =	vst v3;
	v2 =	vmax.f32 v2, $0.0e+00;
	v0 =	vadd.f32 v0, v63  }
0x5a: {  	s29 =	sadd.s32 $0x1, s29;
	[tilespmem:s30+$0x13A50] =	vst v2;
	v1 =	vmax.f32 v1, $0.0e+00  }
0x5b: {  	p1 =	sne.s32 s29, $0x7D;
	[tilespmem:s30+$0x13A60] =	vst v1;
	v0 =	vmax.f32 v0, $0.0e+00  }
.Ltmp1:
0x5c: {  	[tilespmem:s30+$0x13A70] =	vst v0;
	(pc) =	sbr.rel @p1 .LBB2_2-.Ltmp1, $4  }
0x5d: {  	[spmem:s1] =	stream.indirect.scatter.add.f32 [tilespmem:s24], [sflag:$0x3], $0x80, s22, s23, $0xb8;
	[tilespmem:$0x18A00] =	vst v63  }
0x5e: {  	_ =	swait.ge [sflag:s18], $0x2800  }
0x5f: {  	[sflag:s18] =	ssyncset.done $0x0  }
0x60: {  	[sflag:s18] =	ssyncadd.s32 $0xFFFFD800  }
0x61: {  	[bflag:$0x0] =	sbarrier.arrive $0xFFFF  }
0x62: {  	[hbm:s14], [sflag:s10] =	dma.local [spmem:s17], $0x2700  }
0x63: {  	s2 =	sadd.s32 $0x1, s2;
	_ =	swait.ge [sflag:s18], $0x2700  }
0x64: {  	p1 =	sne.s32 s2, s16;
	[sflag:s18] =	ssyncset.done $0x0  }
.Ltmp2:
0x65: {  	s0 =	simm.s32 @!p0 $0x3;
	[sflag:s18] =	ssyncadd.s32 $0xFFFFD900;
	(pc) =	sbr.rel @p1 .LBB2_1-.Ltmp2, $4  }
0x66: {  	[hbm:s15], [sflag:s10] =	dma.local @!p0 [spmem:s19], $0x100  }
0x67: {  	_ =	swait.ge @!p0 [sflag:s0], $0x100  }
0x68: {  	[sflag:s0] =	ssyncset.done @!p0 $0x0  }
0x69: {  	[sflag:s0] =	ssyncadd.s32 @!p0 $0xFFFFFF00  }
0x6a: {  	_ =	sfence.sel $0x180000  }
0x6b: {  	[bflag:$0x0] =	sbarrier.arrive $0xFFFF  }
0x6c: {  	_ =	strace $0x9000004D  }
0x6d: {  	s0 =	stileid.u32;
	[bflag:$0x2] =	sbarrier.arrive $0xFFFF  }
0x6e: {  	p0 =	sne.s32 s0, $0x0;
	s0 =	rddreg [dreg:$0x2]  }
0x6f: {  	s0 =	sadd.s32 @!p0 $0x100000, s0  }
0x70: {  	[sflag:s0] =	ssyncadd.tile.s32 @!p0 $0x1;
	_ =	shalt  }
.Lfunc_end2:
_tile_overlayer_lowered:
.L_overlay_start_2:
0x71: {  	(tag) =	ssettag $0x2  }
0x72: {  	s0 =	rddreg [dreg:$0x0];
	s2 =	stileid.u32  }
0x73: {  	s1 =	rddreg [dreg:$0x1];
	p0 =	sne.s32 s2, $0x0  }
0x74: {  	s3 =	rddreg [dreg:$0x2];
	[bflag:$0x3] =	sbarrier.arrive $0xFFFF;
	s2 =	simm.s32 @!p0 $0x1C03  }
0x75: {  	[timem:s3], [sflag:s2] =	dma.local @!p0 [hbm:s0], s1  }
0x76: {  	s0 =	simm.s32 @!p0 $0x3  }
0x77: {  	_ =	swait.ge @!p0 [sflag:s0], s1  }
0x78: {  	s1 =	ssub.s32 @!p0 $0x0, s1;
	[sflag:s0] =	ssyncset.done @!p0 $0x0  }
0x79: {  	[sflag:s0] =	ssyncadd.s32 @!p0 s1  }
0x7a: {  	[bflag:$0x3] =	sbarrier.arrive $0xFFFF  }
0x7b: {  	_ =	shalt  }

// kernel: kernel.22.cloned.1.call-start
scs
__scs_entry_jumppad:
0x0: {  	(pc) =	sbr.rel $0x88, $3  }
0x1: {  	(tag) =	ssettag $0x0;
	lr =	simm.s32 $0x1  }
0x2: {  	[smem:$0x3F85] =	sst lr;
	_ =	strace $0xD0000000  }
0x3: {  	_ = 	snop  }
0x4: {  	_ = 	snop  }
0x5: {  	_ = 	snop  }
0x6: {  	_ = 	snop  }
0x7: {  	_ = 	snop  }
__scs_overlays_trampoline_lowered:
0x8: {  	[smem:$0x3F94] =	sst s0  }
0x9: {  	[smem:$0x3F95] =	sst s1  }
0xa: {  	[smem:$0x3F96] =	sst s2  }
0xb: {  	[smem:$0x3F97] =	sst s3  }
0xc: {  	[smem:$0x3F98] =	sst s4  }
0xd: {  	[smem:$0x3F99] =	sst s5  }
0xe: {  	[smem:$0x3F9A] =	sst s6  }
0xf: {  	[smem:$0x3F9B] =	sst s7  }
0x10: {  	[smem:$0x3F9C] =	sst s8  }
0x11: {  	[smem:$0x3F9D] =	sst s9;
	s0 =	simm.s32 @!p0 $0x0  }
0x12: {  	s1 =	sld [smem:$0x3F83];
	s0 =	simm.s32 @p0 $0x1  }
0x13: {  	[smem:$0x3F9E] =	sst s0;
	s0 =	simm.s32 @!p1 $0x0  }
0x14: {  	s2 =	sld [smem:$0x3F82];
	s0 =	simm.s32 @p1 $0x1  }
0x15: {  	[smem:$0x3F9F] =	sst s0;
	s0 =	simm.s32 @!p2 $0x0  }
0x16: {  	s3 =	sld [smem:$0x3FDB];
	s0 =	simm.s32 @p2 $0x1  }
0x17: {  	s4 =	simm.s32 $0x1BF5;
	[smem:$0x3FA1] =	sst s0  }
0x18: {  	s0 =	sld [smem:$0x3F84];
	_ =	swait.ge [sflag:s4], $0x0  }
0x19: {  	s7 =	sld [smem:$0x3F85]  }
0x1a: {  	s8 =	sadd.s32 $0xFFFFE003, lr  }
0x1b: {  	s9 =	sadd.s32 $0xFFFFFEF7, lr;
	s5 =	simm.s32 $0xFFFFFFFF;
	p2 =	slt.u32 s8, $0xFFFFF086  }
0x1c: {  	p1 =	slt.u32 s9, $0xF7A;
	s5 =	simm.s32 @!p2 $0x0  }
0x1d: {  	s5 =	simm.s32 @p1 $0x1;
	p0 =	seq.s32 s7, s2  }
0x1e: {  	s7 =	smul.u32 @!p0 $0xF7A, s2;
	p2 =	seq.s32 @!p0 s5, $0x0  }
0x1f: {  	s9 =	smul.u32 $0xF7A, s1;
	s8 =	simm.s32 @!p0 $0x1BF5;
	p2 =	por !p2, p0  }
0x20: {  	[sflag:s8] =	ssyncset.s32 @!p0 $0xFFFFF086;
	s6 =	sadd.s32 @!p0 s3, s7;
	s7 =	simm.s32 @!p0 $0x108  }
0x21: {  	s3 =	sadd.s32 s3, s9;
	s6 =	sadd.s32 @!p0 $0x88, s6;
	s7 =	simm.s32 @p2 $0x1082  }
0x22: {  	[simem:s7], [sflag:s8] =	dma.local @!p0 [hbm:s6], $0xF7A  }
0x23: {  	s9 =	sor.u32 $0xD0000000, s2;
	s6 =	simm.s32 $0x108;
	_ =	swait.ge @!p0 [sflag:s8], $0x0  }
0x24: {  	s3 =	sadd.s32 $0x88, s3;
	s6 =	simm.s32 @!p1 $0x1082;
	[sflag:s4] =	ssyncset.s32 $0xFFFFF086  }
0x25: {  	[simem:s6], [sflag:s4] =	dma.local [hbm:s3], $0xF7A  }
0x26: {  	[smem:$0x3F85] =	sst s1;
	(tag) =	ssettag s2;
	_ =	strace s9  }
0x27: {  	s1 =	sld [smem:$0x3F95]  }
0x28: {  	s2 =	sld [smem:$0x3F96]  }
0x29: {  	s4 =	sld [smem:$0x3F98]  }
0x2a: {  	p0 =	seq.s32 s5, $0x0;
	s5 =	sld [smem:$0x3F99]  }
0x2b: {  	s6 =	sld [smem:$0x3F9A]  }
0x2c: {  	s7 =	sld [smem:$0x3F9B]  }
0x2d: {  	s3 =	simm.s32 $0x108;
	s8 =	sld [smem:$0x3F9C]  }
0x2e: {  	s3 =	simm.s32 @!p0 $0x1082;
	s9 =	sld [smem:$0x3F9D]  }
0x2f: {  	lr =	sadd.s32 s0, s3;
	s0 =	sld [smem:$0x3F94]  }
0x30: {  	s3 =	sld [smem:$0x3F97]  }
0x31: {  	[smem:$0x3FA0] =	sst s10  }
0x32: {  	s10 =	sld [smem:$0x3F9E];
	_ =	sdelay $0x3  }
0x33: {  	p0 =	seq.s32 s10, $0x1;
	s10 =	sld [smem:$0x3FA0];
	_ =	sdelay $0x3  }
0x34: {  	[smem:$0x3FA0] =	sst s10  }
0x35: {  	s10 =	sld [smem:$0x3F9F];
	_ =	sdelay $0x3  }
0x36: {  	p1 =	seq.s32 s10, $0x1;
	s10 =	sld [smem:$0x3FA0];
	_ =	sdelay $0x3  }
0x37: {  	[smem:$0x3FA0] =	sst s10  }
0x38: {  	s10 =	sld [smem:$0x3FA1]  }
0x39: {  	_ = 	snop;
	(pc) =	sbr.ind lr, $3  }
0x3a: {  	_ = 	snop  }
0x3b: {  	_ = 	snop  }
0x3c: {  	p2 =	seq.s32 s10, $0x1;
	s10 =	sld [smem:$0x3FA0]  }
0x3d: {  	_ =	shalt  }
0x3e: {  	_ =	shalt  }
0x3f: {  	_ =	shalt  }
0x40: {  	_ =	shalt  }
0x41: {  	_ =	shalt  }
0x42: {  	_ =	shalt  }
0x43: {  	_ =	shalt  }
0x44: {  	_ =	shalt  }
0x45: {  	_ =	shalt  }
0x46: {  	_ =	shalt  }
0x47: {  	_ =	shalt  }
0x48: {  	_ =	shalt  }
0x49: {  	_ =	shalt  }
0x4a: {  	_ =	shalt  }
0x4b: {  	_ =	shalt  }
0x4c: {  	_ =	shalt  }
0x4d: {  	_ =	shalt  }
0x4e: {  	_ =	shalt  }
0x4f: {  	_ =	shalt  }
0x50: {  	_ =	shalt  }
0x51: {  	_ =	shalt  }
0x52: {  	_ =	shalt  }
0x53: {  	_ =	shalt  }
0x54: {  	_ =	shalt  }
0x55: {  	_ =	shalt  }
0x56: {  	_ =	shalt  }
0x57: {  	_ =	shalt  }
0x58: {  	_ =	shalt  }
0x59: {  	_ =	shalt  }
0x5a: {  	_ =	shalt  }
0x5b: {  	_ =	shalt  }
0x5c: {  	_ =	shalt  }
0x5d: {  	_ =	shalt  }
0x5e: {  	_ =	shalt  }
0x5f: {  	_ =	shalt  }
0x60: {  	_ =	shalt  }
0x61: {  	_ =	shalt  }
0x62: {  	_ =	shalt  }
0x63: {  	_ =	shalt  }
0x64: {  	_ =	shalt  }
0x65: {  	_ =	shalt  }
0x66: {  	_ =	shalt  }
0x67: {  	_ =	shalt  }
0x68: {  	_ =	shalt  }
0x69: {  	_ =	shalt  }
0x6a: {  	_ =	shalt  }
0x6b: {  	_ =	shalt  }
0x6c: {  	_ =	shalt  }
0x6d: {  	_ =	shalt  }
0x6e: {  	_ =	shalt  }
0x6f: {  	_ =	shalt  }
0x70: {  	_ =	shalt  }
0x71: {  	_ =	shalt  }
0x72: {  	_ =	shalt  }
0x73: {  	_ =	shalt  }
0x74: {  	_ =	shalt  }
0x75: {  	_ =	shalt  }
0x76: {  	_ =	shalt  }
0x77: {  	_ =	shalt  }
0x78: {  	_ =	shalt  }
0x79: {  	_ =	shalt  }
0x7a: {  	_ =	shalt  }
0x7b: {  	_ =	shalt  }
0x7c: {  	_ =	shalt  }
0x7d: {  	_ =	shalt  }
0x7e: {  	_ =	shalt  }
0x7f: {  	_ =	shalt  }
0x80: {  	_ =	shalt  }
0x81: {  	_ =	shalt  }
0x82: {  	_ =	shalt  }
0x83: {  	_ =	shalt  }
0x84: {  	_ =	shalt  }
0x85: {  	_ =	shalt  }
0x86: {  	_ =	shalt  }
0x87: {  	_ =	shalt  }
.Lfunc_end0:
.L_simem_size_0:
called_computation.3_lowered:
.L_overlay_start_0:
0x88: {  	s2 =	sld [smem:$0x3FD9]  }
0x89: {  	s3 =	sld [smem:$0x3FFE];
	_ =	sdelay $0x1  }
0x8a: {  	s1 =	srdreg.scid  }
0x8b: {  	s0 =	sand.u32 $0x1, s1  }
0x8c: {  	s16 =	sshll.u32 s0, $0xA;
	s2 =	sadd.s32 s3, s2  }
0x8d: {  	s2 =	sadd.s32 s2, s16  }
0x8e: {  	[smem:$0x3FAC] =	sst s2  }
0x8f: {  	_ = 	snop  }
0x90: {  	(tm) =	ssettm $0x1  }
0x91: {  	s17 =	sld [smem:$0x3FFB];
	_ =	sdelay $0x3  }
0x92: {  	_ =	strace s17  }
0x93: {  	s2 =	sld [smem:$0x3FFC];
	_ =	sdelay $0x3  }
0x94: {  	_ =	strace s2  }
0x95: {  	s2 =	sld [smem:$0x3FFD];
	_ =	sdelay $0x3  }
0x96: {  	_ =	strace s2  }
0x97: {  	_ =	strace $0x8FFFFFFF  }
0x98: {  	s18 =	sld [smem:$0x3FDB];
	_ =	sdelay $0x1  }
0x99: {  	s19 =	simm.s32 $_scs_section_size  }
0x9a: {  	s4 =	simm.s32 $_size__tile_overlayer_lowered;
	s5 =	simm.s32 $_tile_overlayer_lowered  }
0x9b: {  	s22 =	simm.s32 $0x1BFF;
	s21 =	sshll.u32 s5, $0x1;
	s2 =	sadd.s32 s19, s18  }
0x9c: {  	s6 =	simm.s32 $0x0;
	s20 =	sshll.u32 s4, $0x1;
	s4 =	sadd.s32 s21, s2  }
0x9d: {  	[timem:s6], [sflag:s22] =	dma.local [hbm:s4], s20  }
0x9e: {  	_ =	swait.ge [sflag:s22], s20  }
0x9f: {  	s3 =	ssub.s32 $0x0, s20;
	[sflag:s22] =	ssyncset.done $0x0  }
0xa0: {  	[sflag:s22] =	ssyncadd.s32 s3;
	_ =	sdelay $0x1  }
0xa1: {  	s23 =	simm.s32 $0x1B8B  }
0xa2: {  	_ =	swait.ge [sflag:s23], $0x1  }
0xa3: {  	[sflag:s23] =	ssyncset.done $0x0  }
0xa4: {  	s25 =	simm.s32 $0x1B8E;
	s24 =	sld [smem:$0x3FFE];
	[sflag:s23] =	ssyncadd.s32 $0xFFFFFFFF  }
0xa5: {  	s26 =	simm.s32 $execute0_lowered;
	[smem:$0x3FD2] =	sst s25  }
0xa6: {  	s4 =	sshll.u32 s26, $0x1;
	_ =	strace $0x8000004F;
	[dreg:$0x1] =	wrdreg $0xFFFFFFFF  }
0xa7: {  	s28 =	simm.s32 $_size_execute0_lowered;
	s2 =	sadd.s32 s2, s4;
	[dreg:$0x0] =	wrdreg $0x0  }
0xa8: {  	s4 =	sshll.u32 s28, $0x1;
	[dreg:$0x2] =	wrdreg s2  }
0xa9: {  	[dreg:$0x3] =	wrdreg s4  }
0xaa: {  	[dreg:$0x4] =	wrdreg $0xC0  }
0xab: {  	_ =	task [dreg:s6], $0x5FFFF  }
0xac: {  	[dreg:$0x1] =	wrdreg $0xFFFFFFFF  }
0xad: {  	[dreg:$0x0] =	wrdreg $0x60  }
0xae: {  	[dreg:$0x2] =	wrdreg s24  }
0xaf: {  	[dreg:$0x3] =	wrdreg $0x0  }
0xb0: {  	[dreg:$0x4] =	wrdreg $0x9  }
0xb1: {  	_ =	task.clear_ibuf [dreg:s6], $0x5FFFF;
	_ =	strace $0x9000004F  }
0xb2: {  	s29 =	simm.s32 $0x9;
	_ =	strace $0x80000051  }
0xb3: {  	_ =	swait.ge [sflag:s29], $0x1  }
0xb4: {  	[sflag:s29] =	ssyncadd.s32 $0xFFFFFFFF  }
0xb5: {  	_ =	strace $0x90000051  }
0xb6: {  	_ =	sfence  }
0xb7: {  	s30 =	sld [smem:$0x0];
	_ =	sdelay $0x2  }
0xb8: {  	s31 =	sshll.u32 s1, $0xD;
	s1 =	sshrl.u32 s1, $0x2  }
0xb9: {  	s3 =	sand.u32 $0x4000, s31;
	s1 =	sadd.s32 s1, s30  }
0xba: {  	s0 =	sor.u32 s3, s0;
	s1 =	sshll.u32 s1, $0x11  }
0xbb: {  	s0 =	sor.u32 s1, s0  }
0xbc: {  	s0 =	sadd.s32 $0x8F2B, s0  }
0xbd: {  	[sflag:s0] =	ssyncadd.remote.s32 $0x1  }
0xbe: {  	_ =	sfence.sel $0xFFFF  }
0xbf: {  	[dreg:$0x0] =	wrdreg $0xFFFFFFFF;
	(pc) =	sbr.abs _section_cstart, $3  }
0xc0: {  	[dreg:$0x1] =	wrdreg $0xFFFFFFFF  }
0xc1: {  	_ =	task.clear_ibuf [dreg:s6], $0x2FFFF;
	_ =	strace $0x9FFFFFFF  }
0xc2: {  	(tm) =	ssettm $0x7FFFFFFF  }
0xc3: {  	_ =	shalt  }
tec
execute0_lowered:
.L_overlay_start_1:
0x0: {  	(tag) =	ssettag $0x1  }
0x1: {  	s12 =	rddreg [dreg:$0x0]  }
0x2: {  	s1 =	rddreg [dreg:$0x1];
	s2 =	simm.s32 $0x0;
	s0 =	stileid.u32  }
0x3: {  	s7 =	srdreg.scid;
	s20 =	simm.s32 $0x13880;
	s21 =	simm.s32 $0x13900  }
0x4: {  	s22 =	simm.s32 $0x13980;
	s23 =	simm.s32 $0x50;
	s24 =	simm.s32 $0x13A00  }
0x5: {  	s25 =	simm.s32 $0x16200;
	s26 =	simm.s32 $0x1;
	s28 =	simm.s32 $0x2  }
0x6: {  	s3 =	simm.s32 $0x0;
	[smem:$0x7FF] =	sst s2;
	s4 =	sadd.s32 $0xBE800, s12  }
0x7: {  	s5 =	sadd.s32 $0xCE00, s12;
	s6 =	sadd.s32 $0x3F200, s12;
	s14 =	smul.u32 $0x2700, s0  }
0x8: {  	s11 =	sand.u32 $0x1, s7;
	s7 =	sadd.s32 $0x7E00, s12;
	s10 =	smul.u32 $0x4E000, s0  }
0x9: {  	s8 =	sadd.s32 $0x24200, s12;
	s16 =	sadd.s32 $0x49000, s12;
	s30 =	sshll.u32 s0, $0x6  }
0xa: {  	s19 =	sadd.s32 $0x138000, s1;
	p0 =	sne.s32 s0, $0xF;
	s31 =	smul.u32 $0x138800, s11  }
0xb: {  	_ =	strace $0x80000050;
	s9 =	ssub.s32 $0x2, s11;
	s11 =	smul.u32 $0x27100, s11  }
0xc: {  	s19 =	sshrl.u32 @!p0 s19, $0x3;
	s13 =	sadd.s32 s14, s12;
	s15 =	sshrl.u32 s9, $0x1  }
0xd: {  	s29 =	sshrl.u32 s10, $0x2;
	s10 =	sor.u32 $0x1C03, s30;
	s12 =	sadd.s32 $0xBE600, s12  }
0xe: {  	s17 =	ssub.s32 s9, s15;
	s18 =	sadd.s32 s29, s1;
	s9 =	sadd.s32 $0x97600, s13  }
0xf: {  	s15 =	sshrl.u32 s31, $0x3;
	s13 =	smul.u32 $0x2710, s0;
	s14 =	sadd.s32 s14, s11  }
0x10: {  	s15 =	sadd.s32 s16, s15;
	s14 =	sadd.s32 s16, s14;
	s16 =	smax.u32 s17, $0x1  }
0x11: {  	s17 =	sshrl.u32 s18, $0x3;
	s18 =	simm.s32 $0x3;
	s15 =	sadd.s32 $0x27000, s15  }
.LBB2_1:
0x12: {  	[spmem:s17], [sflag:s10] =	dma.local [hbm:s9], $0x2700  }
0x13: {  	_ =	swait.ge [sflag:s18], $0x2700  }
0x14: {  	[sflag:s18] =	ssyncset.done $0x0  }
0x15: {  	s29 =	simm.s32 @!p0 $0x3;
	[sflag:s18] =	ssyncadd.s32 $0xFFFFD900  }
0x16: {  	[spmem:s19], [sflag:s10] =	dma.local @!p0 [hbm:s12], $0x100  }
0x17: {  	_ =	swait.ge @!p0 [sflag:s29], $0x100  }
0x18: {  	[sflag:s29] =	ssyncset.done @!p0 $0x0  }
0x19: {  	[sflag:s29] =	ssyncadd.s32 @!p0 $0xFFFFFF00  }
0x1a: {  	s29 =	simm.s32 $0x0;
	[bflag:$0x0] =	sbarrier.arrive $0xFFFF  }
.LBB2_2:
0x1b: {  	s30 =	smul.u32 $0x50, s29;
	_ =	sdelay $0x1  }
0x1c: {  	s30 =	sadd.s32 s13, s30  }
0x1d: {  	s31 =	sadd.s32 s11, s30  }
0x1e: {  	s31 =	sshrl.u32 s31, $0x3  }
0x1f: {  	s0 =	sadd.s32 s5, s31  }
0x20: {  	[tilespmem:s20], [sflag:$0x3] =	stream.linear.gather [hbm4b:s0+s3], $0x50, $0x38;
	[tilespmem:$0x18A00] =	vst v63  }
0x21: {  	_ =	swait.ge [sflag:s18], $0x50  }
0x22: {  	[sflag:s18] =	ssyncset.done $0x0  }
0x23: {  	s0 =	sadd.s32 s6, s31;
	[sflag:s18] =	ssyncadd.s32 $0xFFFFFFB0  }
0x24: {  	[tilespmem:s21], [sflag:$0x3] =	stream.linear.gather [hbm4b:s0+s3], $0x50, $0x38;
	[tilespmem:$0x18A00] =	vst v63  }
0x25: {  	_ =	swait.ge [sflag:s18], $0x50  }
0x26: {  	s0 =	sshrl.u32 s30, $0x3;
	[sflag:s18] =	ssyncset.done $0x0  }
0x27: {  	s0 =	sadd.s32 s7, s0;
	[sflag:s18] =	ssyncadd.s32 $0xFFFFFFB0  }
0x28: {  	[tilespmem:s22], [sflag:$0x3] =	stream.linear.gather [hbm4b:s0+s3], $0x50, $0x38;
	[tilespmem:$0x18A00] =	vst v63  }
0x29: {  	_ =	swait.ge [sflag:s18], $0x50  }
0x2a: {  	[sflag:s18] =	ssyncset.done $0x0  }
0x2b: {  	[sflag:s18] =	ssyncadd.s32 $0xFFFFFFB0  }
0x2c: {  	[tilespmem:s24], [sflag:$0x1] =	stream.indirect.gather [hbm4b:s8+s23], $0x80, s21, s23, $0xb8;
	[tilespmem:$0x18A00] =	vst v63  }
0x2d: {  	_ = 	snop  }
0x2e: {  	[tilespmem:s25], [sflag:$0x2] =	stream.indirect.gather [hbm4b:s4+s23], $0x80, s20, s23, $0xb8;
	[tilespmem:$0x18A00] =	vst v63  }
0x2f: {  	_ =	swait.ge [sflag:s26], $0x2800  }
0x30: {  	[sflag:s26] =	ssyncset.done $0x0  }
0x31: {  	[sflag:s26] =	ssyncadd.s32 $0xFFFFD800  }
0x32: {  	_ =	swait.ge [sflag:s28], $0x2800  }
0x33: {  	[sflag:s28] =	ssyncset.done $0x0  }
0x34: {  	s30 =	simm.s32 $0x0;
	[sflag:s28] =	ssyncadd.s32 $0xFFFFD800  }
0x35: {  	v6 =	vld [tilespmem:s30+$0x16200]  }
0x36: {  	v11 =	vld [tilespmem:s30+$0x16210]  }
0x37: {  	v5 =	vld [tilespmem:s30+$0x16220]  }
0x38: {  	v4 =	vld [tilespmem:s30+$0x16230]  }
0x39: {  	v3 =	vld [tilespmem:s30+$0x16240]  }
0x3a: {  	v2 =	vld [tilespmem:s30+$0x16250]  }
0x3b: {  	v1 =	vld [tilespmem:s30+$0x16260]  }
0x3c: {  	v0 =	vld [tilespmem:s30+$0x16270]  }
0x3d: {  	v12 =	vld [tilespmem:s30+$0x13A00]  }
0x3e: {  	v13 =	vld [tilespmem:s30+$0x13A10]  }
0x3f: {  	v10 =	vld [tilespmem:s30+$0x13A20]  }
0x40: {  	v9 =	vld [tilespmem:s30+$0x13A30]  }
0x41: {  	v8 =	vld [tilespmem:s30+$0x13A40]  }
0x42: {  	v7 =	vld [tilespmem:s30+$0x13A50];
	v12 =	vadd.f32 v6, v12  }
0x43: {  	s31 =	simm.s32 $0x200;
	v11 =	vadd.f32 v11, v13;
	v6 =	vld [tilespmem:s30+$0x13A60]  }
.LBB2_3:
0x44: {  	s0 =	sshra.s32 s31, $0x2;
	p1 =	sne.s32 s31, $0x9E00;
	v12 =	vmax.f32 v12, $0.0e+00;
	v5 =	vadd.f32 v5, v10;
	v10 =	vld [tilespmem:s30+$0x13A70]  }
0x45: {  	v13 =	vld [tilespmem:s0+$0x16200];
	[tilespmem:s30+$0x13A00] =	vst v12;
	v11 =	vmax.f32 v11, $0.0e+00;
	v4 =	vadd.f32 v4, v9  }
0x46: {  	v14 =	vld [tilespmem:s0+$0x16210];
	[tilespmem:s30+$0x13A10] =	vst v11;
	v9 =	vmax.f32 v5, $0.0e+00;
	v3 =	vadd.f32 v3, v8  }
0x47: {  	v5 =	vld [tilespmem:s0+$0x16220];
	[tilespmem:s30+$0x13A20] =	vst v9;
	v8 =	vmax.f32 v4, $0.0e+00;
	v2 =	vadd.f32 v2, v7  }
0x48: {  	v4 =	vld [tilespmem:s0+$0x16230];
	[tilespmem:s30+$0x13A30] =	vst v8;
	v7 =	vmax.f32 v3, $0.0e+00;
	v1 =	vadd.f32 v1, v6  }
0x49: {  	v3 =	vld [tilespmem:s0+$0x16240];
	[tilespmem:s30+$0x13A40] =	vst v7;
	v6 =	vmax.f32 v2, $0.0e+00;
	v0 =	vadd.f32 v0, v10  }
0x4a: {  	v2 =	vld [tilespmem:s0+$0x16250];
	[tilespmem:s30+$0x13A50] =	vst v6;
	v6 =	vmax.f32 v1, $0.0e+00  }
0x4b: {  	v1 =	vld [tilespmem:s0+$0x16260];
	[tilespmem:s30+$0x13A60] =	vst v6;
	v6 =	vmax.f32 v0, $0.0e+00  }
0x4c: {  	v0 =	vld [tilespmem:s0+$0x16270];
	[tilespmem:s30+$0x13A70] =	vst v6;
	s30 =	smov.u32 s0  }
0x4d: {  	v6 =	vld [tilespmem:s30+$0x13A00]  }
0x4e: {  	v11 =	vld [tilespmem:s30+$0x13A10]  }
.Ltmp0:
0x4f: {  	v10 =	vld [tilespmem:s30+$0x13A20];
	(pc) =	sbr.rel @p1 .LBB2_3-.Ltmp0, $4  }
0x50: {  	v9 =	vld [tilespmem:s30+$0x13A30]  }
0x51: {  	v8 =	vld [tilespmem:s30+$0x13A40]  }
0x52: {  	v12 =	vadd.f32 v13, v6;
	v7 =	vld [tilespmem:s30+$0x13A50]  }
0x53: {  	s31 =	sadd.s32 $0x200, s31;
	v11 =	vadd.f32 v14, v11;
	v6 =	vld [tilespmem:s30+$0x13A60]  }
0x54: {  	v12 =	vmax.f32 v12, $0.0e+00;
	v5 =	vadd.f32 v5, v10;
	v63 =	vld [tilespmem:s30+$0x13A70]  }
0x55: {  	[tilespmem:s30+$0x13A00] =	vst v12;
	v11 =	vmax.f32 v11, $0.0e+00;
	v4 =	vadd.f32 v4, v9  }
0x56: {  	[tilespmem:s30+$0x13A10] =	vst v11;
	v5 =	vmax.f32 v5, $0.0e+00;
	v3 =	vadd.f32 v3, v8  }
0x57: {  	[tilespmem:s30+$0x13A20] =	vst v5;
	v4 =	vmax.f32 v4, $0.0e+00;
	v2 =	vadd.f32 v2, v7  }
0x58: {  	[tilespmem:s30+$0x13A30] =	vst v4;
	v3 =	vmax.f32 v3, $0.0e+00;
	v1 =	vadd.f32 v1, v6  }
0x59: {  	[tilespmem:s30+$0x13A40] =	vst v3;
	v2 =	vmax.f32 v2, $0.0e+00;
	v0 =	vadd.f32 v0, v63  }
0x5a: {  	s29 =	sadd.s32 $0x1, s29;
	[tilespmem:s30+$0x13A50] =	vst v2;
	v1 =	vmax.f32 v1, $0.0e+00  }
0x5b: {  	p1 =	sne.s32 s29, $0x7D;
	[tilespmem:s30+$0x13A60] =	vst v1;
	v0 =	vmax.f32 v0, $0.0e+00  }
.Ltmp1:
0x5c: {  	[tilespmem:s30+$0x13A70] =	vst v0;
	(pc) =	sbr.rel @p1 .LBB2_2-.Ltmp1, $4  }
0x5d: {  	[spmem:s1] =	stream.indirect.scatter.add.f32 [tilespmem:s24], [sflag:$0x3], $0x80, s22, s23, $0xb8;
	[tilespmem:$0x18A00] =	vst v63  }
0x5e: {  	_ =	swait.ge [sflag:s18], $0x2800  }
0x5f: {  	[sflag:s18] =	ssyncset.done $0x0  }
0x60: {  	[sflag:s18] =	ssyncadd.s32 $0xFFFFD800  }
0x61: {  	[bflag:$0x0] =	sbarrier.arrive $0xFFFF  }
0x62: {  	[hbm:s14], [sflag:s10] =	dma.local [spmem:s17], $0x2700  }
0x63: {  	s2 =	sadd.s32 $0x1, s2;
	_ =	swait.ge [sflag:s18], $0x2700  }
0x64: {  	p1 =	sne.s32 s2, s16;
	[sflag:s18] =	ssyncset.done $0x0  }
.Ltmp2:
0x65: {  	s0 =	simm.s32 @!p0 $0x3;
	[sflag:s18] =	ssyncadd.s32 $0xFFFFD900;
	(pc) =	sbr.rel @p1 .LBB2_1-.Ltmp2, $4  }
0x66: {  	[hbm:s15], [sflag:s10] =	dma.local @!p0 [spmem:s19], $0x100  }
0x67: {  	_ =	swait.ge @!p0 [sflag:s0], $0x100  }
0x68: {  	[sflag:s0] =	ssyncset.done @!p0 $0x0  }
0x69: {  	[sflag:s0] =	ssyncadd.s32 @!p0 $0xFFFFFF00  }
0x6a: {  	_ =	sfence.sel $0x180000  }
0x6b: {  	[bflag:$0x0] =	sbarrier.arrive $0xFFFF  }
0x6c: {  	_ =	strace $0x90000050  }
0x6d: {  	s0 =	stileid.u32;
	[bflag:$0x2] =	sbarrier.arrive $0xFFFF  }
0x6e: {  	p0 =	sne.s32 s0, $0x0;
	s0 =	rddreg [dreg:$0x2]  }
0x6f: {  	s0 =	sadd.s32 @!p0 $0x100000, s0  }
0x70: {  	[sflag:s0] =	ssyncadd.tile.s32 @!p0 $0x1;
	_ =	shalt  }
.Lfunc_end2:
_tile_overlayer_lowered:
.L_overlay_start_2:
0x71: {  	(tag) =	ssettag $0x2  }
0x72: {  	s0 =	rddreg [dreg:$0x0];
	s2 =	stileid.u32  }
0x73: {  	s1 =	rddreg [dreg:$0x1];
	p0 =	sne.s32 s2, $0x0  }
0x74: {  	s3 =	rddreg [dreg:$0x2];
	[bflag:$0x3] =	sbarrier.arrive $0xFFFF;
	s2 =	simm.s32 @!p0 $0x1C03  }
0x75: {  	[timem:s3], [sflag:s2] =	dma.local @!p0 [hbm:s0], s1  }
0x76: {  	s0 =	simm.s32 @!p0 $0x3  }
0x77: {  	_ =	swait.ge @!p0 [sflag:s0], s1  }
0x78: {  	s1 =	ssub.s32 @!p0 $0x0, s1;
	[sflag:s0] =	ssyncset.done @!p0 $0x0  }
0x79: {  	[sflag:s0] =	ssyncadd.s32 @!p0 s1  }
0x7a: {  	[bflag:$0x3] =	sbarrier.arrive $0xFFFF  }
0x7b: {  	_ =	shalt  }

// kernel: kernel.25.cloned.1.call-start
scs
__scs_entry_jumppad:
0x0: {  	(pc) =	sbr.rel $0x88, $3  }
0x1: {  	(tag) =	ssettag $0x0;
	lr =	simm.s32 $0x1  }
0x2: {  	[smem:$0x3F85] =	sst lr;
	_ =	strace $0xD0000000  }
0x3: {  	_ = 	snop  }
0x4: {  	_ = 	snop  }
0x5: {  	_ = 	snop  }
0x6: {  	_ = 	snop  }
0x7: {  	_ = 	snop  }
__scs_overlays_trampoline_lowered:
0x8: {  	[smem:$0x3F94] =	sst s0  }
0x9: {  	[smem:$0x3F95] =	sst s1  }
0xa: {  	[smem:$0x3F96] =	sst s2  }
0xb: {  	[smem:$0x3F97] =	sst s3  }
0xc: {  	[smem:$0x3F98] =	sst s4  }
0xd: {  	[smem:$0x3F99] =	sst s5  }
0xe: {  	[smem:$0x3F9A] =	sst s6  }
0xf: {  	[smem:$0x3F9B] =	sst s7  }
0x10: {  	[smem:$0x3F9C] =	sst s8  }
0x11: {  	[smem:$0x3F9D] =	sst s9;
	s0 =	simm.s32 @!p0 $0x0  }
0x12: {  	s1 =	sld [smem:$0x3F83];
	s0 =	simm.s32 @p0 $0x1  }
0x13: {  	[smem:$0x3F9E] =	sst s0;
	s0 =	simm.s32 @!p1 $0x0  }
0x14: {  	s2 =	sld [smem:$0x3F82];
	s0 =	simm.s32 @p1 $0x1  }
0x15: {  	[smem:$0x3F9F] =	sst s0;
	s0 =	simm.s32 @!p2 $0x0  }
0x16: {  	s3 =	sld [smem:$0x3FDB];
	s0 =	simm.s32 @p2 $0x1  }
0x17: {  	s4 =	simm.s32 $0x1BF5;
	[smem:$0x3FA1] =	sst s0  }
0x18: {  	s0 =	sld [smem:$0x3F84];
	_ =	swait.ge [sflag:s4], $0x0  }
0x19: {  	s7 =	sld [smem:$0x3F85]  }
0x1a: {  	s8 =	sadd.s32 $0xFFFFE003, lr  }
0x1b: {  	s9 =	sadd.s32 $0xFFFFFEF7, lr;
	s5 =	simm.s32 $0xFFFFFFFF;
	p2 =	slt.u32 s8, $0xFFFFF086  }
0x1c: {  	p1 =	slt.u32 s9, $0xF7A;
	s5 =	simm.s32 @!p2 $0x0  }
0x1d: {  	s5 =	simm.s32 @p1 $0x1;
	p0 =	seq.s32 s7, s2  }
0x1e: {  	s7 =	smul.u32 @!p0 $0xF7A, s2;
	p2 =	seq.s32 @!p0 s5, $0x0  }
0x1f: {  	s9 =	smul.u32 $0xF7A, s1;
	s8 =	simm.s32 @!p0 $0x1BF5;
	p2 =	por !p2, p0  }
0x20: {  	[sflag:s8] =	ssyncset.s32 @!p0 $0xFFFFF086;
	s6 =	sadd.s32 @!p0 s3, s7;
	s7 =	simm.s32 @!p0 $0x108  }
0x21: {  	s3 =	sadd.s32 s3, s9;
	s6 =	sadd.s32 @!p0 $0x88, s6;
	s7 =	simm.s32 @p2 $0x1082  }
0x22: {  	[simem:s7], [sflag:s8] =	dma.local @!p0 [hbm:s6], $0xF7A  }
0x23: {  	s9 =	sor.u32 $0xD0000000, s2;
	s6 =	simm.s32 $0x108;
	_ =	swait.ge @!p0 [sflag:s8], $0x0  }
0x24: {  	s3 =	sadd.s32 $0x88, s3;
	s6 =	simm.s32 @!p1 $0x1082;
	[sflag:s4] =	ssyncset.s32 $0xFFFFF086  }
0x25: {  	[simem:s6], [sflag:s4] =	dma.local [hbm:s3], $0xF7A  }
0x26: {  	[smem:$0x3F85] =	sst s1;
	(tag) =	ssettag s2;
	_ =	strace s9  }
0x27: {  	s1 =	sld [smem:$0x3F95]  }
0x28: {  	s2 =	sld [smem:$0x3F96]  }
0x29: {  	s4 =	sld [smem:$0x3F98]  }
0x2a: {  	p0 =	seq.s32 s5, $0x0;
	s5 =	sld [smem:$0x3F99]  }
0x2b: {  	s6 =	sld [smem:$0x3F9A]  }
0x2c: {  	s7 =	sld [smem:$0x3F9B]  }
0x2d: {  	s3 =	simm.s32 $0x108;
	s8 =	sld [smem:$0x3F9C]  }
0x2e: {  	s3 =	simm.s32 @!p0 $0x1082;
	s9 =	sld [smem:$0x3F9D]  }
0x2f: {  	lr =	sadd.s32 s0, s3;
	s0 =	sld [smem:$0x3F94]  }
0x30: {  	s3 =	sld [smem:$0x3F97]  }
0x31: {  	[smem:$0x3FA0] =	sst s10  }
0x32: {  	s10 =	sld [smem:$0x3F9E];
	_ =	sdelay $0x3  }
0x33: {  	p0 =	seq.s32 s10, $0x1;
	s10 =	sld [smem:$0x3FA0];
	_ =	sdelay $0x3  }
0x34: {  	[smem:$0x3FA0] =	sst s10  }
0x35: {  	s10 =	sld [smem:$0x3F9F];
	_ =	sdelay $0x3  }
0x36: {  	p1 =	seq.s32 s10, $0x1;
	s10 =	sld [smem:$0x3FA0];
	_ =	sdelay $0x3  }
0x37: {  	[smem:$0x3FA0] =	sst s10  }
0x38: {  	s10 =	sld [smem:$0x3FA1]  }
0x39: {  	_ = 	snop;
	(pc) =	sbr.ind lr, $3  }
0x3a: {  	_ = 	snop  }
0x3b: {  	_ = 	snop  }
0x3c: {  	p2 =	seq.s32 s10, $0x1;
	s10 =	sld [smem:$0x3FA0]  }
0x3d: {  	_ =	shalt  }
0x3e: {  	_ =	shalt  }
0x3f: {  	_ =	shalt  }
0x40: {  	_ =	shalt  }
0x41: {  	_ =	shalt  }
0x42: {  	_ =	shalt  }
0x43: {  	_ =	shalt  }
0x44: {  	_ =	shalt  }
0x45: {  	_ =	shalt  }
0x46: {  	_ =	shalt  }
0x47: {  	_ =	shalt  }
0x48: {  	_ =	shalt  }
0x49: {  	_ =	shalt  }
0x4a: {  	_ =	shalt  }
0x4b: {  	_ =	shalt  }
0x4c: {  	_ =	shalt  }
0x4d: {  	_ =	shalt  }
0x4e: {  	_ =	shalt  }
0x4f: {  	_ =	shalt  }
0x50: {  	_ =	shalt  }
0x51: {  	_ =	shalt  }
0x52: {  	_ =	shalt  }
0x53: {  	_ =	shalt  }
0x54: {  	_ =	shalt  }
0x55: {  	_ =	shalt  }
0x56: {  	_ =	shalt  }
0x57: {  	_ =	shalt  }
0x58: {  	_ =	shalt  }
0x59: {  	_ =	shalt  }
0x5a: {  	_ =	shalt  }
0x5b: {  	_ =	shalt  }
0x5c: {  	_ =	shalt  }
0x5d: {  	_ =	shalt  }
0x5e: {  	_ =	shalt  }
0x5f: {  	_ =	shalt  }
0x60: {  	_ =	shalt  }
0x61: {  	_ =	shalt  }
0x62: {  	_ =	shalt  }
0x63: {  	_ =	shalt  }
0x64: {  	_ =	shalt  }
0x65: {  	_ =	shalt  }
0x66: {  	_ =	shalt  }
0x67: {  	_ =	shalt  }
0x68: {  	_ =	shalt  }
0x69: {  	_ =	shalt  }
0x6a: {  	_ =	shalt  }
0x6b: {  	_ =	shalt  }
0x6c: {  	_ =	shalt  }
0x6d: {  	_ =	shalt  }
0x6e: {  	_ =	shalt  }
0x6f: {  	_ =	shalt  }
0x70: {  	_ =	shalt  }
0x71: {  	_ =	shalt  }
0x72: {  	_ =	shalt  }
0x73: {  	_ =	shalt  }
0x74: {  	_ =	shalt  }
0x75: {  	_ =	shalt  }
0x76: {  	_ =	shalt  }
0x77: {  	_ =	shalt  }
0x78: {  	_ =	shalt  }
0x79: {  	_ =	shalt  }
0x7a: {  	_ =	shalt  }
0x7b: {  	_ =	shalt  }
0x7c: {  	_ =	shalt  }
0x7d: {  	_ =	shalt  }
0x7e: {  	_ =	shalt  }
0x7f: {  	_ =	shalt  }
0x80: {  	_ =	shalt  }
0x81: {  	_ =	shalt  }
0x82: {  	_ =	shalt  }
0x83: {  	_ =	shalt  }
0x84: {  	_ =	shalt  }
0x85: {  	_ =	shalt  }
0x86: {  	_ =	shalt  }
0x87: {  	_ =	shalt  }
.Lfunc_end0:
.L_simem_size_0:
called_computation.4_lowered:
.L_overlay_start_0:
0x88: {  	s2 =	sld [smem:$0x3FD9]  }
0x89: {  	s3 =	sld [smem:$0x3FFE];
	_ =	sdelay $0x1  }
0x8a: {  	s1 =	srdreg.scid  }
0x8b: {  	s0 =	sand.u32 $0x1, s1  }
0x8c: {  	s16 =	sshll.u32 s0, $0xA;
	s2 =	sadd.s32 s3, s2  }
0x8d: {  	s2 =	sadd.s32 s2, s16  }
0x8e: {  	[smem:$0x3FAC] =	sst s2  }
0x8f: {  	_ = 	snop  }
0x90: {  	(tm) =	ssettm $0x1  }
0x91: {  	s17 =	sld [smem:$0x3FFB];
	_ =	sdelay $0x3  }
0x92: {  	_ =	strace s17  }
0x93: {  	s2 =	sld [smem:$0x3FFC];
	_ =	sdelay $0x3  }
0x94: {  	_ =	strace s2  }
0x95: {  	s2 =	sld [smem:$0x3FFD];
	_ =	sdelay $0x3  }
0x96: {  	_ =	strace s2  }
0x97: {  	_ =	strace $0x8FFFFFFF  }
0x98: {  	s18 =	sld [smem:$0x3FDB];
	_ =	sdelay $0x1  }
0x99: {  	s19 =	simm.s32 $_scs_section_size  }
0x9a: {  	s4 =	simm.s32 $_size__tile_overlayer_lowered;
	s5 =	simm.s32 $_tile_overlayer_lowered  }
0x9b: {  	s22 =	simm.s32 $0x1BFF;
	s21 =	sshll.u32 s5, $0x1;
	s2 =	sadd.s32 s19, s18  }
0x9c: {  	s6 =	simm.s32 $0x0;
	s20 =	sshll.u32 s4, $0x1;
	s4 =	sadd.s32 s21, s2  }
0x9d: {  	[timem:s6], [sflag:s22] =	dma.local [hbm:s4], s20  }
0x9e: {  	_ =	swait.ge [sflag:s22], s20  }
0x9f: {  	s3 =	ssub.s32 $0x0, s20;
	[sflag:s22] =	ssyncset.done $0x0  }
0xa0: {  	[sflag:s22] =	ssyncadd.s32 s3;
	_ =	sdelay $0x1  }
0xa1: {  	s23 =	simm.s32 $0x1B8B  }
0xa2: {  	_ =	swait.ge [sflag:s23], $0x1  }
0xa3: {  	[sflag:s23] =	ssyncset.done $0x0  }
0xa4: {  	s25 =	simm.s32 $0x1B8E;
	s24 =	sld [smem:$0x3FFE];
	[sflag:s23] =	ssyncadd.s32 $0xFFFFFFFF  }
0xa5: {  	s26 =	simm.s32 $execute0_lowered;
	[smem:$0x3FD2] =	sst s25  }
0xa6: {  	s4 =	sshll.u32 s26, $0x1;
	_ =	strace $0x80000052;
	[dreg:$0x1] =	wrdreg $0xFFFFFFFF  }
0xa7: {  	s28 =	simm.s32 $_size_execute0_lowered;
	s2 =	sadd.s32 s2, s4;
	[dreg:$0x0] =	wrdreg $0x0  }
0xa8: {  	s4 =	sshll.u32 s28, $0x1;
	[dreg:$0x2] =	wrdreg s2  }
0xa9: {  	[dreg:$0x3] =	wrdreg s4  }
0xaa: {  	[dreg:$0x4] =	wrdreg $0xC0  }
0xab: {  	_ =	task [dreg:s6], $0x5FFFF  }
0xac: {  	[dreg:$0x1] =	wrdreg $0xFFFFFFFF  }
0xad: {  	[dreg:$0x0] =	wrdreg $0x60  }
0xae: {  	[dreg:$0x2] =	wrdreg s24  }
0xaf: {  	[dreg:$0x3] =	wrdreg $0x0  }
0xb0: {  	[dreg:$0x4] =	wrdreg $0x9  }
0xb1: {  	_ =	task.clear_ibuf [dreg:s6], $0x5FFFF;
	_ =	strace $0x90000052  }
0xb2: {  	s29 =	simm.s32 $0x9;
	_ =	strace $0x80000054  }
0xb3: {  	_ =	swait.ge [sflag:s29], $0x1  }
0xb4: {  	[sflag:s29] =	ssyncadd.s32 $0xFFFFFFFF  }
0xb5: {  	_ =	strace $0x90000054  }
0xb6: {  	_ =	sfence  }
0xb7: {  	s30 =	sld [smem:$0x0];
	_ =	sdelay $0x2  }
0xb8: {  	s31 =	sshll.u32 s1, $0xD;
	s1 =	sshrl.u32 s1, $0x2  }
0xb9: {  	s3 =	sand.u32 $0x4000, s31;
	s1 =	sadd.s32 s1, s30  }
0xba: {  	s0 =	sor.u32 s3, s0;
	s1 =	sshll.u32 s1, $0x11  }
0xbb: {  	s0 =	sor.u32 s1, s0  }
0xbc: {  	s0 =	sadd.s32 $0x8F2B, s0  }
0xbd: {  	[sflag:s0] =	ssyncadd.remote.s32 $0x1  }
0xbe: {  	_ =	sfence.sel $0xFFFF  }
0xbf: {  	[dreg:$0x0] =	wrdreg $0xFFFFFFFF;
	(pc) =	sbr.abs _section_cstart, $3  }
0xc0: {  	[dreg:$0x1] =	wrdreg $0xFFFFFFFF  }
0xc1: {  	_ =	task.clear_ibuf [dreg:s6], $0x2FFFF;
	_ =	strace $0x9FFFFFFF  }
0xc2: {  	(tm) =	ssettm $0x7FFFFFFF  }
0xc3: {  	_ =	shalt  }
tec
execute0_lowered:
.L_overlay_start_1:
0x0: {  	(tag) =	ssettag $0x1  }
0x1: {  	s12 =	rddreg [dreg:$0x0]  }
0x2: {  	s1 =	rddreg [dreg:$0x1];
	s2 =	simm.s32 $0x0;
	s0 =	stileid.u32  }
0x3: {  	s7 =	srdreg.scid;
	s20 =	simm.s32 $0x13880;
	s21 =	simm.s32 $0x13900  }
0x4: {  	s22 =	simm.s32 $0x13980;
	s23 =	simm.s32 $0x50;
	s24 =	simm.s32 $0x13A00  }
0x5: {  	s25 =	simm.s32 $0x16200;
	s26 =	simm.s32 $0x1;
	s28 =	simm.s32 $0x2  }
0x6: {  	s3 =	simm.s32 $0x0;
	[smem:$0x7FF] =	sst s2;
	s4 =	sadd.s32 $0x49000, s12  }
0x7: {  	s5 =	sadd.s32 $0xCE00, s12;
	s6 =	sadd.s32 $0x3F200, s12;
	s14 =	smul.u32 $0x2700, s0  }
0x8: {  	s11 =	sand.u32 $0x1, s7;
	s7 =	sadd.s32 $0x7E00, s12;
	s10 =	smul.u32 $0x4E000, s0  }
0x9: {  	s8 =	sadd.s32 $0x26200, s12;
	s16 =	sadd.s32 $0xBE800, s12;
	s30 =	sshll.u32 s0, $0x6  }
0xa: {  	s19 =	sadd.s32 $0x138000, s1;
	p0 =	sne.s32 s0, $0xF;
	s31 =	smul.u32 $0x138800, s11  }
0xb: {  	_ =	strace $0x80000053;
	s9 =	ssub.s32 $0x2, s11;
	s11 =	smul.u32 $0x27100, s11  }
0xc: {  	s19 =	sshrl.u32 @!p0 s19, $0x3;
	s13 =	sadd.s32 s14, s12;
	s15 =	sshrl.u32 s9, $0x1  }
0xd: {  	s29 =	sshrl.u32 s10, $0x2;
	s10 =	sor.u32 $0x1C03, s30;
	s12 =	sadd.s32 $0xBE600, s12  }
0xe: {  	s17 =	ssub.s32 s9, s15;
	s18 =	sadd.s32 s29, s1;
	s9 =	sadd.s32 $0x97600, s13  }
0xf: {  	s15 =	sshrl.u32 s31, $0x3;
	s13 =	smul.u32 $0x2710, s0;
	s14 =	sadd.s32 s14, s11  }
0x10: {  	s15 =	sadd.s32 s16, s15;
	s14 =	sadd.s32 s16, s14;
	s16 =	smax.u32 s17, $0x1  }
0x11: {  	s17 =	sshrl.u32 s18, $0x3;
	s18 =	simm.s32 $0x3;
	s15 =	sadd.s32 $0x27000, s15  }
.LBB2_1:
0x12: {  	[spmem:s17], [sflag:s10] =	dma.local [hbm:s9], $0x2700  }
0x13: {  	_ =	swait.ge [sflag:s18], $0x2700  }
0x14: {  	[sflag:s18] =	ssyncset.done $0x0  }
0x15: {  	s29 =	simm.s32 @!p0 $0x3;
	[sflag:s18] =	ssyncadd.s32 $0xFFFFD900  }
0x16: {  	[spmem:s19], [sflag:s10] =	dma.local @!p0 [hbm:s12], $0x100  }
0x17: {  	_ =	swait.ge @!p0 [sflag:s29], $0x100  }
0x18: {  	[sflag:s29] =	ssyncset.done @!p0 $0x0  }
0x19: {  	[sflag:s29] =	ssyncadd.s32 @!p0 $0xFFFFFF00  }
0x1a: {  	s29 =	simm.s32 $0x0;
	[bflag:$0x0] =	sbarrier.arrive $0xFFFF  }
.LBB2_2:
0x1b: {  	s30 =	smul.u32 $0x50, s29;
	_ =	sdelay $0x1  }
0x1c: {  	s30 =	sadd.s32 s13, s30  }
0x1d: {  	s31 =	sadd.s32 s11, s30  }
0x1e: {  	s31 =	sshrl.u32 s31, $0x3  }
0x1f: {  	s0 =	sadd.s32 s5, s31  }
0x20: {  	[tilespmem:s20], [sflag:$0x3] =	stream.linear.gather [hbm4b:s0+s3], $0x50, $0x38;
	[tilespmem:$0x18A00] =	vst v63  }
0x21: {  	_ =	swait.ge [sflag:s18], $0x50  }
0x22: {  	[sflag:s18] =	ssyncset.done $0x0  }
0x23: {  	s0 =	sadd.s32 s6, s31;
	[sflag:s18] =	ssyncadd.s32 $0xFFFFFFB0  }
0x24: {  	[tilespmem:s21], [sflag:$0x3] =	stream.linear.gather [hbm4b:s0+s3], $0x50, $0x38;
	[tilespmem:$0x18A00] =	vst v63  }
0x25: {  	_ =	swait.ge [sflag:s18], $0x50  }
0x26: {  	s0 =	sshrl.u32 s30, $0x3;
	[sflag:s18] =	ssyncset.done $0x0  }
0x27: {  	s0 =	sadd.s32 s7, s0;
	[sflag:s18] =	ssyncadd.s32 $0xFFFFFFB0  }
0x28: {  	[tilespmem:s22], [sflag:$0x3] =	stream.linear.gather [hbm4b:s0+s3], $0x50, $0x38;
	[tilespmem:$0x18A00] =	vst v63  }
0x29: {  	_ =	swait.ge [sflag:s18], $0x50  }
0x2a: {  	[sflag:s18] =	ssyncset.done $0x0  }
0x2b: {  	[sflag:s18] =	ssyncadd.s32 $0xFFFFFFB0  }
0x2c: {  	[tilespmem:s24], [sflag:$0x1] =	stream.indirect.gather [hbm4b:s8+s23], $0x80, s21, s23, $0xb8;
	[tilespmem:$0x18A00] =	vst v63  }
0x2d: {  	_ = 	snop  }
0x2e: {  	[tilespmem:s25], [sflag:$0x2] =	stream.indirect.gather [hbm4b:s4+s23], $0x80, s20, s23, $0xb8;
	[tilespmem:$0x18A00] =	vst v63  }
0x2f: {  	_ =	swait.ge [sflag:s26], $0x2800  }
0x30: {  	[sflag:s26] =	ssyncset.done $0x0  }
0x31: {  	[sflag:s26] =	ssyncadd.s32 $0xFFFFD800  }
0x32: {  	_ =	swait.ge [sflag:s28], $0x2800  }
0x33: {  	[sflag:s28] =	ssyncset.done $0x0  }
0x34: {  	s30 =	simm.s32 $0x0;
	[sflag:s28] =	ssyncadd.s32 $0xFFFFD800  }
0x35: {  	v6 =	vld [tilespmem:s30+$0x16200]  }
0x36: {  	v11 =	vld [tilespmem:s30+$0x16210]  }
0x37: {  	v5 =	vld [tilespmem:s30+$0x16220]  }
0x38: {  	v4 =	vld [tilespmem:s30+$0x16230]  }
0x39: {  	v3 =	vld [tilespmem:s30+$0x16240]  }
0x3a: {  	v2 =	vld [tilespmem:s30+$0x16250]  }
0x3b: {  	v1 =	vld [tilespmem:s30+$0x16260]  }
0x3c: {  	v0 =	vld [tilespmem:s30+$0x16270]  }
0x3d: {  	v12 =	vld [tilespmem:s30+$0x13A00]  }
0x3e: {  	v13 =	vld [tilespmem:s30+$0x13A10]  }
0x3f: {  	v10 =	vld [tilespmem:s30+$0x13A20]  }
0x40: {  	v9 =	vld [tilespmem:s30+$0x13A30]  }
0x41: {  	v8 =	vld [tilespmem:s30+$0x13A40]  }
0x42: {  	v7 =	vld [tilespmem:s30+$0x13A50];
	v12 =	vadd.f32 v6, v12  }
0x43: {  	s31 =	simm.s32 $0x200;
	v11 =	vadd.f32 v11, v13;
	v6 =	vld [tilespmem:s30+$0x13A60]  }
.LBB2_3:
0x44: {  	s0 =	sshra.s32 s31, $0x2;
	p1 =	sne.s32 s31, $0x9E00;
	v12 =	vmax.f32 v12, $0.0e+00;
	v5 =	vadd.f32 v5, v10;
	v10 =	vld [tilespmem:s30+$0x13A70]  }
0x45: {  	v13 =	vld [tilespmem:s0+$0x16200];
	[tilespmem:s30+$0x13A00] =	vst v12;
	v11 =	vmax.f32 v11, $0.0e+00;
	v4 =	vadd.f32 v4, v9  }
0x46: {  	v14 =	vld [tilespmem:s0+$0x16210];
	[tilespmem:s30+$0x13A10] =	vst v11;
	v9 =	vmax.f32 v5, $0.0e+00;
	v3 =	vadd.f32 v3, v8  }
0x47: {  	v5 =	vld [tilespmem:s0+$0x16220];
	[tilespmem:s30+$0x13A20] =	vst v9;
	v8 =	vmax.f32 v4, $0.0e+00;
	v2 =	vadd.f32 v2, v7  }
0x48: {  	v4 =	vld [tilespmem:s0+$0x16230];
	[tilespmem:s30+$0x13A30] =	vst v8;
	v7 =	vmax.f32 v3, $0.0e+00;
	v1 =	vadd.f32 v1, v6  }
0x49: {  	v3 =	vld [tilespmem:s0+$0x16240];
	[tilespmem:s30+$0x13A40] =	vst v7;
	v6 =	vmax.f32 v2, $0.0e+00;
	v0 =	vadd.f32 v0, v10  }
0x4a: {  	v2 =	vld [tilespmem:s0+$0x16250];
	[tilespmem:s30+$0x13A50] =	vst v6;
	v6 =	vmax.f32 v1, $0.0e+00  }
0x4b: {  	v1 =	vld [tilespmem:s0+$0x16260];
	[tilespmem:s30+$0x13A60] =	vst v6;
	v6 =	vmax.f32 v0, $0.0e+00  }
0x4c: {  	v0 =	vld [tilespmem:s0+$0x16270];
	[tilespmem:s30+$0x13A70] =	vst v6;
	s30 =	smov.u32 s0  }
0x4d: {  	v6 =	vld [tilespmem:s30+$0x13A00]  }
0x4e: {  	v11 =	vld [tilespmem:s30+$0x13A10]  }
.Ltmp0:
0x4f: {  	v10 =	vld [tilespmem:s30+$0x13A20];
	(pc) =	sbr.rel @p1 .LBB2_3-.Ltmp0, $4  }
0x50: {  	v9 =	vld [tilespmem:s30+$0x13A30]  }
0x51: {  	v8 =	vld [tilespmem:s30+$0x13A40]  }
0x52: {  	v12 =	vadd.f32 v13, v6;
	v7 =	vld [tilespmem:s30+$0x13A50]  }
0x53: {  	s31 =	sadd.s32 $0x200, s31;
	v11 =	vadd.f32 v14, v11;
	v6 =	vld [tilespmem:s30+$0x13A60]  }
0x54: {  	v12 =	vmax.f32 v12, $0.0e+00;
	v5 =	vadd.f32 v5, v10;
	v63 =	vld [tilespmem:s30+$0x13A70]  }
0x55: {  	[tilespmem:s30+$0x13A00] =	vst v12;
	v11 =	vmax.f32 v11, $0.0e+00;
	v4 =	vadd.f32 v4, v9  }
0x56: {  	[tilespmem:s30+$0x13A10] =	vst v11;
	v5 =	vmax.f32 v5, $0.0e+00;
	v3 =	vadd.f32 v3, v8  }
0x57: {  	[tilespmem:s30+$0x13A20] =	vst v5;
	v4 =	vmax.f32 v4, $0.0e+00;
	v2 =	vadd.f32 v2, v7  }
0x58: {  	[tilespmem:s30+$0x13A30] =	vst v4;
	v3 =	vmax.f32 v3, $0.0e+00;
	v1 =	vadd.f32 v1, v6  }
0x59: {  	[tilespmem:s30+$0x13A40] =	vst v3;
	v2 =	vmax.f32 v2, $0.0e+00;
	v0 =	vadd.f32 v0, v63  }
0x5a: {  	s29 =	sadd.s32 $0x1, s29;
	[tilespmem:s30+$0x13A50] =	vst v2;
	v1 =	vmax.f32 v1, $0.0e+00  }
0x5b: {  	p1 =	sne.s32 s29, $0x7D;
	[tilespmem:s30+$0x13A60] =	vst v1;
	v0 =	vmax.f32 v0, $0.0e+00  }
.Ltmp1:
0x5c: {  	[tilespmem:s30+$0x13A70] =	vst v0;
	(pc) =	sbr.rel @p1 .LBB2_2-.Ltmp1, $4  }
0x5d: {  	[spmem:s1] =	stream.indirect.scatter.add.f32 [tilespmem:s24], [sflag:$0x3], $0x80, s22, s23, $0xb8;
	[tilespmem:$0x18A00] =	vst v63  }
0x5e: {  	_ =	swait.ge [sflag:s18], $0x2800  }
0x5f: {  	[sflag:s18] =	ssyncset.done $0x0  }
0x60: {  	[sflag:s18] =	ssyncadd.s32 $0xFFFFD800  }
0x61: {  	[bflag:$0x0] =	sbarrier.arrive $0xFFFF  }
0x62: {  	[hbm:s14], [sflag:s10] =	dma.local [spmem:s17], $0x2700  }
0x63: {  	s2 =	sadd.s32 $0x1, s2;
	_ =	swait.ge [sflag:s18], $0x2700  }
0x64: {  	p1 =	sne.s32 s2, s16;
	[sflag:s18] =	ssyncset.done $0x0  }
.Ltmp2:
0x65: {  	s0 =	simm.s32 @!p0 $0x3;
	[sflag:s18] =	ssyncadd.s32 $0xFFFFD900;
	(pc) =	sbr.rel @p1 .LBB2_1-.Ltmp2, $4  }
0x66: {  	[hbm:s15], [sflag:s10] =	dma.local @!p0 [spmem:s19], $0x100  }
0x67: {  	_ =	swait.ge @!p0 [sflag:s0], $0x100  }
0x68: {  	[sflag:s0] =	ssyncset.done @!p0 $0x0  }
0x69: {  	[sflag:s0] =	ssyncadd.s32 @!p0 $0xFFFFFF00  }
0x6a: {  	_ =	sfence.sel $0x180000  }
0x6b: {  	[bflag:$0x0] =	sbarrier.arrive $0xFFFF  }
0x6c: {  	_ =	strace $0x90000053  }
0x6d: {  	s0 =	stileid.u32;
	[bflag:$0x2] =	sbarrier.arrive $0xFFFF  }
0x6e: {  	p0 =	sne.s32 s0, $0x0;
	s0 =	rddreg [dreg:$0x2]  }
0x6f: {  	s0 =	sadd.s32 @!p0 $0x100000, s0  }
0x70: {  	[sflag:s0] =	ssyncadd.tile.s32 @!p0 $0x1;
	_ =	shalt  }
.Lfunc_end2:
_tile_overlayer_lowered:
.L_overlay_start_2:
0x71: {  	(tag) =	ssettag $0x2  }
0x72: {  	s0 =	rddreg [dreg:$0x0];
	s2 =	stileid.u32  }
0x73: {  	s1 =	rddreg [dreg:$0x1];
	p0 =	sne.s32 s2, $0x0  }
0x74: {  	s3 =	rddreg [dreg:$0x2];
	[bflag:$0x3] =	sbarrier.arrive $0xFFFF;
	s2 =	simm.s32 @!p0 $0x1C03  }
0x75: {  	[timem:s3], [sflag:s2] =	dma.local @!p0 [hbm:s0], s1  }
0x76: {  	s0 =	simm.s32 @!p0 $0x3  }
0x77: {  	_ =	swait.ge @!p0 [sflag:s0], s1  }
0x78: {  	s1 =	ssub.s32 @!p0 $0x0, s1;
	[sflag:s0] =	ssyncset.done @!p0 $0x0  }
0x79: {  	[sflag:s0] =	ssyncadd.s32 @!p0 s1  }
0x7a: {  	[bflag:$0x3] =	sbarrier.arrive $0xFFFF  }
0x7b: {  	_ =	shalt  }

</sc_bundles>
